<compile_context>
chip_gen: v7x
topology: tpu7x:2x2x1
jax: 0.10.2.dev20260603
libtpu: 0.0.44.dev20260713+nightly
codegen_flags: <defaults>
</compile_context>

<pallas_src>
import functools

import jax
import jax.numpy as jnp
import numpy as np
from jax import lax
from jax.experimental import pallas as pl
from jax.experimental.pallas import tpu as pltpu
from jax.experimental.pallas import tpu_sc as plsc

_N_BINS = 15
_NW = 32
_CH = 512
_SC_ROWS = 262144
_BR = 8192


def _make_sc_hist(sc_rows):
    rows_per_w = sc_rows // _NW
    nchunks = rows_per_w // _CH
    mesh = plsc.VectorSubcoreMesh(core_axis_name="c", subcore_axis_name="s")

    @functools.partial(
        pl.kernel,
        mesh=mesh,
        out_type=jax.ShapeDtypeStruct((_NW, 256), jnp.float32),
        scratch_types=[
            pltpu.VMEM((_CH * 100,), jnp.float32),
            pltpu.VMEM((_CH,), jnp.int32),
            pltpu.VMEM((256,), jnp.float32),
        ],
        compiler_params=pltpu.CompilerParams(needs_layout_passes=False),
    )
    def sc_hist(x_hbm, lab_hbm, out_hbm, xbuf, lbuf, bins):
        wid = lax.axis_index("s") * 2 + lax.axis_index("c")
        base = wid * rows_per_w
        lanes = lax.iota(jnp.int32, 16)
        zero16 = jnp.zeros((16,), jnp.float32)
        for i in range(16):
            bins[pl.ds(i * 16, 16)] = zero16

        def chunk_body(ci, _):
            row0 = base + ci * _CH
            pltpu.sync_copy(x_hbm.at[pl.ds(row0 * 100, _CH * 100)], xbuf)
            pltpu.sync_copy(lab_hbm.at[pl.ds(row0, _CH)], lbuf)

            def group_body(gi, _):
                eoff = gi * (16 * 100) + lanes * 100

                m = jnp.full((16,), -np.inf, jnp.float32)
                am = jnp.zeros((16,), jnp.int32)
                for cc in range(100):
                    v = plsc.load_gather(xbuf, [eoff + cc])
                    gt = v > m
                    m = jnp.where(gt, v, m)
                    am = jnp.where(gt, jnp.full((16,), cc, jnp.int32), am)

                s = zero16
                for cc in range(100):
                    v = plsc.load_gather(xbuf, [eoff + cc])
                    s = s + jnp.exp(v - m)
                conf = 1.0 / s
                lab = lbuf[pl.ds(gi * 16, 16)]
                accv = (am == lab).astype(jnp.float32)
                cnt = jnp.zeros((16,), jnp.int32)
                for i in range(1, 16):
                    cnt = cnt + (jnp.float32(i / 15.0) <= conf).astype(jnp.int32)
                binidx = jnp.minimum(cnt, 14)
                plsc.addupdate_scatter(bins, [binidx * 16 + lanes], conf - accv)
                return 0

            lax.fori_loop(0, _CH // 16, group_body, 0)
            return 0

        lax.fori_loop(0, nchunks, chunk_body, 0)
        pltpu.sync_copy(bins, out_hbm.at[wid])

    return sc_hist


def _tc_body(x_ref, lab_ref, eye_ref, acc_ref, *, row_off):
    pid = pl.program_id(0)

    @pl.when(pid == 0)
    def _init():
        acc_ref[...] = jnp.zeros_like(acc_ref)

    x = x_ref[...]
    br, c = x.shape
    f32 = jnp.float32
    m = jnp.max(x, axis=1, keepdims=True)
    idxf = lax.broadcasted_iota(jnp.int32, (br, c), 1).astype(f32)
    predf = jnp.min(jnp.where(x == m, idxf, f32(c)),
                    axis=1, keepdims=True)
    s = jnp.sum(jnp.exp(x - m), axis=1, keepdims=True)
    conf = 1.0 / s

    bf16 = jnp.bfloat16
    lab = lab_ref[0]
    g = br // 128
    lab_b = jnp.broadcast_to(lab.astype(bf16).reshape(g, 1, 128),
                             (g, 128, 128)).reshape(br, 128)
    eye_b = jnp.broadcast_to(eye_ref[...].reshape(1, 128, 128),
                             (g, 128, 128)).reshape(br, 128)
    pred_bf = predf.astype(bf16)
    matched = jnp.where(lab_b == pred_bf, eye_b, bf16(0))
    ones_l = jnp.ones((128, 1), bf16)
    acc = lax.dot_general(matched, ones_l, (((1,), (0,)), ((), ())),
                          preferred_element_type=f32)

    lane16 = lax.broadcasted_iota(jnp.int32, (1, 16), 1)
    lane16_f = lane16.astype(f32)
    inf = f32(np.inf)
    lo_v = jnp.where(lane16 == 0, -inf,
                     jnp.where(lane16 >= _N_BINS, inf, lane16_f / _N_BINS))
    hi_v = jnp.where(lane16 >= _N_BINS - 1, inf, (lane16_f + 1.0) / _N_BINS)
    mask = (conf >= lo_v) & (conf < hi_v)
    contrib = jnp.where(mask, conf - acc, 0.0)
    ones_r = jnp.ones((br, 1), f32)
    d = lax.dot_general(ones_r, contrib, (((0,), (0,)), ((), ())),
                        preferred_element_type=f32)
    acc_ref[0:1, :] = acc_ref[0:1, :] + d


def kernel(logits, labels):
    n, c = logits.shape
    sc_rows = _SC_ROWS
    tc_rows = n - sc_rows
    nsteps = tc_rows // _BR
    step0 = sc_rows // _BR

    sc_out = _make_sc_hist(sc_rows)(logits.reshape(n * c), labels)

    body = functools.partial(_tc_body, row_off=step0)
    tc_acc = pl.pallas_call(
        body,
        grid=(nsteps,),
        in_specs=[
            pl.BlockSpec((_BR, c), lambda i: (i + step0, 0)),
            pl.BlockSpec((1, _BR // 128, 128), lambda i: (i + step0, 0, 0)),
            pl.BlockSpec((128, 128), lambda i: (0, 0)),
        ],
        out_specs=pl.BlockSpec((8, 16), lambda i: (0, 0)),
        out_shape=jax.ShapeDtypeStruct((8, 16), jnp.float32),
        compiler_params=pltpu.CompilerParams(
            dimension_semantics=("arbitrary",),
        ),
    )(logits, labels.reshape(n // _BR, _BR // 128, 128),
      jnp.eye(128, dtype=jnp.bfloat16))

    d = (tc_acc[0, :] + sc_out.reshape(_NW, 16, 16).sum(axis=(0, 2)))
    return jnp.sum(jnp.abs(d)) / n

# --- scband reference (transcript-rebuilt; emitter-appended) ---
"""Pipeline reference for scband-ece-27264452395298 (READ-ONLY COPY).

The authoritative reference and input builder live on the scoring server;
editing this copy changes nothing except your own understanding.
"""

import jax, jax.numpy as jnp
import numpy as np

N = 1048576
C = 100
N_BINS = 15
P = 1

def setup_inputs(seed: int = 0) -> dict:
    key = jax.random.key(seed)
    k1, k2 = jax.random.split(key)
    logits = jax.random.normal(k1, (N, C), dtype=jnp.float32)
    labels = jax.random.randint(k2, (N,), 0, C, dtype=jnp.int32)
    return {"logits": logits, "labels": labels}

def reference(logits, labels):
    # F.softmax(logits, dim=1)
    softmaxes = jax.nn.softmax(logits, axis=1)
    # confidences, predictions = torch.max(softmaxes, 1)
    confidences = jnp.max(softmaxes, axis=1)
    predictions = jnp.argmax(softmaxes, axis=1)
    accuracies = (predictions == labels).astype(jnp.float32)
    # equal-width bin boundaries linspace(0, 1, n_bins + 1)
    bin_boundaries = jnp.linspace(0.0, 1.0, N_BINS + 1)
    # torch.bucketize(right=True) == searchsorted side='right'
    bin_indices = jnp.searchsorted(bin_boundaries, confidences, side='right') - 1
    bin_indices = jnp.clip(bin_indices, 0, N_BINS - 1)
    bin_counts = jnp.bincount(bin_indices, length=N_BINS).astype(jnp.float32)
    bin_acc_sums = jnp.bincount(bin_indices, weights=accuracies, length=N_BINS)
    bin_conf_sums = jnp.bincount(bin_indices, weights=confidences, length=N_BINS)
    mask = bin_counts > 0
    safe_counts = jnp.maximum(bin_counts, 1.0)
    bin_accuracies = jnp.where(mask, bin_acc_sums / safe_counts, 0.0)
    bin_avg_confs = jnp.where(mask, bin_conf_sums / safe_counts, 0.0)
    # version != 'our'
    prop_in_bin = bin_counts / confidences.shape[0]
    ece = jnp.sum(prop_in_bin * jnp.abs(bin_avg_confs - bin_accuracies) ** P)
    return ece

if __name__ == "__main__":
    import jax
    _d = setup_inputs()
    print(jax.jit(kernel)(*tuple(_d.values())))

</pallas_src>

<mosaic_0001>
#map = affine_map<(d0, d1) -> (0)>
#map1 = affine_map<(d0, d1) -> (0, 0)>
module attributes {stable_mosaic.version = 14 : i64} {
  func.func @sc_hist(%arg0: i32, %arg1: i32, %arg2: memref<104857600xf32, #tpu.memory_space<hbm>>, %arg3: memref<1048576xi32, #tpu.memory_space<hbm>>, %arg4: memref<32x256xf32, #tpu.memory_space<hbm>>, %arg5: memref<51200xf32, #tpu.memory_space<vmem>>, %arg6: memref<512xi32, #tpu.memory_space<vmem>>, %arg7: memref<256xf32, #tpu.memory_space<vmem>>) attributes {dimension_semantics = [#tpu.dimension_semantics<core_parallel>, #tpu.dimension_semantics<subcore_parallel>], iteration_bounds = array<i64: 2, 16>, scalar_prefetch = 0 : i64, scratch_operands = 3 : i64, tpu.core_type = #tpu.core_type<sc_vector_subcore>, window_params = [{transform_indices = #map}, {transform_indices = #map}, {transform_indices = #map1}]} {
    %mul3A = arith.constant 2 : i32
    %mul3A_0 = arith.muli %arg1, %mul3A : i32
    %add3A = arith.addi %mul3A_0, %arg0 : i32
    %mul3A_1 = arith.constant 8192 : i32
    %mul3A_2 = arith.muli %add3A, %mul3A_1 : i32
    %iota3A = tpu.iota {dimensions = array<i32: 0>} : vector<16xi32>
    %broadcast_in_dim3A = arith.constant 0.000000e+00 : f32
    %broadcast_in_dim3A_3 = vector.broadcast %broadcast_in_dim3A : f32 to vector<16xf32>
    %swap3A = arith.constant 0 : index
    %swap3A_4 = tpu.vector_load %arg7[%swap3A] {strides = array<i32>} : memref<256xf32, #tpu.memory_space<vmem>>, vector<16xf32>,
    tpu.vector_store %arg7[%swap3A], %broadcast_in_dim3A_3 {strides = array<i32>} : memref<256xf32, #tpu.memory_space<vmem>>, vector<16xf32>,
    %swap3A_5 = arith.constant 16 : index
    %swap3A_6 = tpu.vector_load %arg7[%swap3A_5] {strides = array<i32>} : memref<256xf32, #tpu.memory_space<vmem>>, vector<16xf32>,
    tpu.vector_store %arg7[%swap3A_5], %broadcast_in_dim3A_3 {strides = array<i32>} : memref<256xf32, #tpu.memory_space<vmem>>, vector<16xf32>,
    %swap3A_7 = arith.constant 32 : index
    %swap3A_8 = tpu.vector_load %arg7[%swap3A_7] {strides = array<i32>} : memref<256xf32, #tpu.memory_space<vmem>>, vector<16xf32>,
    tpu.vector_store %arg7[%swap3A_7], %broadcast_in_dim3A_3 {strides = array<i32>} : memref<256xf32, #tpu.memory_space<vmem>>, vector<16xf32>,
    %swap3A_9 = arith.constant 48 : index
    %swap3A_10 = tpu.vector_load %arg7[%swap3A_9] {strides = array<i32>} : memref<256xf32, #tpu.memory_space<vmem>>, vector<16xf32>,
    tpu.vector_store %arg7[%swap3A_9], %broadcast_in_dim3A_3 {strides = array<i32>} : memref<256xf32, #tpu.memory_space<vmem>>, vector<16xf32>,
    %swap3A_11 = arith.constant 64 : index
    %swap3A_12 = tpu.vector_load %arg7[%swap3A_11] {strides = array<i32>} : memref<256xf32, #tpu.memory_space<vmem>>, vector<16xf32>,
    tpu.vector_store %arg7[%swap3A_11], %broadcast_in_dim3A_3 {strides = array<i32>} : memref<256xf32, #tpu.memory_space<vmem>>, vector<16xf32>,
    %swap3A_13 = arith.constant 80 : index
    %swap3A_14 = tpu.vector_load %arg7[%swap3A_13] {strides = array<i32>} : memref<256xf32, #tpu.memory_space<vmem>>, vector<16xf32>,
    tpu.vector_store %arg7[%swap3A_13], %broadcast_in_dim3A_3 {strides = array<i32>} : memref<256xf32, #tpu.memory_space<vmem>>, vector<16xf32>,
    %swap3A_15 = arith.constant 96 : index
    %swap3A_16 = tpu.vector_load %arg7[%swap3A_15] {strides = array<i32>} : memref<256xf32, #tpu.memory_space<vmem>>, vector<16xf32>,
    tpu.vector_store %arg7[%swap3A_15], %broadcast_in_dim3A_3 {strides = array<i32>} : memref<256xf32, #tpu.memory_space<vmem>>, vector<16xf32>,
    %swap3A_17 = arith.constant 112 : index
    %swap3A_18 = tpu.vector_load %arg7[%swap3A_17] {strides = array<i32>} : memref<256xf32, #tpu.memory_space<vmem>>, vector<16xf32>,
    tpu.vector_store %arg7[%swap3A_17], %broadcast_in_dim3A_3 {strides = array<i32>} : memref<256xf32, #tpu.memory_space<vmem>>, vector<16xf32>,
    %swap3A_19 = arith.constant 128 : index
    %swap3A_20 = tpu.vector_load %arg7[%swap3A_19] {strides = array<i32>} : memref<256xf32, #tpu.memory_space<vmem>>, vector<16xf32>,
    tpu.vector_store %arg7[%swap3A_19], %broadcast_in_dim3A_3 {strides = array<i32>} : memref<256xf32, #tpu.memory_space<vmem>>, vector<16xf32>,
    %swap3A_21 = arith.constant 144 : index
    %swap3A_22 = tpu.vector_load %arg7[%swap3A_21] {strides = array<i32>} : memref<256xf32, #tpu.memory_space<vmem>>, vector<16xf32>,
    tpu.vector_store %arg7[%swap3A_21], %broadcast_in_dim3A_3 {strides = array<i32>} : memref<256xf32, #tpu.memory_space<vmem>>, vector<16xf32>,
    %swap3A_23 = arith.constant 160 : index
    %swap3A_24 = tpu.vector_load %arg7[%swap3A_23] {strides = array<i32>} : memref<256xf32, #tpu.memory_space<vmem>>, vector<16xf32>,
    tpu.vector_store %arg7[%swap3A_23], %broadcast_in_dim3A_3 {strides = array<i32>} : memref<256xf32, #tpu.memory_space<vmem>>, vector<16xf32>,
    %swap3A_25 = arith.constant 176 : index
    %swap3A_26 = tpu.vector_load %arg7[%swap3A_25] {strides = array<i32>} : memref<256xf32, #tpu.memory_space<vmem>>, vector<16xf32>,
    tpu.vector_store %arg7[%swap3A_25], %broadcast_in_dim3A_3 {strides = array<i32>} : memref<256xf32, #tpu.memory_space<vmem>>, vector<16xf32>,
    %swap3A_27 = arith.constant 192 : index
    %swap3A_28 = tpu.vector_load %arg7[%swap3A_27] {strides = array<i32>} : memref<256xf32, #tpu.memory_space<vmem>>, vector<16xf32>,
    tpu.vector_store %arg7[%swap3A_27], %broadcast_in_dim3A_3 {strides = array<i32>} : memref<256xf32, #tpu.memory_space<vmem>>, vector<16xf32>,
    %swap3A_29 = arith.constant 208 : index
    %swap3A_30 = tpu.vector_load %arg7[%swap3A_29] {strides = array<i32>} : memref<256xf32, #tpu.memory_space<vmem>>, vector<16xf32>,
    tpu.vector_store %arg7[%swap3A_29], %broadcast_in_dim3A_3 {strides = array<i32>} : memref<256xf32, #tpu.memory_space<vmem>>, vector<16xf32>,
    %swap3A_31 = arith.constant 224 : index
    %swap3A_32 = tpu.vector_load %arg7[%swap3A_31] {strides = array<i32>} : memref<256xf32, #tpu.memory_space<vmem>>, vector<16xf32>,
    tpu.vector_store %arg7[%swap3A_31], %broadcast_in_dim3A_3 {strides = array<i32>} : memref<256xf32, #tpu.memory_space<vmem>>, vector<16xf32>,
    %swap3A_33 = arith.constant 240 : index
    %swap3A_34 = tpu.vector_load %arg7[%swap3A_33] {strides = array<i32>} : memref<256xf32, #tpu.memory_space<vmem>>, vector<16xf32>,
    tpu.vector_store %arg7[%swap3A_33], %broadcast_in_dim3A_3 {strides = array<i32>} : memref<256xf32, #tpu.memory_space<vmem>>, vector<16xf32>,
    %scan3A = arith.constant 0 : i32
    %scan3A_35 = arith.constant 0 : i32
    %scan3A_36 = arith.constant 16 : i32
    %scan3A_37 = arith.addi %scan3A_35, %scan3A_36 : i32
    %scan3A_38 = arith.constant 1 : i32
    %scan3A_39 = scf.for %scan3A_41 = %scan3A_35 to %scan3A_37 step %scan3A_38 iter_args(%scan3A_42 = %scan3A) -> (i32)  : i32 {
      %mul3A_43 = arith.constant 512 : i32
      %mul3A_44 = arith.muli %scan3A_41, %mul3A_43 : i32
      %add3A_45 = arith.addi %mul3A_2, %mul3A_44 : i32
      %mul3A_46 = arith.constant 100 : i32
      %mul3A_47 = arith.muli %add3A_45, %mul3A_46 : i32
      "tpu.region"() ({
        %run_scoped3A = tpu.sem_alloc : memref<!tpu.dma_semaphore, #tpu.memory_space<semaphore_mem>>
        %dma_start3A = tpu.memref_slice %arg2[%mul3A_47] : memref<104857600xf32, #tpu.memory_space<hbm>> -> memref<51200xf32, #tpu.memory_space<hbm>>
        %dma_start3A_56 = tpu.memref_slice %arg2[%mul3A_47] : memref<104857600xf32, #tpu.memory_space<hbm>> -> memref<51200xf32, #tpu.memory_space<hbm>>
        tpu.enqueue_dma source(%dma_start3A_56 : memref<51200xf32, #tpu.memory_space<hbm>>) target(%arg5 : memref<51200xf32, #tpu.memory_space<vmem>>) target_semaphore(%run_scoped3A : memref<!tpu.dma_semaphore, #tpu.memory_space<semaphore_mem>>)
        %dma_wait3A = tpu.memref_slice %arg2[%mul3A_47] : memref<104857600xf32, #tpu.memory_space<hbm>> -> memref<51200xf32, #tpu.memory_space<hbm>>
        %dma_wait3A_57 = tpu.memref_slice %arg2[%mul3A_47] : memref<104857600xf32, #tpu.memory_space<hbm>> -> memref<51200xf32, #tpu.memory_space<hbm>>
        tpu.wait_dma2 semaphore(%run_scoped3A : memref<!tpu.dma_semaphore, #tpu.memory_space<semaphore_mem>>) src(%dma_wait3A_57 : memref<51200xf32, #tpu.memory_space<hbm>>) dst(%arg5 : memref<51200xf32, #tpu.memory_space<vmem>>)
        tpu.yield
      }) : () -> ()
      "tpu.region"() ({
        %run_scoped3A = tpu.sem_alloc : memref<!tpu.dma_semaphore, #tpu.memory_space<semaphore_mem>>
        %dma_start3A = tpu.memref_slice %arg3[%add3A_45] : memref<1048576xi32, #tpu.memory_space<hbm>> -> memref<512xi32, #tpu.memory_space<hbm>>
        %dma_start3A_56 = tpu.memref_slice %arg3[%add3A_45] : memref<1048576xi32, #tpu.memory_space<hbm>> -> memref<512xi32, #tpu.memory_space<hbm>>
        tpu.enqueue_dma source(%dma_start3A_56 : memref<512xi32, #tpu.memory_space<hbm>>) target(%arg6 : memref<512xi32, #tpu.memory_space<vmem>>) target_semaphore(%run_scoped3A : memref<!tpu.dma_semaphore, #tpu.memory_space<semaphore_mem>>)
        %dma_wait3A = tpu.memref_slice %arg3[%add3A_45] : memref<1048576xi32, #tpu.memory_space<hbm>> -> memref<512xi32, #tpu.memory_space<hbm>>
        %dma_wait3A_57 = tpu.memref_slice %arg3[%add3A_45] : memref<1048576xi32, #tpu.memory_space<hbm>> -> memref<512xi32, #tpu.memory_space<hbm>>
        tpu.wait_dma2 semaphore(%run_scoped3A : memref<!tpu.dma_semaphore, #tpu.memory_space<semaphore_mem>>) src(%dma_wait3A_57 : memref<512xi32, #tpu.memory_space<hbm>>) dst(%arg6 : memref<512xi32, #tpu.memory_space<vmem>>)
        tpu.yield
      }) : () -> ()
      %scan3A_48 = arith.constant 0 : i32
      %scan3A_49 = arith.constant 0 : i32
      %scan3A_50 = arith.constant 32 : i32
      %scan3A_51 = arith.addi %scan3A_49, %scan3A_50 : i32
      %scan3A_52 = arith.constant 1 : i32
      %scan3A_53 = scf.for %scan3A_56 = %scan3A_49 to %scan3A_51 step %scan3A_52 iter_args(%scan3A_57 = %scan3A_48) -> (i32)  : i32 {
        %mul3A_58 = arith.constant 1600 : i32
        %mul3A_59 = arith.muli %scan3A_56, %mul3A_58 : i32
        %mul3A_60 = arith.constant 100 : i32
        %mul3A_61 = vector.broadcast %mul3A_60 : i32 to vector<16xi32>
        %mul3A_62 = arith.muli %iota3A, %mul3A_61 : vector<16xi32>
        %add3A_63 = vector.broadcast %mul3A_59 : i32 to vector<16xi32>
        %add3A_64 = arith.addi %add3A_63, %mul3A_62 : vector<16xi32>
        %broadcast_in_dim3A_65 = arith.constant 0xFF800000 : f32
        %broadcast_in_dim3A_66 = vector.broadcast %broadcast_in_dim3A_65 : f32 to vector<16xf32>
        %broadcast_in_dim3A_67 = arith.constant 0 : i32
        %broadcast_in_dim3A_68 = vector.broadcast %broadcast_in_dim3A_67 : i32 to vector<16xi32>
        %add3A_69 = arith.constant 0 : i32
        %add3A_70 = vector.broadcast %add3A_69 : i32 to vector<16xi32>
        %add3A_71 = arith.addi %add3A_64, %add3A_70 : vector<16xi32>
        %gather3A = tpu.vector_load_idx %arg5[%add3A_71] : memref<51200xf32, #tpu.memory_space<vmem>>[vector<16xi32>], vector<16xf32>,
        %gt3A = arith.cmpf ogt, %gather3A, %broadcast_in_dim3A_66 : vector<16xf32>
        %select_n3A = arith.select %gt3A, %gather3A, %broadcast_in_dim3A_66 : vector<16xi1>, vector<16xf32>
        %broadcast_in_dim3A_72 = arith.constant 0 : i32
        %broadcast_in_dim3A_73 = vector.broadcast %broadcast_in_dim3A_72 : i32 to vector<16xi32>
        %select_n3A_74 = arith.select %gt3A, %broadcast_in_dim3A_73, %broadcast_in_dim3A_68 : vector<16xi1>, vector<16xi32>
        %add3A_75 = arith.constant 1 : i32
        %add3A_76 = vector.broadcast %add3A_75 : i32 to vector<16xi32>
        %add3A_77 = arith.addi %add3A_64, %add3A_76 : vector<16xi32>
        %gather3A_78 = tpu.vector_load_idx %arg5[%add3A_77] : memref<51200xf32, #tpu.memory_space<vmem>>[vector<16xi32>], vector<16xf32>,
        %gt3A_79 = arith.cmpf ogt, %gather3A_78, %select_n3A : vector<16xf32>
        %select_n3A_80 = arith.select %gt3A_79, %gather3A_78, %select_n3A : vector<16xi1>, vector<16xf32>
        %broadcast_in_dim3A_81 = arith.constant 1 : i32
        %broadcast_in_dim3A_82 = vector.broadcast %broadcast_in_dim3A_81 : i32 to vector<16xi32>
        %select_n3A_83 = arith.select %gt3A_79, %broadcast_in_dim3A_82, %select_n3A_74 : vector<16xi1>, vector<16xi32>
        %add3A_84 = arith.constant 2 : i32
        %add3A_85 = vector.broadcast %add3A_84 : i32 to vector<16xi32>
        %add3A_86 = arith.addi %add3A_64, %add3A_85 : vector<16xi32>
        %gather3A_87 = tpu.vector_load_idx %arg5[%add3A_86] : memref<51200xf32, #tpu.memory_space<vmem>>[vector<16xi32>], vector<16xf32>,
        %gt3A_88 = arith.cmpf ogt, %gather3A_87, %select_n3A_80 : vector<16xf32>
        %select_n3A_89 = arith.select %gt3A_88, %gather3A_87, %select_n3A_80 : vector<16xi1>, vector<16xf32>
        %broadcast_in_dim3A_90 = arith.constant 2 : i32
        %broadcast_in_dim3A_91 = vector.broadcast %broadcast_in_dim3A_90 : i32 to vector<16xi32>
        %select_n3A_92 = arith.select %gt3A_88, %broadcast_in_dim3A_91, %select_n3A_83 : vector<16xi1>, vector<16xi32>
        %add3A_93 = arith.constant 3 : i32
        %add3A_94 = vector.broadcast %add3A_93 : i32 to vector<16xi32>
        %add3A_95 = arith.addi %add3A_64, %add3A_94 : vector<16xi32>
        %gather3A_96 = tpu.vector_load_idx %arg5[%add3A_95] : memref<51200xf32, #tpu.memory_space<vmem>>[vector<16xi32>], vector<16xf32>,
        %gt3A_97 = arith.cmpf ogt, %gather3A_96, %select_n3A_89 : vector<16xf32>
        %select_n3A_98 = arith.select %gt3A_97, %gather3A_96, %select_n3A_89 : vector<16xi1>, vector<16xf32>
        %broadcast_in_dim3A_99 = arith.constant 3 : i32
        %broadcast_in_dim3A_100 = vector.broadcast %broadcast_in_dim3A_99 : i32 to vector<16xi32>
        %select_n3A_101 = arith.select %gt3A_97, %broadcast_in_dim3A_100, %select_n3A_92 : vector<16xi1>, vector<16xi32>
        %add3A_102 = arith.constant 4 : i32
        %add3A_103 = vector.broadcast %add3A_102 : i32 to vector<16xi32>
        %add3A_104 = arith.addi %add3A_64, %add3A_103 : vector<16xi32>
        %gather3A_105 = tpu.vector_load_idx %arg5[%add3A_104] : memref<51200xf32, #tpu.memory_space<vmem>>[vector<16xi32>], vector<16xf32>,
        %gt3A_106 = arith.cmpf ogt, %gather3A_105, %select_n3A_98 : vector<16xf32>
        %select_n3A_107 = arith.select %gt3A_106, %gather3A_105, %select_n3A_98 : vector<16xi1>, vector<16xf32>
        %broadcast_in_dim3A_108 = arith.constant 4 : i32
        %broadcast_in_dim3A_109 = vector.broadcast %broadcast_in_dim3A_108 : i32 to vector<16xi32>
        %select_n3A_110 = arith.select %gt3A_106, %broadcast_in_dim3A_109, %select_n3A_101 : vector<16xi1>, vector<16xi32>
        %add3A_111 = arith.constant 5 : i32
        %add3A_112 = vector.broadcast %add3A_111 : i32 to vector<16xi32>
        %add3A_113 = arith.addi %add3A_64, %add3A_112 : vector<16xi32>
        %gather3A_114 = tpu.vector_load_idx %arg5[%add3A_113] : memref<51200xf32, #tpu.memory_space<vmem>>[vector<16xi32>], vector<16xf32>,
        %gt3A_115 = arith.cmpf ogt, %gather3A_114, %select_n3A_107 : vector<16xf32>
        %select_n3A_116 = arith.select %gt3A_115, %gather3A_114, %select_n3A_107 : vector<16xi1>, vector<16xf32>
        %broadcast_in_dim3A_117 = arith.constant 5 : i32
        %broadcast_in_dim3A_118 = vector.broadcast %broadcast_in_dim3A_117 : i32 to vector<16xi32>
        %select_n3A_119 = arith.select %gt3A_115, %broadcast_in_dim3A_118, %select_n3A_110 : vector<16xi1>, vector<16xi32>
        %add3A_120 = arith.constant 6 : i32
        %add3A_121 = vector.broadcast %add3A_120 : i32 to vector<16xi32>
        %add3A_122 = arith.addi %add3A_64, %add3A_121 : vector<16xi32>
        %gather3A_123 = tpu.vector_load_idx %arg5[%add3A_122] : memref<51200xf32, #tpu.memory_space<vmem>>[vector<16xi32>], vector<16xf32>,
        %gt3A_124 = arith.cmpf ogt, %gather3A_123, %select_n3A_116 : vector<16xf32>
        %select_n3A_125 = arith.select %gt3A_124, %gather3A_123, %select_n3A_116 : vector<16xi1>, vector<16xf32>
        %broadcast_in_dim3A_126 = arith.constant 6 : i32
        %broadcast_in_dim3A_127 = vector.broadcast %broadcast_in_dim3A_126 : i32 to vector<16xi32>
        %select_n3A_128 = arith.select %gt3A_124, %broadcast_in_dim3A_127, %select_n3A_119 : vector<16xi1>, vector<16xi32>
        %add3A_129 = arith.constant 7 : i32
        %add3A_130 = vector.broadcast %add3A_129 : i32 to vector<16xi32>
        %add3A_131 = arith.addi %add3A_64, %add3A_130 : vector<16xi32>
        %gather3A_132 = tpu.vector_load_idx %arg5[%add3A_131] : memref<51200xf32, #tpu.memory_space<vmem>>[vector<16xi32>], vector<16xf32>,
        %gt3A_133 = arith.cmpf ogt, %gather3A_132, %select_n3A_125 : vector<16xf32>
        %select_n3A_134 = arith.select %gt3A_133, %gather3A_132, %select_n3A_125 : vector<16xi1>, vector<16xf32>
        %broadcast_in_dim3A_135 = arith.constant 7 : i32
        %broadcast_in_dim3A_136 = vector.broadcast %broadcast_in_dim3A_135 : i32 to vector<16xi32>
        %select_n3A_137 = arith.select %gt3A_133, %broadcast_in_dim3A_136, %select_n3A_128 : vector<16xi1>, vector<16xi32>
        %add3A_138 = arith.constant 8 : i32
        %add3A_139 = vector.broadcast %add3A_138 : i32 to vector<16xi32>
        %add3A_140 = arith.addi %add3A_64, %add3A_139 : vector<16xi32>
        %gather3A_141 = tpu.vector_load_idx %arg5[%add3A_140] : memref<51200xf32, #tpu.memory_space<vmem>>[vector<16xi32>], vector<16xf32>,
        %gt3A_142 = arith.cmpf ogt, %gather3A_141, %select_n3A_134 : vector<16xf32>
        %select_n3A_143 = arith.select %gt3A_142, %gather3A_141, %select_n3A_134 : vector<16xi1>, vector<16xf32>
        %broadcast_in_dim3A_144 = arith.constant 8 : i32
        %broadcast_in_dim3A_145 = vector.broadcast %broadcast_in_dim3A_144 : i32 to vector<16xi32>
        %select_n3A_146 = arith.select %gt3A_142, %broadcast_in_dim3A_145, %select_n3A_137 : vector<16xi1>, vector<16xi32>
        %add3A_147 = arith.constant 9 : i32
        %add3A_148 = vector.broadcast %add3A_147 : i32 to vector<16xi32>
        %add3A_149 = arith.addi %add3A_64, %add3A_148 : vector<16xi32>
        %gather3A_150 = tpu.vector_load_idx %arg5[%add3A_149] : memref<51200xf32, #tpu.memory_space<vmem>>[vector<16xi32>], vector<16xf32>,
        %gt3A_151 = arith.cmpf ogt, %gather3A_150, %select_n3A_143 : vector<16xf32>
        %select_n3A_152 = arith.select %gt3A_151, %gather3A_150, %select_n3A_143 : vector<16xi1>, vector<16xf32>
        %broadcast_in_dim3A_153 = arith.constant 9 : i32
        %broadcast_in_dim3A_154 = vector.broadcast %broadcast_in_dim3A_153 : i32 to vector<16xi32>
        %select_n3A_155 = arith.select %gt3A_151, %broadcast_in_dim3A_154, %select_n3A_146 : vector<16xi1>, vector<16xi32>
        %add3A_156 = arith.constant 10 : i32
        %add3A_157 = vector.broadcast %add3A_156 : i32 to vector<16xi32>
        %add3A_158 = arith.addi %add3A_64, %add3A_157 : vector<16xi32>
        %gather3A_159 = tpu.vector_load_idx %arg5[%add3A_158] : memref<51200xf32, #tpu.memory_space<vmem>>[vector<16xi32>], vector<16xf32>,
        %gt3A_160 = arith.cmpf ogt, %gather3A_159, %select_n3A_152 : vector<16xf32>
        %select_n3A_161 = arith.select %gt3A_160, %gather3A_159, %select_n3A_152 : vector<16xi1>, vector<16xf32>
        %broadcast_in_dim3A_162 = arith.constant 10 : i32
        %broadcast_in_dim3A_163 = vector.broadcast %broadcast_in_dim3A_162 : i32 to vector<16xi32>
        %select_n3A_164 = arith.select %gt3A_160, %broadcast_in_dim3A_163, %select_n3A_155 : vector<16xi1>, vector<16xi32>
        %add3A_165 = arith.constant 11 : i32
        %add3A_166 = vector.broadcast %add3A_165 : i32 to vector<16xi32>
        %add3A_167 = arith.addi %add3A_64, %add3A_166 : vector<16xi32>
        %gather3A_168 = tpu.vector_load_idx %arg5[%add3A_167] : memref<51200xf32, #tpu.memory_space<vmem>>[vector<16xi32>], vector<16xf32>,
        %gt3A_169 = arith.cmpf ogt, %gather3A_168, %select_n3A_161 : vector<16xf32>
        %select_n3A_170 = arith.select %gt3A_169, %gather3A_168, %select_n3A_161 : vector<16xi1>, vector<16xf32>
        %broadcast_in_dim3A_171 = arith.constant 11 : i32
        %broadcast_in_dim3A_172 = vector.broadcast %broadcast_in_dim3A_171 : i32 to vector<16xi32>
        %select_n3A_173 = arith.select %gt3A_169, %broadcast_in_dim3A_172, %select_n3A_164 : vector<16xi1>, vector<16xi32>
        %add3A_174 = arith.constant 12 : i32
        %add3A_175 = vector.broadcast %add3A_174 : i32 to vector<16xi32>
        %add3A_176 = arith.addi %add3A_64, %add3A_175 : vector<16xi32>
        %gather3A_177 = tpu.vector_load_idx %arg5[%add3A_176] : memref<51200xf32, #tpu.memory_space<vmem>>[vector<16xi32>], vector<16xf32>,
        %gt3A_178 = arith.cmpf ogt, %gather3A_177, %select_n3A_170 : vector<16xf32>
        %select_n3A_179 = arith.select %gt3A_178, %gather3A_177, %select_n3A_170 : vector<16xi1>, vector<16xf32>
        %broadcast_in_dim3A_180 = arith.constant 12 : i32
        %broadcast_in_dim3A_181 = vector.broadcast %broadcast_in_dim3A_180 : i32 to vector<16xi32>
        %select_n3A_182 = arith.select %gt3A_178, %broadcast_in_dim3A_181, %select_n3A_173 : vector<16xi1>, vector<16xi32>
        %add3A_183 = arith.constant 13 : i32
        %add3A_184 = vector.broadcast %add3A_183 : i32 to vector<16xi32>
        %add3A_185 = arith.addi %add3A_64, %add3A_184 : vector<16xi32>
        %gather3A_186 = tpu.vector_load_idx %arg5[%add3A_185] : memref<51200xf32, #tpu.memory_space<vmem>>[vector<16xi32>], vector<16xf32>,
        %gt3A_187 = arith.cmpf ogt, %gather3A_186, %select_n3A_179 : vector<16xf32>
        %select_n3A_188 = arith.select %gt3A_187, %gather3A_186, %select_n3A_179 : vector<16xi1>, vector<16xf32>
        %broadcast_in_dim3A_189 = arith.constant 13 : i32
        %broadcast_in_dim3A_190 = vector.broadcast %broadcast_in_dim3A_189 : i32 to vector<16xi32>
        %select_n3A_191 = arith.select %gt3A_187, %broadcast_in_dim3A_190, %select_n3A_182 : vector<16xi1>, vector<16xi32>
        %add3A_192 = arith.constant 14 : i32
        %add3A_193 = vector.broadcast %add3A_192 : i32 to vector<16xi32>
        %add3A_194 = arith.addi %add3A_64, %add3A_193 : vector<16xi32>
        %gather3A_195 = tpu.vector_load_idx %arg5[%add3A_194] : memref<51200xf32, #tpu.memory_space<vmem>>[vector<16xi32>], vector<16xf32>,
        %gt3A_196 = arith.cmpf ogt, %gather3A_195, %select_n3A_188 : vector<16xf32>
        %select_n3A_197 = arith.select %gt3A_196, %gather3A_195, %select_n3A_188 : vector<16xi1>, vector<16xf32>
        %broadcast_in_dim3A_198 = arith.constant 14 : i32
        %broadcast_in_dim3A_199 = vector.broadcast %broadcast_in_dim3A_198 : i32 to vector<16xi32>
        %select_n3A_200 = arith.select %gt3A_196, %broadcast_in_dim3A_199, %select_n3A_191 : vector<16xi1>, vector<16xi32>
        %add3A_201 = arith.constant 15 : i32
        %add3A_202 = vector.broadcast %add3A_201 : i32 to vector<16xi32>
        %add3A_203 = arith.addi %add3A_64, %add3A_202 : vector<16xi32>
        %gather3A_204 = tpu.vector_load_idx %arg5[%add3A_203] : memref<51200xf32, #tpu.memory_space<vmem>>[vector<16xi32>], vector<16xf32>,
        %gt3A_205 = arith.cmpf ogt, %gather3A_204, %select_n3A_197 : vector<16xf32>
        %select_n3A_206 = arith.select %gt3A_205, %gather3A_204, %select_n3A_197 : vector<16xi1>, vector<16xf32>
        %broadcast_in_dim3A_207 = arith.constant 15 : i32
        %broadcast_in_dim3A_208 = vector.broadcast %broadcast_in_dim3A_207 : i32 to vector<16xi32>
        %select_n3A_209 = arith.select %gt3A_205, %broadcast_in_dim3A_208, %select_n3A_200 : vector<16xi1>, vector<16xi32>
        %add3A_210 = arith.constant 16 : i32
        %add3A_211 = vector.broadcast %add3A_210 : i32 to vector<16xi32>
        %add3A_212 = arith.addi %add3A_64, %add3A_211 : vector<16xi32>
        %gather3A_213 = tpu.vector_load_idx %arg5[%add3A_212] : memref<51200xf32, #tpu.memory_space<vmem>>[vector<16xi32>], vector<16xf32>,
        %gt3A_214 = arith.cmpf ogt, %gather3A_213, %select_n3A_206 : vector<16xf32>
        %select_n3A_215 = arith.select %gt3A_214, %gather3A_213, %select_n3A_206 : vector<16xi1>, vector<16xf32>
        %broadcast_in_dim3A_216 = arith.constant 16 : i32
        %broadcast_in_dim3A_217 = vector.broadcast %broadcast_in_dim3A_216 : i32 to vector<16xi32>
        %select_n3A_218 = arith.select %gt3A_214, %broadcast_in_dim3A_217, %select_n3A_209 : vector<16xi1>, vector<16xi32>
        %add3A_219 = arith.constant 17 : i32
        %add3A_220 = vector.broadcast %add3A_219 : i32 to vector<16xi32>
        %add3A_221 = arith.addi %add3A_64, %add3A_220 : vector<16xi32>
        %gather3A_222 = tpu.vector_load_idx %arg5[%add3A_221] : memref<51200xf32, #tpu.memory_space<vmem>>[vector<16xi32>], vector<16xf32>,
        %gt3A_223 = arith.cmpf ogt, %gather3A_222, %select_n3A_215 : vector<16xf32>
        %select_n3A_224 = arith.select %gt3A_223, %gather3A_222, %select_n3A_215 : vector<16xi1>, vector<16xf32>
        %broadcast_in_dim3A_225 = arith.constant 17 : i32
        %broadcast_in_dim3A_226 = vector.broadcast %broadcast_in_dim3A_225 : i32 to vector<16xi32>
        %select_n3A_227 = arith.select %gt3A_223, %broadcast_in_dim3A_226, %select_n3A_218 : vector<16xi1>, vector<16xi32>
        %add3A_228 = arith.constant 18 : i32
        %add3A_229 = vector.broadcast %add3A_228 : i32 to vector<16xi32>
        %add3A_230 = arith.addi %add3A_64, %add3A_229 : vector<16xi32>
        %gather3A_231 = tpu.vector_load_idx %arg5[%add3A_230] : memref<51200xf32, #tpu.memory_space<vmem>>[vector<16xi32>], vector<16xf32>,
        %gt3A_232 = arith.cmpf ogt, %gather3A_231, %select_n3A_224 : vector<16xf32>
        %select_n3A_233 = arith.select %gt3A_232, %gather3A_231, %select_n3A_224 : vector<16xi1>, vector<16xf32>
        %broadcast_in_dim3A_234 = arith.constant 18 : i32
        %broadcast_in_dim3A_235 = vector.broadcast %broadcast_in_dim3A_234 : i32 to vector<16xi32>
        %select_n3A_236 = arith.select %gt3A_232, %broadcast_in_dim3A_235, %select_n3A_227 : vector<16xi1>, vector<16xi32>
        %add3A_237 = arith.constant 19 : i32
        %add3A_238 = vector.broadcast %add3A_237 : i32 to vector<16xi32>
        %add3A_239 = arith.addi %add3A_64, %add3A_238 : vector<16xi32>
        %gather3A_240 = tpu.vector_load_idx %arg5[%add3A_239] : memref<51200xf32, #tpu.memory_space<vmem>>[vector<16xi32>], vector<16xf32>,
        %gt3A_241 = arith.cmpf ogt, %gather3A_240, %select_n3A_233 : vector<16xf32>
        %select_n3A_242 = arith.select %gt3A_241, %gather3A_240, %select_n3A_233 : vector<16xi1>, vector<16xf32>
        %broadcast_in_dim3A_243 = arith.constant 19 : i32
        %broadcast_in_dim3A_244 = vector.broadcast %broadcast_in_dim3A_243 : i32 to vector<16xi32>
        %select_n3A_245 = arith.select %gt3A_241, %broadcast_in_dim3A_244, %select_n3A_236 : vector<16xi1>, vector<16xi32>
        %add3A_246 = arith.constant 20 : i32
        %add3A_247 = vector.broadcast %add3A_246 : i32 to vector<16xi32>
        %add3A_248 = arith.addi %add3A_64, %add3A_247 : vector<16xi32>
        %gather3A_249 = tpu.vector_load_idx %arg5[%add3A_248] : memref<51200xf32, #tpu.memory_space<vmem>>[vector<16xi32>], vector<16xf32>,
        %gt3A_250 = arith.cmpf ogt, %gather3A_249, %select_n3A_242 : vector<16xf32>
        %select_n3A_251 = arith.select %gt3A_250, %gather3A_249, %select_n3A_242 : vector<16xi1>, vector<16xf32>
        %broadcast_in_dim3A_252 = arith.constant 20 : i32
        %broadcast_in_dim3A_253 = vector.broadcast %broadcast_in_dim3A_252 : i32 to vector<16xi32>
        %select_n3A_254 = arith.select %gt3A_250, %broadcast_in_dim3A_253, %select_n3A_245 : vector<16xi1>, vector<16xi32>
        %add3A_255 = arith.constant 21 : i32
        %add3A_256 = vector.broadcast %add3A_255 : i32 to vector<16xi32>
        %add3A_257 = arith.addi %add3A_64, %add3A_256 : vector<16xi32>
        %gather3A_258 = tpu.vector_load_idx %arg5[%add3A_257] : memref<51200xf32, #tpu.memory_space<vmem>>[vector<16xi32>], vector<16xf32>,
        %gt3A_259 = arith.cmpf ogt, %gather3A_258, %select_n3A_251 : vector<16xf32>
        %select_n3A_260 = arith.select %gt3A_259, %gather3A_258, %select_n3A_251 : vector<16xi1>, vector<16xf32>
        %broadcast_in_dim3A_261 = arith.constant 21 : i32
        %broadcast_in_dim3A_262 = vector.broadcast %broadcast_in_dim3A_261 : i32 to vector<16xi32>
        %select_n3A_263 = arith.select %gt3A_259, %broadcast_in_dim3A_262, %select_n3A_254 : vector<16xi1>, vector<16xi32>
        %add3A_264 = arith.constant 22 : i32
        %add3A_265 = vector.broadcast %add3A_264 : i32 to vector<16xi32>
        %add3A_266 = arith.addi %add3A_64, %add3A_265 : vector<16xi32>
        %gather3A_267 = tpu.vector_load_idx %arg5[%add3A_266] : memref<51200xf32, #tpu.memory_space<vmem>>[vector<16xi32>], vector<16xf32>,
        %gt3A_268 = arith.cmpf ogt, %gather3A_267, %select_n3A_260 : vector<16xf32>
        %select_n3A_269 = arith.select %gt3A_268, %gather3A_267, %select_n3A_260 : vector<16xi1>, vector<16xf32>
        %broadcast_in_dim3A_270 = arith.constant 22 : i32
        %broadcast_in_dim3A_271 = vector.broadcast %broadcast_in_dim3A_270 : i32 to vector<16xi32>
        %select_n3A_272 = arith.select %gt3A_268, %broadcast_in_dim3A_271, %select_n3A_263 : vector<16xi1>, vector<16xi32>
        %add3A_273 = arith.constant 23 : i32
        %add3A_274 = vector.broadcast %add3A_273 : i32 to vector<16xi32>
        %add3A_275 = arith.addi %add3A_64, %add3A_274 : vector<16xi32>
        %gather3A_276 = tpu.vector_load_idx %arg5[%add3A_275] : memref<51200xf32, #tpu.memory_space<vmem>>[vector<16xi32>], vector<16xf32>,
        %gt3A_277 = arith.cmpf ogt, %gather3A_276, %select_n3A_269 : vector<16xf32>
        %select_n3A_278 = arith.select %gt3A_277, %gather3A_276, %select_n3A_269 : vector<16xi1>, vector<16xf32>
        %broadcast_in_dim3A_279 = arith.constant 23 : i32
        %broadcast_in_dim3A_280 = vector.broadcast %broadcast_in_dim3A_279 : i32 to vector<16xi32>
        %select_n3A_281 = arith.select %gt3A_277, %broadcast_in_dim3A_280, %select_n3A_272 : vector<16xi1>, vector<16xi32>
        %add3A_282 = arith.constant 24 : i32
        %add3A_283 = vector.broadcast %add3A_282 : i32 to vector<16xi32>
        %add3A_284 = arith.addi %add3A_64, %add3A_283 : vector<16xi32>
        %gather3A_285 = tpu.vector_load_idx %arg5[%add3A_284] : memref<51200xf32, #tpu.memory_space<vmem>>[vector<16xi32>], vector<16xf32>,
        %gt3A_286 = arith.cmpf ogt, %gather3A_285, %select_n3A_278 : vector<16xf32>
        %select_n3A_287 = arith.select %gt3A_286, %gather3A_285, %select_n3A_278 : vector<16xi1>, vector<16xf32>
        %broadcast_in_dim3A_288 = arith.constant 24 : i32
        %broadcast_in_dim3A_289 = vector.broadcast %broadcast_in_dim3A_288 : i32 to vector<16xi32>
        %select_n3A_290 = arith.select %gt3A_286, %broadcast_in_dim3A_289, %select_n3A_281 : vector<16xi1>, vector<16xi32>
        %add3A_291 = arith.constant 25 : i32
        %add3A_292 = vector.broadcast %add3A_291 : i32 to vector<16xi32>
        %add3A_293 = arith.addi %add3A_64, %add3A_292 : vector<16xi32>
        %gather3A_294 = tpu.vector_load_idx %arg5[%add3A_293] : memref<51200xf32, #tpu.memory_space<vmem>>[vector<16xi32>], vector<16xf32>,
        %gt3A_295 = arith.cmpf ogt, %gather3A_294, %select_n3A_287 : vector<16xf32>
        %select_n3A_296 = arith.select %gt3A_295, %gather3A_294, %select_n3A_287 : vector<16xi1>, vector<16xf32>
        %broadcast_in_dim3A_297 = arith.constant 25 : i32
        %broadcast_in_dim3A_298 = vector.broadcast %broadcast_in_dim3A_297 : i32 to vector<16xi32>
        %select_n3A_299 = arith.select %gt3A_295, %broadcast_in_dim3A_298, %select_n3A_290 : vector<16xi1>, vector<16xi32>
        %add3A_300 = arith.constant 26 : i32
        %add3A_301 = vector.broadcast %add3A_300 : i32 to vector<16xi32>
        %add3A_302 = arith.addi %add3A_64, %add3A_301 : vector<16xi32>
        %gather3A_303 = tpu.vector_load_idx %arg5[%add3A_302] : memref<51200xf32, #tpu.memory_space<vmem>>[vector<16xi32>], vector<16xf32>,
        %gt3A_304 = arith.cmpf ogt, %gather3A_303, %select_n3A_296 : vector<16xf32>
        %select_n3A_305 = arith.select %gt3A_304, %gather3A_303, %select_n3A_296 : vector<16xi1>, vector<16xf32>
        %broadcast_in_dim3A_306 = arith.constant 26 : i32
        %broadcast_in_dim3A_307 = vector.broadcast %broadcast_in_dim3A_306 : i32 to vector<16xi32>
        %select_n3A_308 = arith.select %gt3A_304, %broadcast_in_dim3A_307, %select_n3A_299 : vector<16xi1>, vector<16xi32>
        %add3A_309 = arith.constant 27 : i32
        %add3A_310 = vector.broadcast %add3A_309 : i32 to vector<16xi32>
        %add3A_311 = arith.addi %add3A_64, %add3A_310 : vector<16xi32>
        %gather3A_312 = tpu.vector_load_idx %arg5[%add3A_311] : memref<51200xf32, #tpu.memory_space<vmem>>[vector<16xi32>], vector<16xf32>,
        %gt3A_313 = arith.cmpf ogt, %gather3A_312, %select_n3A_305 : vector<16xf32>
        %select_n3A_314 = arith.select %gt3A_313, %gather3A_312, %select_n3A_305 : vector<16xi1>, vector<16xf32>
        %broadcast_in_dim3A_315 = arith.constant 27 : i32
        %broadcast_in_dim3A_316 = vector.broadcast %broadcast_in_dim3A_315 : i32 to vector<16xi32>
        %select_n3A_317 = arith.select %gt3A_313, %broadcast_in_dim3A_316, %select_n3A_308 : vector<16xi1>, vector<16xi32>
        %add3A_318 = arith.constant 28 : i32
        %add3A_319 = vector.broadcast %add3A_318 : i32 to vector<16xi32>
        %add3A_320 = arith.addi %add3A_64, %add3A_319 : vector<16xi32>
        %gather3A_321 = tpu.vector_load_idx %arg5[%add3A_320] : memref<51200xf32, #tpu.memory_space<vmem>>[vector<16xi32>], vector<16xf32>,
        %gt3A_322 = arith.cmpf ogt, %gather3A_321, %select_n3A_314 : vector<16xf32>
        %select_n3A_323 = arith.select %gt3A_322, %gather3A_321, %select_n3A_314 : vector<16xi1>, vector<16xf32>
        %broadcast_in_dim3A_324 = arith.constant 28 : i32
        %broadcast_in_dim3A_325 = vector.broadcast %broadcast_in_dim3A_324 : i32 to vector<16xi32>
        %select_n3A_326 = arith.select %gt3A_322, %broadcast_in_dim3A_325, %select_n3A_317 : vector<16xi1>, vector<16xi32>
        %add3A_327 = arith.constant 29 : i32
        %add3A_328 = vector.broadcast %add3A_327 : i32 to vector<16xi32>
        %add3A_329 = arith.addi %add3A_64, %add3A_328 : vector<16xi32>
        %gather3A_330 = tpu.vector_load_idx %arg5[%add3A_329] : memref<51200xf32, #tpu.memory_space<vmem>>[vector<16xi32>], vector<16xf32>,
        %gt3A_331 = arith.cmpf ogt, %gather3A_330, %select_n3A_323 : vector<16xf32>
        %select_n3A_332 = arith.select %gt3A_331, %gather3A_330, %select_n3A_323 : vector<16xi1>, vector<16xf32>
        %broadcast_in_dim3A_333 = arith.constant 29 : i32
        %broadcast_in_dim3A_334 = vector.broadcast %broadcast_in_dim3A_333 : i32 to vector<16xi32>
        %select_n3A_335 = arith.select %gt3A_331, %broadcast_in_dim3A_334, %select_n3A_326 : vector<16xi1>, vector<16xi32>
        %add3A_336 = arith.constant 30 : i32
        %add3A_337 = vector.broadcast %add3A_336 : i32 to vector<16xi32>
        %add3A_338 = arith.addi %add3A_64, %add3A_337 : vector<16xi32>
        %gather3A_339 = tpu.vector_load_idx %arg5[%add3A_338] : memref<51200xf32, #tpu.memory_space<vmem>>[vector<16xi32>], vector<16xf32>,
        %gt3A_340 = arith.cmpf ogt, %gather3A_339, %select_n3A_332 : vector<16xf32>
        %select_n3A_341 = arith.select %gt3A_340, %gather3A_339, %select_n3A_332 : vector<16xi1>, vector<16xf32>
        %broadcast_in_dim3A_342 = arith.constant 30 : i32
        %broadcast_in_dim3A_343 = vector.broadcast %broadcast_in_dim3A_342 : i32 to vector<16xi32>
        %select_n3A_344 = arith.select %gt3A_340, %broadcast_in_dim3A_343, %select_n3A_335 : vector<16xi1>, vector<16xi32>
        %add3A_345 = arith.constant 31 : i32
        %add3A_346 = vector.broadcast %add3A_345 : i32 to vector<16xi32>
        %add3A_347 = arith.addi %add3A_64, %add3A_346 : vector<16xi32>
        %gather3A_348 = tpu.vector_load_idx %arg5[%add3A_347] : memref<51200xf32, #tpu.memory_space<vmem>>[vector<16xi32>], vector<16xf32>,
        %gt3A_349 = arith.cmpf ogt, %gather3A_348, %select_n3A_341 : vector<16xf32>
        %select_n3A_350 = arith.select %gt3A_349, %gather3A_348, %select_n3A_341 : vector<16xi1>, vector<16xf32>
        %broadcast_in_dim3A_351 = arith.constant 31 : i32
        %broadcast_in_dim3A_352 = vector.broadcast %broadcast_in_dim3A_351 : i32 to vector<16xi32>
        %select_n3A_353 = arith.select %gt3A_349, %broadcast_in_dim3A_352, %select_n3A_344 : vector<16xi1>, vector<16xi32>
        %add3A_354 = arith.constant 32 : i32
        %add3A_355 = vector.broadcast %add3A_354 : i32 to vector<16xi32>
        %add3A_356 = arith.addi %add3A_64, %add3A_355 : vector<16xi32>
        %gather3A_357 = tpu.vector_load_idx %arg5[%add3A_356] : memref<51200xf32, #tpu.memory_space<vmem>>[vector<16xi32>], vector<16xf32>,
        %gt3A_358 = arith.cmpf ogt, %gather3A_357, %select_n3A_350 : vector<16xf32>
        %select_n3A_359 = arith.select %gt3A_358, %gather3A_357, %select_n3A_350 : vector<16xi1>, vector<16xf32>
        %broadcast_in_dim3A_360 = arith.constant 32 : i32
        %broadcast_in_dim3A_361 = vector.broadcast %broadcast_in_dim3A_360 : i32 to vector<16xi32>
        %select_n3A_362 = arith.select %gt3A_358, %broadcast_in_dim3A_361, %select_n3A_353 : vector<16xi1>, vector<16xi32>
        %add3A_363 = arith.constant 33 : i32
        %add3A_364 = vector.broadcast %add3A_363 : i32 to vector<16xi32>
        %add3A_365 = arith.addi %add3A_64, %add3A_364 : vector<16xi32>
        %gather3A_366 = tpu.vector_load_idx %arg5[%add3A_365] : memref<51200xf32, #tpu.memory_space<vmem>>[vector<16xi32>], vector<16xf32>,
        %gt3A_367 = arith.cmpf ogt, %gather3A_366, %select_n3A_359 : vector<16xf32>
        %select_n3A_368 = arith.select %gt3A_367, %gather3A_366, %select_n3A_359 : vector<16xi1>, vector<16xf32>
        %broadcast_in_dim3A_369 = arith.constant 33 : i32
        %broadcast_in_dim3A_370 = vector.broadcast %broadcast_in_dim3A_369 : i32 to vector<16xi32>
        %select_n3A_371 = arith.select %gt3A_367, %broadcast_in_dim3A_370, %select_n3A_362 : vector<16xi1>, vector<16xi32>
        %add3A_372 = arith.constant 34 : i32
        %add3A_373 = vector.broadcast %add3A_372 : i32 to vector<16xi32>
        %add3A_374 = arith.addi %add3A_64, %add3A_373 : vector<16xi32>
        %gather3A_375 = tpu.vector_load_idx %arg5[%add3A_374] : memref<51200xf32, #tpu.memory_space<vmem>>[vector<16xi32>], vector<16xf32>,
        %gt3A_376 = arith.cmpf ogt, %gather3A_375, %select_n3A_368 : vector<16xf32>
        %select_n3A_377 = arith.select %gt3A_376, %gather3A_375, %select_n3A_368 : vector<16xi1>, vector<16xf32>
        %broadcast_in_dim3A_378 = arith.constant 34 : i32
        %broadcast_in_dim3A_379 = vector.broadcast %broadcast_in_dim3A_378 : i32 to vector<16xi32>
        %select_n3A_380 = arith.select %gt3A_376, %broadcast_in_dim3A_379, %select_n3A_371 : vector<16xi1>, vector<16xi32>
        %add3A_381 = arith.constant 35 : i32
        %add3A_382 = vector.broadcast %add3A_381 : i32 to vector<16xi32>
        %add3A_383 = arith.addi %add3A_64, %add3A_382 : vector<16xi32>
        %gather3A_384 = tpu.vector_load_idx %arg5[%add3A_383] : memref<51200xf32, #tpu.memory_space<vmem>>[vector<16xi32>], vector<16xf32>,
        %gt3A_385 = arith.cmpf ogt, %gather3A_384, %select_n3A_377 : vector<16xf32>
        %select_n3A_386 = arith.select %gt3A_385, %gather3A_384, %select_n3A_377 : vector<16xi1>, vector<16xf32>
        %broadcast_in_dim3A_387 = arith.constant 35 : i32
        %broadcast_in_dim3A_388 = vector.broadcast %broadcast_in_dim3A_387 : i32 to vector<16xi32>
        %select_n3A_389 = arith.select %gt3A_385, %broadcast_in_dim3A_388, %select_n3A_380 : vector<16xi1>, vector<16xi32>
        %add3A_390 = arith.constant 36 : i32
        %add3A_391 = vector.broadcast %add3A_390 : i32 to vector<16xi32>
        %add3A_392 = arith.addi %add3A_64, %add3A_391 : vector<16xi32>
        %gather3A_393 = tpu.vector_load_idx %arg5[%add3A_392] : memref<51200xf32, #tpu.memory_space<vmem>>[vector<16xi32>], vector<16xf32>,
        %gt3A_394 = arith.cmpf ogt, %gather3A_393, %select_n3A_386 : vector<16xf32>
        %select_n3A_395 = arith.select %gt3A_394, %gather3A_393, %select_n3A_386 : vector<16xi1>, vector<16xf32>
        %broadcast_in_dim3A_396 = arith.constant 36 : i32
        %broadcast_in_dim3A_397 = vector.broadcast %broadcast_in_dim3A_396 : i32 to vector<16xi32>
        %select_n3A_398 = arith.select %gt3A_394, %broadcast_in_dim3A_397, %select_n3A_389 : vector<16xi1>, vector<16xi32>
        %add3A_399 = arith.constant 37 : i32
        %add3A_400 = vector.broadcast %add3A_399 : i32 to vector<16xi32>
        %add3A_401 = arith.addi %add3A_64, %add3A_400 : vector<16xi32>
        %gather3A_402 = tpu.vector_load_idx %arg5[%add3A_401] : memref<51200xf32, #tpu.memory_space<vmem>>[vector<16xi32>], vector<16xf32>,
        %gt3A_403 = arith.cmpf ogt, %gather3A_402, %select_n3A_395 : vector<16xf32>
        %select_n3A_404 = arith.select %gt3A_403, %gather3A_402, %select_n3A_395 : vector<16xi1>, vector<16xf32>
        %broadcast_in_dim3A_405 = arith.constant 37 : i32
        %broadcast_in_dim3A_406 = vector.broadcast %broadcast_in_dim3A_405 : i32 to vector<16xi32>
        %select_n3A_407 = arith.select %gt3A_403, %broadcast_in_dim3A_406, %select_n3A_398 : vector<16xi1>, vector<16xi32>
        %add3A_408 = arith.constant 38 : i32
        %add3A_409 = vector.broadcast %add3A_408 : i32 to vector<16xi32>
        %add3A_410 = arith.addi %add3A_64, %add3A_409 : vector<16xi32>
        %gather3A_411 = tpu.vector_load_idx %arg5[%add3A_410] : memref<51200xf32, #tpu.memory_space<vmem>>[vector<16xi32>], vector<16xf32>,
        %gt3A_412 = arith.cmpf ogt, %gather3A_411, %select_n3A_404 : vector<16xf32>
        %select_n3A_413 = arith.select %gt3A_412, %gather3A_411, %select_n3A_404 : vector<16xi1>, vector<16xf32>
        %broadcast_in_dim3A_414 = arith.constant 38 : i32
        %broadcast_in_dim3A_415 = vector.broadcast %broadcast_in_dim3A_414 : i32 to vector<16xi32>
        %select_n3A_416 = arith.select %gt3A_412, %broadcast_in_dim3A_415, %select_n3A_407 : vector<16xi1>, vector<16xi32>
        %add3A_417 = arith.constant 39 : i32
        %add3A_418 = vector.broadcast %add3A_417 : i32 to vector<16xi32>
        %add3A_419 = arith.addi %add3A_64, %add3A_418 : vector<16xi32>
        %gather3A_420 = tpu.vector_load_idx %arg5[%add3A_419] : memref<51200xf32, #tpu.memory_space<vmem>>[vector<16xi32>], vector<16xf32>,
        %gt3A_421 = arith.cmpf ogt, %gather3A_420, %select_n3A_413 : vector<16xf32>
        %select_n3A_422 = arith.select %gt3A_421, %gather3A_420, %select_n3A_413 : vector<16xi1>, vector<16xf32>
        %broadcast_in_dim3A_423 = arith.constant 39 : i32
        %broadcast_in_dim3A_424 = vector.broadcast %broadcast_in_dim3A_423 : i32 to vector<16xi32>
        %select_n3A_425 = arith.select %gt3A_421, %broadcast_in_dim3A_424, %select_n3A_416 : vector<16xi1>, vector<16xi32>
        %add3A_426 = arith.constant 40 : i32
        %add3A_427 = vector.broadcast %add3A_426 : i32 to vector<16xi32>
        %add3A_428 = arith.addi %add3A_64, %add3A_427 : vector<16xi32>
        %gather3A_429 = tpu.vector_load_idx %arg5[%add3A_428] : memref<51200xf32, #tpu.memory_space<vmem>>[vector<16xi32>], vector<16xf32>,
        %gt3A_430 = arith.cmpf ogt, %gather3A_429, %select_n3A_422 : vector<16xf32>
        %select_n3A_431 = arith.select %gt3A_430, %gather3A_429, %select_n3A_422 : vector<16xi1>, vector<16xf32>
        %broadcast_in_dim3A_432 = arith.constant 40 : i32
        %broadcast_in_dim3A_433 = vector.broadcast %broadcast_in_dim3A_432 : i32 to vector<16xi32>
        %select_n3A_434 = arith.select %gt3A_430, %broadcast_in_dim3A_433, %select_n3A_425 : vector<16xi1>, vector<16xi32>
        %add3A_435 = arith.constant 41 : i32
        %add3A_436 = vector.broadcast %add3A_435 : i32 to vector<16xi32>
        %add3A_437 = arith.addi %add3A_64, %add3A_436 : vector<16xi32>
        %gather3A_438 = tpu.vector_load_idx %arg5[%add3A_437] : memref<51200xf32, #tpu.memory_space<vmem>>[vector<16xi32>], vector<16xf32>,
        %gt3A_439 = arith.cmpf ogt, %gather3A_438, %select_n3A_431 : vector<16xf32>
        %select_n3A_440 = arith.select %gt3A_439, %gather3A_438, %select_n3A_431 : vector<16xi1>, vector<16xf32>
        %broadcast_in_dim3A_441 = arith.constant 41 : i32
        %broadcast_in_dim3A_442 = vector.broadcast %broadcast_in_dim3A_441 : i32 to vector<16xi32>
        %select_n3A_443 = arith.select %gt3A_439, %broadcast_in_dim3A_442, %select_n3A_434 : vector<16xi1>, vector<16xi32>
        %add3A_444 = arith.constant 42 : i32
        %add3A_445 = vector.broadcast %add3A_444 : i32 to vector<16xi32>
        %add3A_446 = arith.addi %add3A_64, %add3A_445 : vector<16xi32>
        %gather3A_447 = tpu.vector_load_idx %arg5[%add3A_446] : memref<51200xf32, #tpu.memory_space<vmem>>[vector<16xi32>], vector<16xf32>,
        %gt3A_448 = arith.cmpf ogt, %gather3A_447, %select_n3A_440 : vector<16xf32>
        %select_n3A_449 = arith.select %gt3A_448, %gather3A_447, %select_n3A_440 : vector<16xi1>, vector<16xf32>
        %broadcast_in_dim3A_450 = arith.constant 42 : i32
        %broadcast_in_dim3A_451 = vector.broadcast %broadcast_in_dim3A_450 : i32 to vector<16xi32>
        %select_n3A_452 = arith.select %gt3A_448, %broadcast_in_dim3A_451, %select_n3A_443 : vector<16xi1>, vector<16xi32>
        %add3A_453 = arith.constant 43 : i32
        %add3A_454 = vector.broadcast %add3A_453 : i32 to vector<16xi32>
        %add3A_455 = arith.addi %add3A_64, %add3A_454 : vector<16xi32>
        %gather3A_456 = tpu.vector_load_idx %arg5[%add3A_455] : memref<51200xf32, #tpu.memory_space<vmem>>[vector<16xi32>], vector<16xf32>,
        %gt3A_457 = arith.cmpf ogt, %gather3A_456, %select_n3A_449 : vector<16xf32>
        %select_n3A_458 = arith.select %gt3A_457, %gather3A_456, %select_n3A_449 : vector<16xi1>, vector<16xf32>
        %broadcast_in_dim3A_459 = arith.constant 43 : i32
        %broadcast_in_dim3A_460 = vector.broadcast %broadcast_in_dim3A_459 : i32 to vector<16xi32>
        %select_n3A_461 = arith.select %gt3A_457, %broadcast_in_dim3A_460, %select_n3A_452 : vector<16xi1>, vector<16xi32>
        %add3A_462 = arith.constant 44 : i32
        %add3A_463 = vector.broadcast %add3A_462 : i32 to vector<16xi32>
        %add3A_464 = arith.addi %add3A_64, %add3A_463 : vector<16xi32>
        %gather3A_465 = tpu.vector_load_idx %arg5[%add3A_464] : memref<51200xf32, #tpu.memory_space<vmem>>[vector<16xi32>], vector<16xf32>,
        %gt3A_466 = arith.cmpf ogt, %gather3A_465, %select_n3A_458 : vector<16xf32>
        %select_n3A_467 = arith.select %gt3A_466, %gather3A_465, %select_n3A_458 : vector<16xi1>, vector<16xf32>
        %broadcast_in_dim3A_468 = arith.constant 44 : i32
        %broadcast_in_dim3A_469 = vector.broadcast %broadcast_in_dim3A_468 : i32 to vector<16xi32>
        %select_n3A_470 = arith.select %gt3A_466, %broadcast_in_dim3A_469, %select_n3A_461 : vector<16xi1>, vector<16xi32>
        %add3A_471 = arith.constant 45 : i32
        %add3A_472 = vector.broadcast %add3A_471 : i32 to vector<16xi32>
        %add3A_473 = arith.addi %add3A_64, %add3A_472 : vector<16xi32>
        %gather3A_474 = tpu.vector_load_idx %arg5[%add3A_473] : memref<51200xf32, #tpu.memory_space<vmem>>[vector<16xi32>], vector<16xf32>,
        %gt3A_475 = arith.cmpf ogt, %gather3A_474, %select_n3A_467 : vector<16xf32>
        %select_n3A_476 = arith.select %gt3A_475, %gather3A_474, %select_n3A_467 : vector<16xi1>, vector<16xf32>
        %broadcast_in_dim3A_477 = arith.constant 45 : i32
        %broadcast_in_dim3A_478 = vector.broadcast %broadcast_in_dim3A_477 : i32 to vector<16xi32>
        %select_n3A_479 = arith.select %gt3A_475, %broadcast_in_dim3A_478, %select_n3A_470 : vector<16xi1>, vector<16xi32>
        %add3A_480 = arith.constant 46 : i32
        %add3A_481 = vector.broadcast %add3A_480 : i32 to vector<16xi32>
        %add3A_482 = arith.addi %add3A_64, %add3A_481 : vector<16xi32>
        %gather3A_483 = tpu.vector_load_idx %arg5[%add3A_482] : memref<51200xf32, #tpu.memory_space<vmem>>[vector<16xi32>], vector<16xf32>,
        %gt3A_484 = arith.cmpf ogt, %gather3A_483, %select_n3A_476 : vector<16xf32>
        %select_n3A_485 = arith.select %gt3A_484, %gather3A_483, %select_n3A_476 : vector<16xi1>, vector<16xf32>
        %broadcast_in_dim3A_486 = arith.constant 46 : i32
        %broadcast_in_dim3A_487 = vector.broadcast %broadcast_in_dim3A_486 : i32 to vector<16xi32>
        %select_n3A_488 = arith.select %gt3A_484, %broadcast_in_dim3A_487, %select_n3A_479 : vector<16xi1>, vector<16xi32>
        %add3A_489 = arith.constant 47 : i32
        %add3A_490 = vector.broadcast %add3A_489 : i32 to vector<16xi32>
        %add3A_491 = arith.addi %add3A_64, %add3A_490 : vector<16xi32>
        %gather3A_492 = tpu.vector_load_idx %arg5[%add3A_491] : memref<51200xf32, #tpu.memory_space<vmem>>[vector<16xi32>], vector<16xf32>,
        %gt3A_493 = arith.cmpf ogt, %gather3A_492, %select_n3A_485 : vector<16xf32>
        %select_n3A_494 = arith.select %gt3A_493, %gather3A_492, %select_n3A_485 : vector<16xi1>, vector<16xf32>
        %broadcast_in_dim3A_495 = arith.constant 47 : i32
        %broadcast_in_dim3A_496 = vector.broadcast %broadcast_in_dim3A_495 : i32 to vector<16xi32>
        %select_n3A_497 = arith.select %gt3A_493, %broadcast_in_dim3A_496, %select_n3A_488 : vector<16xi1>, vector<16xi32>
        %add3A_498 = arith.constant 48 : i32
        %add3A_499 = vector.broadcast %add3A_498 : i32 to vector<16xi32>
        %add3A_500 = arith.addi %add3A_64, %add3A_499 : vector<16xi32>
        %gather3A_501 = tpu.vector_load_idx %arg5[%add3A_500] : memref<51200xf32, #tpu.memory_space<vmem>>[vector<16xi32>], vector<16xf32>,
        %gt3A_502 = arith.cmpf ogt, %gather3A_501, %select_n3A_494 : vector<16xf32>
        %select_n3A_503 = arith.select %gt3A_502, %gather3A_501, %select_n3A_494 : vector<16xi1>, vector<16xf32>
        %broadcast_in_dim3A_504 = arith.constant 48 : i32
        %broadcast_in_dim3A_505 = vector.broadcast %broadcast_in_dim3A_504 : i32 to vector<16xi32>
        %select_n3A_506 = arith.select %gt3A_502, %broadcast_in_dim3A_505, %select_n3A_497 : vector<16xi1>, vector<16xi32>
        %add3A_507 = arith.constant 49 : i32
        %add3A_508 = vector.broadcast %add3A_507 : i32 to vector<16xi32>
        %add3A_509 = arith.addi %add3A_64, %add3A_508 : vector<16xi32>
        %gather3A_510 = tpu.vector_load_idx %arg5[%add3A_509] : memref<51200xf32, #tpu.memory_space<vmem>>[vector<16xi32>], vector<16xf32>,
        %gt3A_511 = arith.cmpf ogt, %gather3A_510, %select_n3A_503 : vector<16xf32>
        %select_n3A_512 = arith.select %gt3A_511, %gather3A_510, %select_n3A_503 : vector<16xi1>, vector<16xf32>
        %broadcast_in_dim3A_513 = arith.constant 49 : i32
        %broadcast_in_dim3A_514 = vector.broadcast %broadcast_in_dim3A_513 : i32 to vector<16xi32>
        %select_n3A_515 = arith.select %gt3A_511, %broadcast_in_dim3A_514, %select_n3A_506 : vector<16xi1>, vector<16xi32>
        %add3A_516 = arith.constant 50 : i32
        %add3A_517 = vector.broadcast %add3A_516 : i32 to vector<16xi32>
        %add3A_518 = arith.addi %add3A_64, %add3A_517 : vector<16xi32>
        %gather3A_519 = tpu.vector_load_idx %arg5[%add3A_518] : memref<51200xf32, #tpu.memory_space<vmem>>[vector<16xi32>], vector<16xf32>,
        %gt3A_520 = arith.cmpf ogt, %gather3A_519, %select_n3A_512 : vector<16xf32>
        %select_n3A_521 = arith.select %gt3A_520, %gather3A_519, %select_n3A_512 : vector<16xi1>, vector<16xf32>
        %broadcast_in_dim3A_522 = arith.constant 50 : i32
        %broadcast_in_dim3A_523 = vector.broadcast %broadcast_in_dim3A_522 : i32 to vector<16xi32>
        %select_n3A_524 = arith.select %gt3A_520, %broadcast_in_dim3A_523, %select_n3A_515 : vector<16xi1>, vector<16xi32>
        %add3A_525 = arith.constant 51 : i32
        %add3A_526 = vector.broadcast %add3A_525 : i32 to vector<16xi32>
        %add3A_527 = arith.addi %add3A_64, %add3A_526 : vector<16xi32>
        %gather3A_528 = tpu.vector_load_idx %arg5[%add3A_527] : memref<51200xf32, #tpu.memory_space<vmem>>[vector<16xi32>], vector<16xf32>,
        %gt3A_529 = arith.cmpf ogt, %gather3A_528, %select_n3A_521 : vector<16xf32>
        %select_n3A_530 = arith.select %gt3A_529, %gather3A_528, %select_n3A_521 : vector<16xi1>, vector<16xf32>
        %broadcast_in_dim3A_531 = arith.constant 51 : i32
        %broadcast_in_dim3A_532 = vector.broadcast %broadcast_in_dim3A_531 : i32 to vector<16xi32>
        %select_n3A_533 = arith.select %gt3A_529, %broadcast_in_dim3A_532, %select_n3A_524 : vector<16xi1>, vector<16xi32>
        %add3A_534 = arith.constant 52 : i32
        %add3A_535 = vector.broadcast %add3A_534 : i32 to vector<16xi32>
        %add3A_536 = arith.addi %add3A_64, %add3A_535 : vector<16xi32>
        %gather3A_537 = tpu.vector_load_idx %arg5[%add3A_536] : memref<51200xf32, #tpu.memory_space<vmem>>[vector<16xi32>], vector<16xf32>,
        %gt3A_538 = arith.cmpf ogt, %gather3A_537, %select_n3A_530 : vector<16xf32>
        %select_n3A_539 = arith.select %gt3A_538, %gather3A_537, %select_n3A_530 : vector<16xi1>, vector<16xf32>
        %broadcast_in_dim3A_540 = arith.constant 52 : i32
        %broadcast_in_dim3A_541 = vector.broadcast %broadcast_in_dim3A_540 : i32 to vector<16xi32>
        %select_n3A_542 = arith.select %gt3A_538, %broadcast_in_dim3A_541, %select_n3A_533 : vector<16xi1>, vector<16xi32>
        %add3A_543 = arith.constant 53 : i32
        %add3A_544 = vector.broadcast %add3A_543 : i32 to vector<16xi32>
        %add3A_545 = arith.addi %add3A_64, %add3A_544 : vector<16xi32>
        %gather3A_546 = tpu.vector_load_idx %arg5[%add3A_545] : memref<51200xf32, #tpu.memory_space<vmem>>[vector<16xi32>], vector<16xf32>,
        %gt3A_547 = arith.cmpf ogt, %gather3A_546, %select_n3A_539 : vector<16xf32>
        %select_n3A_548 = arith.select %gt3A_547, %gather3A_546, %select_n3A_539 : vector<16xi1>, vector<16xf32>
        %broadcast_in_dim3A_549 = arith.constant 53 : i32
        %broadcast_in_dim3A_550 = vector.broadcast %broadcast_in_dim3A_549 : i32 to vector<16xi32>
        %select_n3A_551 = arith.select %gt3A_547, %broadcast_in_dim3A_550, %select_n3A_542 : vector<16xi1>, vector<16xi32>
        %add3A_552 = arith.constant 54 : i32
        %add3A_553 = vector.broadcast %add3A_552 : i32 to vector<16xi32>
        %add3A_554 = arith.addi %add3A_64, %add3A_553 : vector<16xi32>
        %gather3A_555 = tpu.vector_load_idx %arg5[%add3A_554] : memref<51200xf32, #tpu.memory_space<vmem>>[vector<16xi32>], vector<16xf32>,
        %gt3A_556 = arith.cmpf ogt, %gather3A_555, %select_n3A_548 : vector<16xf32>
        %select_n3A_557 = arith.select %gt3A_556, %gather3A_555, %select_n3A_548 : vector<16xi1>, vector<16xf32>
        %broadcast_in_dim3A_558 = arith.constant 54 : i32
        %broadcast_in_dim3A_559 = vector.broadcast %broadcast_in_dim3A_558 : i32 to vector<16xi32>
        %select_n3A_560 = arith.select %gt3A_556, %broadcast_in_dim3A_559, %select_n3A_551 : vector<16xi1>, vector<16xi32>
        %add3A_561 = arith.constant 55 : i32
        %add3A_562 = vector.broadcast %add3A_561 : i32 to vector<16xi32>
        %add3A_563 = arith.addi %add3A_64, %add3A_562 : vector<16xi32>
        %gather3A_564 = tpu.vector_load_idx %arg5[%add3A_563] : memref<51200xf32, #tpu.memory_space<vmem>>[vector<16xi32>], vector<16xf32>,
        %gt3A_565 = arith.cmpf ogt, %gather3A_564, %select_n3A_557 : vector<16xf32>
        %select_n3A_566 = arith.select %gt3A_565, %gather3A_564, %select_n3A_557 : vector<16xi1>, vector<16xf32>
        %broadcast_in_dim3A_567 = arith.constant 55 : i32
        %broadcast_in_dim3A_568 = vector.broadcast %broadcast_in_dim3A_567 : i32 to vector<16xi32>
        %select_n3A_569 = arith.select %gt3A_565, %broadcast_in_dim3A_568, %select_n3A_560 : vector<16xi1>, vector<16xi32>
        %add3A_570 = arith.constant 56 : i32
        %add3A_571 = vector.broadcast %add3A_570 : i32 to vector<16xi32>
        %add3A_572 = arith.addi %add3A_64, %add3A_571 : vector<16xi32>
        %gather3A_573 = tpu.vector_load_idx %arg5[%add3A_572] : memref<51200xf32, #tpu.memory_space<vmem>>[vector<16xi32>], vector<16xf32>,
        %gt3A_574 = arith.cmpf ogt, %gather3A_573, %select_n3A_566 : vector<16xf32>
        %select_n3A_575 = arith.select %gt3A_574, %gather3A_573, %select_n3A_566 : vector<16xi1>, vector<16xf32>
        %broadcast_in_dim3A_576 = arith.constant 56 : i32
        %broadcast_in_dim3A_577 = vector.broadcast %broadcast_in_dim3A_576 : i32 to vector<16xi32>
        %select_n3A_578 = arith.select %gt3A_574, %broadcast_in_dim3A_577, %select_n3A_569 : vector<16xi1>, vector<16xi32>
        %add3A_579 = arith.constant 57 : i32
        %add3A_580 = vector.broadcast %add3A_579 : i32 to vector<16xi32>
        %add3A_581 = arith.addi %add3A_64, %add3A_580 : vector<16xi32>
        %gather3A_582 = tpu.vector_load_idx %arg5[%add3A_581] : memref<51200xf32, #tpu.memory_space<vmem>>[vector<16xi32>], vector<16xf32>,
        %gt3A_583 = arith.cmpf ogt, %gather3A_582, %select_n3A_575 : vector<16xf32>
        %select_n3A_584 = arith.select %gt3A_583, %gather3A_582, %select_n3A_575 : vector<16xi1>, vector<16xf32>
        %broadcast_in_dim3A_585 = arith.constant 57 : i32
        %broadcast_in_dim3A_586 = vector.broadcast %broadcast_in_dim3A_585 : i32 to vector<16xi32>
        %select_n3A_587 = arith.select %gt3A_583, %broadcast_in_dim3A_586, %select_n3A_578 : vector<16xi1>, vector<16xi32>
        %add3A_588 = arith.constant 58 : i32
        %add3A_589 = vector.broadcast %add3A_588 : i32 to vector<16xi32>
        %add3A_590 = arith.addi %add3A_64, %add3A_589 : vector<16xi32>
        %gather3A_591 = tpu.vector_load_idx %arg5[%add3A_590] : memref<51200xf32, #tpu.memory_space<vmem>>[vector<16xi32>], vector<16xf32>,
        %gt3A_592 = arith.cmpf ogt, %gather3A_591, %select_n3A_584 : vector<16xf32>
        %select_n3A_593 = arith.select %gt3A_592, %gather3A_591, %select_n3A_584 : vector<16xi1>, vector<16xf32>
        %broadcast_in_dim3A_594 = arith.constant 58 : i32
        %broadcast_in_dim3A_595 = vector.broadcast %broadcast_in_dim3A_594 : i32 to vector<16xi32>
        %select_n3A_596 = arith.select %gt3A_592, %broadcast_in_dim3A_595, %select_n3A_587 : vector<16xi1>, vector<16xi32>
        %add3A_597 = arith.constant 59 : i32
        %add3A_598 = vector.broadcast %add3A_597 : i32 to vector<16xi32>
        %add3A_599 = arith.addi %add3A_64, %add3A_598 : vector<16xi32>
        %gather3A_600 = tpu.vector_load_idx %arg5[%add3A_599] : memref<51200xf32, #tpu.memory_space<vmem>>[vector<16xi32>], vector<16xf32>,
        %gt3A_601 = arith.cmpf ogt, %gather3A_600, %select_n3A_593 : vector<16xf32>
        %select_n3A_602 = arith.select %gt3A_601, %gather3A_600, %select_n3A_593 : vector<16xi1>, vector<16xf32>
        %broadcast_in_dim3A_603 = arith.constant 59 : i32
        %broadcast_in_dim3A_604 = vector.broadcast %broadcast_in_dim3A_603 : i32 to vector<16xi32>
        %select_n3A_605 = arith.select %gt3A_601, %broadcast_in_dim3A_604, %select_n3A_596 : vector<16xi1>, vector<16xi32>
        %add3A_606 = arith.constant 60 : i32
        %add3A_607 = vector.broadcast %add3A_606 : i32 to vector<16xi32>
        %add3A_608 = arith.addi %add3A_64, %add3A_607 : vector<16xi32>
        %gather3A_609 = tpu.vector_load_idx %arg5[%add3A_608] : memref<51200xf32, #tpu.memory_space<vmem>>[vector<16xi32>], vector<16xf32>,
        %gt3A_610 = arith.cmpf ogt, %gather3A_609, %select_n3A_602 : vector<16xf32>
        %select_n3A_611 = arith.select %gt3A_610, %gather3A_609, %select_n3A_602 : vector<16xi1>, vector<16xf32>
        %broadcast_in_dim3A_612 = arith.constant 60 : i32
        %broadcast_in_dim3A_613 = vector.broadcast %broadcast_in_dim3A_612 : i32 to vector<16xi32>
        %select_n3A_614 = arith.select %gt3A_610, %broadcast_in_dim3A_613, %select_n3A_605 : vector<16xi1>, vector<16xi32>
        %add3A_615 = arith.constant 61 : i32
        %add3A_616 = vector.broadcast %add3A_615 : i32 to vector<16xi32>
        %add3A_617 = arith.addi %add3A_64, %add3A_616 : vector<16xi32>
        %gather3A_618 = tpu.vector_load_idx %arg5[%add3A_617] : memref<51200xf32, #tpu.memory_space<vmem>>[vector<16xi32>], vector<16xf32>,
        %gt3A_619 = arith.cmpf ogt, %gather3A_618, %select_n3A_611 : vector<16xf32>
        %select_n3A_620 = arith.select %gt3A_619, %gather3A_618, %select_n3A_611 : vector<16xi1>, vector<16xf32>
        %broadcast_in_dim3A_621 = arith.constant 61 : i32
        %broadcast_in_dim3A_622 = vector.broadcast %broadcast_in_dim3A_621 : i32 to vector<16xi32>
        %select_n3A_623 = arith.select %gt3A_619, %broadcast_in_dim3A_622, %select_n3A_614 : vector<16xi1>, vector<16xi32>
        %add3A_624 = arith.constant 62 : i32
        %add3A_625 = vector.broadcast %add3A_624 : i32 to vector<16xi32>
        %add3A_626 = arith.addi %add3A_64, %add3A_625 : vector<16xi32>
        %gather3A_627 = tpu.vector_load_idx %arg5[%add3A_626] : memref<51200xf32, #tpu.memory_space<vmem>>[vector<16xi32>], vector<16xf32>,
        %gt3A_628 = arith.cmpf ogt, %gather3A_627, %select_n3A_620 : vector<16xf32>
        %select_n3A_629 = arith.select %gt3A_628, %gather3A_627, %select_n3A_620 : vector<16xi1>, vector<16xf32>
        %broadcast_in_dim3A_630 = arith.constant 62 : i32
        %broadcast_in_dim3A_631 = vector.broadcast %broadcast_in_dim3A_630 : i32 to vector<16xi32>
        %select_n3A_632 = arith.select %gt3A_628, %broadcast_in_dim3A_631, %select_n3A_623 : vector<16xi1>, vector<16xi32>
        %add3A_633 = arith.constant 63 : i32
        %add3A_634 = vector.broadcast %add3A_633 : i32 to vector<16xi32>
        %add3A_635 = arith.addi %add3A_64, %add3A_634 : vector<16xi32>
        %gather3A_636 = tpu.vector_load_idx %arg5[%add3A_635] : memref<51200xf32, #tpu.memory_space<vmem>>[vector<16xi32>], vector<16xf32>,
        %gt3A_637 = arith.cmpf ogt, %gather3A_636, %select_n3A_629 : vector<16xf32>
        %select_n3A_638 = arith.select %gt3A_637, %gather3A_636, %select_n3A_629 : vector<16xi1>, vector<16xf32>
        %broadcast_in_dim3A_639 = arith.constant 63 : i32
        %broadcast_in_dim3A_640 = vector.broadcast %broadcast_in_dim3A_639 : i32 to vector<16xi32>
        %select_n3A_641 = arith.select %gt3A_637, %broadcast_in_dim3A_640, %select_n3A_632 : vector<16xi1>, vector<16xi32>
        %add3A_642 = arith.constant 64 : i32
        %add3A_643 = vector.broadcast %add3A_642 : i32 to vector<16xi32>
        %add3A_644 = arith.addi %add3A_64, %add3A_643 : vector<16xi32>
        %gather3A_645 = tpu.vector_load_idx %arg5[%add3A_644] : memref<51200xf32, #tpu.memory_space<vmem>>[vector<16xi32>], vector<16xf32>,
        %gt3A_646 = arith.cmpf ogt, %gather3A_645, %select_n3A_638 : vector<16xf32>
        %select_n3A_647 = arith.select %gt3A_646, %gather3A_645, %select_n3A_638 : vector<16xi1>, vector<16xf32>
        %broadcast_in_dim3A_648 = arith.constant 64 : i32
        %broadcast_in_dim3A_649 = vector.broadcast %broadcast_in_dim3A_648 : i32 to vector<16xi32>
        %select_n3A_650 = arith.select %gt3A_646, %broadcast_in_dim3A_649, %select_n3A_641 : vector<16xi1>, vector<16xi32>
        %add3A_651 = arith.constant 65 : i32
        %add3A_652 = vector.broadcast %add3A_651 : i32 to vector<16xi32>
        %add3A_653 = arith.addi %add3A_64, %add3A_652 : vector<16xi32>
        %gather3A_654 = tpu.vector_load_idx %arg5[%add3A_653] : memref<51200xf32, #tpu.memory_space<vmem>>[vector<16xi32>], vector<16xf32>,
        %gt3A_655 = arith.cmpf ogt, %gather3A_654, %select_n3A_647 : vector<16xf32>
        %select_n3A_656 = arith.select %gt3A_655, %gather3A_654, %select_n3A_647 : vector<16xi1>, vector<16xf32>
        %broadcast_in_dim3A_657 = arith.constant 65 : i32
        %broadcast_in_dim3A_658 = vector.broadcast %broadcast_in_dim3A_657 : i32 to vector<16xi32>
        %select_n3A_659 = arith.select %gt3A_655, %broadcast_in_dim3A_658, %select_n3A_650 : vector<16xi1>, vector<16xi32>
        %add3A_660 = arith.constant 66 : i32
        %add3A_661 = vector.broadcast %add3A_660 : i32 to vector<16xi32>
        %add3A_662 = arith.addi %add3A_64, %add3A_661 : vector<16xi32>
        %gather3A_663 = tpu.vector_load_idx %arg5[%add3A_662] : memref<51200xf32, #tpu.memory_space<vmem>>[vector<16xi32>], vector<16xf32>,
        %gt3A_664 = arith.cmpf ogt, %gather3A_663, %select_n3A_656 : vector<16xf32>
        %select_n3A_665 = arith.select %gt3A_664, %gather3A_663, %select_n3A_656 : vector<16xi1>, vector<16xf32>
        %broadcast_in_dim3A_666 = arith.constant 66 : i32
        %broadcast_in_dim3A_667 = vector.broadcast %broadcast_in_dim3A_666 : i32 to vector<16xi32>
        %select_n3A_668 = arith.select %gt3A_664, %broadcast_in_dim3A_667, %select_n3A_659 : vector<16xi1>, vector<16xi32>
        %add3A_669 = arith.constant 67 : i32
        %add3A_670 = vector.broadcast %add3A_669 : i32 to vector<16xi32>
        %add3A_671 = arith.addi %add3A_64, %add3A_670 : vector<16xi32>
        %gather3A_672 = tpu.vector_load_idx %arg5[%add3A_671] : memref<51200xf32, #tpu.memory_space<vmem>>[vector<16xi32>], vector<16xf32>,
        %gt3A_673 = arith.cmpf ogt, %gather3A_672, %select_n3A_665 : vector<16xf32>
        %select_n3A_674 = arith.select %gt3A_673, %gather3A_672, %select_n3A_665 : vector<16xi1>, vector<16xf32>
        %broadcast_in_dim3A_675 = arith.constant 67 : i32
        %broadcast_in_dim3A_676 = vector.broadcast %broadcast_in_dim3A_675 : i32 to vector<16xi32>
        %select_n3A_677 = arith.select %gt3A_673, %broadcast_in_dim3A_676, %select_n3A_668 : vector<16xi1>, vector<16xi32>
        %add3A_678 = arith.constant 68 : i32
        %add3A_679 = vector.broadcast %add3A_678 : i32 to vector<16xi32>
        %add3A_680 = arith.addi %add3A_64, %add3A_679 : vector<16xi32>
        %gather3A_681 = tpu.vector_load_idx %arg5[%add3A_680] : memref<51200xf32, #tpu.memory_space<vmem>>[vector<16xi32>], vector<16xf32>,
        %gt3A_682 = arith.cmpf ogt, %gather3A_681, %select_n3A_674 : vector<16xf32>
        %select_n3A_683 = arith.select %gt3A_682, %gather3A_681, %select_n3A_674 : vector<16xi1>, vector<16xf32>
        %broadcast_in_dim3A_684 = arith.constant 68 : i32
        %broadcast_in_dim3A_685 = vector.broadcast %broadcast_in_dim3A_684 : i32 to vector<16xi32>
        %select_n3A_686 = arith.select %gt3A_682, %broadcast_in_dim3A_685, %select_n3A_677 : vector<16xi1>, vector<16xi32>
        %add3A_687 = arith.constant 69 : i32
        %add3A_688 = vector.broadcast %add3A_687 : i32 to vector<16xi32>
        %add3A_689 = arith.addi %add3A_64, %add3A_688 : vector<16xi32>
        %gather3A_690 = tpu.vector_load_idx %arg5[%add3A_689] : memref<51200xf32, #tpu.memory_space<vmem>>[vector<16xi32>], vector<16xf32>,
        %gt3A_691 = arith.cmpf ogt, %gather3A_690, %select_n3A_683 : vector<16xf32>
        %select_n3A_692 = arith.select %gt3A_691, %gather3A_690, %select_n3A_683 : vector<16xi1>, vector<16xf32>
        %broadcast_in_dim3A_693 = arith.constant 69 : i32
        %broadcast_in_dim3A_694 = vector.broadcast %broadcast_in_dim3A_693 : i32 to vector<16xi32>
        %select_n3A_695 = arith.select %gt3A_691, %broadcast_in_dim3A_694, %select_n3A_686 : vector<16xi1>, vector<16xi32>
        %add3A_696 = arith.constant 70 : i32
        %add3A_697 = vector.broadcast %add3A_696 : i32 to vector<16xi32>
        %add3A_698 = arith.addi %add3A_64, %add3A_697 : vector<16xi32>
        %gather3A_699 = tpu.vector_load_idx %arg5[%add3A_698] : memref<51200xf32, #tpu.memory_space<vmem>>[vector<16xi32>], vector<16xf32>,
        %gt3A_700 = arith.cmpf ogt, %gather3A_699, %select_n3A_692 : vector<16xf32>
        %select_n3A_701 = arith.select %gt3A_700, %gather3A_699, %select_n3A_692 : vector<16xi1>, vector<16xf32>
        %broadcast_in_dim3A_702 = arith.constant 70 : i32
        %broadcast_in_dim3A_703 = vector.broadcast %broadcast_in_dim3A_702 : i32 to vector<16xi32>
        %select_n3A_704 = arith.select %gt3A_700, %broadcast_in_dim3A_703, %select_n3A_695 : vector<16xi1>, vector<16xi32>
        %add3A_705 = arith.constant 71 : i32
        %add3A_706 = vector.broadcast %add3A_705 : i32 to vector<16xi32>
        %add3A_707 = arith.addi %add3A_64, %add3A_706 : vector<16xi32>
        %gather3A_708 = tpu.vector_load_idx %arg5[%add3A_707] : memref<51200xf32, #tpu.memory_space<vmem>>[vector<16xi32>], vector<16xf32>,
        %gt3A_709 = arith.cmpf ogt, %gather3A_708, %select_n3A_701 : vector<16xf32>
        %select_n3A_710 = arith.select %gt3A_709, %gather3A_708, %select_n3A_701 : vector<16xi1>, vector<16xf32>
        %broadcast_in_dim3A_711 = arith.constant 71 : i32
        %broadcast_in_dim3A_712 = vector.broadcast %broadcast_in_dim3A_711 : i32 to vector<16xi32>
        %select_n3A_713 = arith.select %gt3A_709, %broadcast_in_dim3A_712, %select_n3A_704 : vector<16xi1>, vector<16xi32>
        %add3A_714 = arith.constant 72 : i32
        %add3A_715 = vector.broadcast %add3A_714 : i32 to vector<16xi32>
        %add3A_716 = arith.addi %add3A_64, %add3A_715 : vector<16xi32>
        %gather3A_717 = tpu.vector_load_idx %arg5[%add3A_716] : memref<51200xf32, #tpu.memory_space<vmem>>[vector<16xi32>], vector<16xf32>,
        %gt3A_718 = arith.cmpf ogt, %gather3A_717, %select_n3A_710 : vector<16xf32>
        %select_n3A_719 = arith.select %gt3A_718, %gather3A_717, %select_n3A_710 : vector<16xi1>, vector<16xf32>
        %broadcast_in_dim3A_720 = arith.constant 72 : i32
        %broadcast_in_dim3A_721 = vector.broadcast %broadcast_in_dim3A_720 : i32 to vector<16xi32>
        %select_n3A_722 = arith.select %gt3A_718, %broadcast_in_dim3A_721, %select_n3A_713 : vector<16xi1>, vector<16xi32>
        %add3A_723 = arith.constant 73 : i32
        %add3A_724 = vector.broadcast %add3A_723 : i32 to vector<16xi32>
        %add3A_725 = arith.addi %add3A_64, %add3A_724 : vector<16xi32>
        %gather3A_726 = tpu.vector_load_idx %arg5[%add3A_725] : memref<51200xf32, #tpu.memory_space<vmem>>[vector<16xi32>], vector<16xf32>,
        %gt3A_727 = arith.cmpf ogt, %gather3A_726, %select_n3A_719 : vector<16xf32>
        %select_n3A_728 = arith.select %gt3A_727, %gather3A_726, %select_n3A_719 : vector<16xi1>, vector<16xf32>
        %broadcast_in_dim3A_729 = arith.constant 73 : i32
        %broadcast_in_dim3A_730 = vector.broadcast %broadcast_in_dim3A_729 : i32 to vector<16xi32>
        %select_n3A_731 = arith.select %gt3A_727, %broadcast_in_dim3A_730, %select_n3A_722 : vector<16xi1>, vector<16xi32>
        %add3A_732 = arith.constant 74 : i32
        %add3A_733 = vector.broadcast %add3A_732 : i32 to vector<16xi32>
        %add3A_734 = arith.addi %add3A_64, %add3A_733 : vector<16xi32>
        %gather3A_735 = tpu.vector_load_idx %arg5[%add3A_734] : memref<51200xf32, #tpu.memory_space<vmem>>[vector<16xi32>], vector<16xf32>,
        %gt3A_736 = arith.cmpf ogt, %gather3A_735, %select_n3A_728 : vector<16xf32>
        %select_n3A_737 = arith.select %gt3A_736, %gather3A_735, %select_n3A_728 : vector<16xi1>, vector<16xf32>
        %broadcast_in_dim3A_738 = arith.constant 74 : i32
        %broadcast_in_dim3A_739 = vector.broadcast %broadcast_in_dim3A_738 : i32 to vector<16xi32>
        %select_n3A_740 = arith.select %gt3A_736, %broadcast_in_dim3A_739, %select_n3A_731 : vector<16xi1>, vector<16xi32>
        %add3A_741 = arith.constant 75 : i32
        %add3A_742 = vector.broadcast %add3A_741 : i32 to vector<16xi32>
        %add3A_743 = arith.addi %add3A_64, %add3A_742 : vector<16xi32>
        %gather3A_744 = tpu.vector_load_idx %arg5[%add3A_743] : memref<51200xf32, #tpu.memory_space<vmem>>[vector<16xi32>], vector<16xf32>,
        %gt3A_745 = arith.cmpf ogt, %gather3A_744, %select_n3A_737 : vector<16xf32>
        %select_n3A_746 = arith.select %gt3A_745, %gather3A_744, %select_n3A_737 : vector<16xi1>, vector<16xf32>
        %broadcast_in_dim3A_747 = arith.constant 75 : i32
        %broadcast_in_dim3A_748 = vector.broadcast %broadcast_in_dim3A_747 : i32 to vector<16xi32>
        %select_n3A_749 = arith.select %gt3A_745, %broadcast_in_dim3A_748, %select_n3A_740 : vector<16xi1>, vector<16xi32>
        %add3A_750 = arith.constant 76 : i32
        %add3A_751 = vector.broadcast %add3A_750 : i32 to vector<16xi32>
        %add3A_752 = arith.addi %add3A_64, %add3A_751 : vector<16xi32>
        %gather3A_753 = tpu.vector_load_idx %arg5[%add3A_752] : memref<51200xf32, #tpu.memory_space<vmem>>[vector<16xi32>], vector<16xf32>,
        %gt3A_754 = arith.cmpf ogt, %gather3A_753, %select_n3A_746 : vector<16xf32>
        %select_n3A_755 = arith.select %gt3A_754, %gather3A_753, %select_n3A_746 : vector<16xi1>, vector<16xf32>
        %broadcast_in_dim3A_756 = arith.constant 76 : i32
        %broadcast_in_dim3A_757 = vector.broadcast %broadcast_in_dim3A_756 : i32 to vector<16xi32>
        %select_n3A_758 = arith.select %gt3A_754, %broadcast_in_dim3A_757, %select_n3A_749 : vector<16xi1>, vector<16xi32>
        %add3A_759 = arith.constant 77 : i32
        %add3A_760 = vector.broadcast %add3A_759 : i32 to vector<16xi32>
        %add3A_761 = arith.addi %add3A_64, %add3A_760 : vector<16xi32>
        %gather3A_762 = tpu.vector_load_idx %arg5[%add3A_761] : memref<51200xf32, #tpu.memory_space<vmem>>[vector<16xi32>], vector<16xf32>,
        %gt3A_763 = arith.cmpf ogt, %gather3A_762, %select_n3A_755 : vector<16xf32>
        %select_n3A_764 = arith.select %gt3A_763, %gather3A_762, %select_n3A_755 : vector<16xi1>, vector<16xf32>
        %broadcast_in_dim3A_765 = arith.constant 77 : i32
        %broadcast_in_dim3A_766 = vector.broadcast %broadcast_in_dim3A_765 : i32 to vector<16xi32>
        %select_n3A_767 = arith.select %gt3A_763, %broadcast_in_dim3A_766, %select_n3A_758 : vector<16xi1>, vector<16xi32>
        %add3A_768 = arith.constant 78 : i32
        %add3A_769 = vector.broadcast %add3A_768 : i32 to vector<16xi32>
        %add3A_770 = arith.addi %add3A_64, %add3A_769 : vector<16xi32>
        %gather3A_771 = tpu.vector_load_idx %arg5[%add3A_770] : memref<51200xf32, #tpu.memory_space<vmem>>[vector<16xi32>], vector<16xf32>,
        %gt3A_772 = arith.cmpf ogt, %gather3A_771, %select_n3A_764 : vector<16xf32>
        %select_n3A_773 = arith.select %gt3A_772, %gather3A_771, %select_n3A_764 : vector<16xi1>, vector<16xf32>
        %broadcast_in_dim3A_774 = arith.constant 78 : i32
        %broadcast_in_dim3A_775 = vector.broadcast %broadcast_in_dim3A_774 : i32 to vector<16xi32>
        %select_n3A_776 = arith.select %gt3A_772, %broadcast_in_dim3A_775, %select_n3A_767 : vector<16xi1>, vector<16xi32>
        %add3A_777 = arith.constant 79 : i32
        %add3A_778 = vector.broadcast %add3A_777 : i32 to vector<16xi32>
        %add3A_779 = arith.addi %add3A_64, %add3A_778 : vector<16xi32>
        %gather3A_780 = tpu.vector_load_idx %arg5[%add3A_779] : memref<51200xf32, #tpu.memory_space<vmem>>[vector<16xi32>], vector<16xf32>,
        %gt3A_781 = arith.cmpf ogt, %gather3A_780, %select_n3A_773 : vector<16xf32>
        %select_n3A_782 = arith.select %gt3A_781, %gather3A_780, %select_n3A_773 : vector<16xi1>, vector<16xf32>
        %broadcast_in_dim3A_783 = arith.constant 79 : i32
        %broadcast_in_dim3A_784 = vector.broadcast %broadcast_in_dim3A_783 : i32 to vector<16xi32>
        %select_n3A_785 = arith.select %gt3A_781, %broadcast_in_dim3A_784, %select_n3A_776 : vector<16xi1>, vector<16xi32>
        %add3A_786 = arith.constant 80 : i32
        %add3A_787 = vector.broadcast %add3A_786 : i32 to vector<16xi32>
        %add3A_788 = arith.addi %add3A_64, %add3A_787 : vector<16xi32>
        %gather3A_789 = tpu.vector_load_idx %arg5[%add3A_788] : memref<51200xf32, #tpu.memory_space<vmem>>[vector<16xi32>], vector<16xf32>,
        %gt3A_790 = arith.cmpf ogt, %gather3A_789, %select_n3A_782 : vector<16xf32>
        %select_n3A_791 = arith.select %gt3A_790, %gather3A_789, %select_n3A_782 : vector<16xi1>, vector<16xf32>
        %broadcast_in_dim3A_792 = arith.constant 80 : i32
        %broadcast_in_dim3A_793 = vector.broadcast %broadcast_in_dim3A_792 : i32 to vector<16xi32>
        %select_n3A_794 = arith.select %gt3A_790, %broadcast_in_dim3A_793, %select_n3A_785 : vector<16xi1>, vector<16xi32>
        %add3A_795 = arith.constant 81 : i32
        %add3A_796 = vector.broadcast %add3A_795 : i32 to vector<16xi32>
        %add3A_797 = arith.addi %add3A_64, %add3A_796 : vector<16xi32>
        %gather3A_798 = tpu.vector_load_idx %arg5[%add3A_797] : memref<51200xf32, #tpu.memory_space<vmem>>[vector<16xi32>], vector<16xf32>,
        %gt3A_799 = arith.cmpf ogt, %gather3A_798, %select_n3A_791 : vector<16xf32>
        %select_n3A_800 = arith.select %gt3A_799, %gather3A_798, %select_n3A_791 : vector<16xi1>, vector<16xf32>
        %broadcast_in_dim3A_801 = arith.constant 81 : i32
        %broadcast_in_dim3A_802 = vector.broadcast %broadcast_in_dim3A_801 : i32 to vector<16xi32>
        %select_n3A_803 = arith.select %gt3A_799, %broadcast_in_dim3A_802, %select_n3A_794 : vector<16xi1>, vector<16xi32>
        %add3A_804 = arith.constant 82 : i32
        %add3A_805 = vector.broadcast %add3A_804 : i32 to vector<16xi32>
        %add3A_806 = arith.addi %add3A_64, %add3A_805 : vector<16xi32>
        %gather3A_807 = tpu.vector_load_idx %arg5[%add3A_806] : memref<51200xf32, #tpu.memory_space<vmem>>[vector<16xi32>], vector<16xf32>,
        %gt3A_808 = arith.cmpf ogt, %gather3A_807, %select_n3A_800 : vector<16xf32>
        %select_n3A_809 = arith.select %gt3A_808, %gather3A_807, %select_n3A_800 : vector<16xi1>, vector<16xf32>
        %broadcast_in_dim3A_810 = arith.constant 82 : i32
        %broadcast_in_dim3A_811 = vector.broadcast %broadcast_in_dim3A_810 : i32 to vector<16xi32>
        %select_n3A_812 = arith.select %gt3A_808, %broadcast_in_dim3A_811, %select_n3A_803 : vector<16xi1>, vector<16xi32>
        %add3A_813 = arith.constant 83 : i32
        %add3A_814 = vector.broadcast %add3A_813 : i32 to vector<16xi32>
        %add3A_815 = arith.addi %add3A_64, %add3A_814 : vector<16xi32>
        %gather3A_816 = tpu.vector_load_idx %arg5[%add3A_815] : memref<51200xf32, #tpu.memory_space<vmem>>[vector<16xi32>], vector<16xf32>,
        %gt3A_817 = arith.cmpf ogt, %gather3A_816, %select_n3A_809 : vector<16xf32>
        %select_n3A_818 = arith.select %gt3A_817, %gather3A_816, %select_n3A_809 : vector<16xi1>, vector<16xf32>
        %broadcast_in_dim3A_819 = arith.constant 83 : i32
        %broadcast_in_dim3A_820 = vector.broadcast %broadcast_in_dim3A_819 : i32 to vector<16xi32>
        %select_n3A_821 = arith.select %gt3A_817, %broadcast_in_dim3A_820, %select_n3A_812 : vector<16xi1>, vector<16xi32>
        %add3A_822 = arith.constant 84 : i32
        %add3A_823 = vector.broadcast %add3A_822 : i32 to vector<16xi32>
        %add3A_824 = arith.addi %add3A_64, %add3A_823 : vector<16xi32>
        %gather3A_825 = tpu.vector_load_idx %arg5[%add3A_824] : memref<51200xf32, #tpu.memory_space<vmem>>[vector<16xi32>], vector<16xf32>,
        %gt3A_826 = arith.cmpf ogt, %gather3A_825, %select_n3A_818 : vector<16xf32>
        %select_n3A_827 = arith.select %gt3A_826, %gather3A_825, %select_n3A_818 : vector<16xi1>, vector<16xf32>
        %broadcast_in_dim3A_828 = arith.constant 84 : i32
        %broadcast_in_dim3A_829 = vector.broadcast %broadcast_in_dim3A_828 : i32 to vector<16xi32>
        %select_n3A_830 = arith.select %gt3A_826, %broadcast_in_dim3A_829, %select_n3A_821 : vector<16xi1>, vector<16xi32>
        %add3A_831 = arith.constant 85 : i32
        %add3A_832 = vector.broadcast %add3A_831 : i32 to vector<16xi32>
        %add3A_833 = arith.addi %add3A_64, %add3A_832 : vector<16xi32>
        %gather3A_834 = tpu.vector_load_idx %arg5[%add3A_833] : memref<51200xf32, #tpu.memory_space<vmem>>[vector<16xi32>], vector<16xf32>,
        %gt3A_835 = arith.cmpf ogt, %gather3A_834, %select_n3A_827 : vector<16xf32>
        %select_n3A_836 = arith.select %gt3A_835, %gather3A_834, %select_n3A_827 : vector<16xi1>, vector<16xf32>
        %broadcast_in_dim3A_837 = arith.constant 85 : i32
        %broadcast_in_dim3A_838 = vector.broadcast %broadcast_in_dim3A_837 : i32 to vector<16xi32>
        %select_n3A_839 = arith.select %gt3A_835, %broadcast_in_dim3A_838, %select_n3A_830 : vector<16xi1>, vector<16xi32>
        %add3A_840 = arith.constant 86 : i32
        %add3A_841 = vector.broadcast %add3A_840 : i32 to vector<16xi32>
        %add3A_842 = arith.addi %add3A_64, %add3A_841 : vector<16xi32>
        %gather3A_843 = tpu.vector_load_idx %arg5[%add3A_842] : memref<51200xf32, #tpu.memory_space<vmem>>[vector<16xi32>], vector<16xf32>,
        %gt3A_844 = arith.cmpf ogt, %gather3A_843, %select_n3A_836 : vector<16xf32>
        %select_n3A_845 = arith.select %gt3A_844, %gather3A_843, %select_n3A_836 : vector<16xi1>, vector<16xf32>
        %broadcast_in_dim3A_846 = arith.constant 86 : i32
        %broadcast_in_dim3A_847 = vector.broadcast %broadcast_in_dim3A_846 : i32 to vector<16xi32>
        %select_n3A_848 = arith.select %gt3A_844, %broadcast_in_dim3A_847, %select_n3A_839 : vector<16xi1>, vector<16xi32>
        %add3A_849 = arith.constant 87 : i32
        %add3A_850 = vector.broadcast %add3A_849 : i32 to vector<16xi32>
        %add3A_851 = arith.addi %add3A_64, %add3A_850 : vector<16xi32>
        %gather3A_852 = tpu.vector_load_idx %arg5[%add3A_851] : memref<51200xf32, #tpu.memory_space<vmem>>[vector<16xi32>], vector<16xf32>,
        %gt3A_853 = arith.cmpf ogt, %gather3A_852, %select_n3A_845 : vector<16xf32>
        %select_n3A_854 = arith.select %gt3A_853, %gather3A_852, %select_n3A_845 : vector<16xi1>, vector<16xf32>
        %broadcast_in_dim3A_855 = arith.constant 87 : i32
        %broadcast_in_dim3A_856 = vector.broadcast %broadcast_in_dim3A_855 : i32 to vector<16xi32>
        %select_n3A_857 = arith.select %gt3A_853, %broadcast_in_dim3A_856, %select_n3A_848 : vector<16xi1>, vector<16xi32>
        %add3A_858 = arith.constant 88 : i32
        %add3A_859 = vector.broadcast %add3A_858 : i32 to vector<16xi32>
        %add3A_860 = arith.addi %add3A_64, %add3A_859 : vector<16xi32>
        %gather3A_861 = tpu.vector_load_idx %arg5[%add3A_860] : memref<51200xf32, #tpu.memory_space<vmem>>[vector<16xi32>], vector<16xf32>,
        %gt3A_862 = arith.cmpf ogt, %gather3A_861, %select_n3A_854 : vector<16xf32>
        %select_n3A_863 = arith.select %gt3A_862, %gather3A_861, %select_n3A_854 : vector<16xi1>, vector<16xf32>
        %broadcast_in_dim3A_864 = arith.constant 88 : i32
        %broadcast_in_dim3A_865 = vector.broadcast %broadcast_in_dim3A_864 : i32 to vector<16xi32>
        %select_n3A_866 = arith.select %gt3A_862, %broadcast_in_dim3A_865, %select_n3A_857 : vector<16xi1>, vector<16xi32>
        %add3A_867 = arith.constant 89 : i32
        %add3A_868 = vector.broadcast %add3A_867 : i32 to vector<16xi32>
        %add3A_869 = arith.addi %add3A_64, %add3A_868 : vector<16xi32>
        %gather3A_870 = tpu.vector_load_idx %arg5[%add3A_869] : memref<51200xf32, #tpu.memory_space<vmem>>[vector<16xi32>], vector<16xf32>,
        %gt3A_871 = arith.cmpf ogt, %gather3A_870, %select_n3A_863 : vector<16xf32>
        %select_n3A_872 = arith.select %gt3A_871, %gather3A_870, %select_n3A_863 : vector<16xi1>, vector<16xf32>
        %broadcast_in_dim3A_873 = arith.constant 89 : i32
        %broadcast_in_dim3A_874 = vector.broadcast %broadcast_in_dim3A_873 : i32 to vector<16xi32>
        %select_n3A_875 = arith.select %gt3A_871, %broadcast_in_dim3A_874, %select_n3A_866 : vector<16xi1>, vector<16xi32>
        %add3A_876 = arith.constant 90 : i32
        %add3A_877 = vector.broadcast %add3A_876 : i32 to vector<16xi32>
        %add3A_878 = arith.addi %add3A_64, %add3A_877 : vector<16xi32>
        %gather3A_879 = tpu.vector_load_idx %arg5[%add3A_878] : memref<51200xf32, #tpu.memory_space<vmem>>[vector<16xi32>], vector<16xf32>,
        %gt3A_880 = arith.cmpf ogt, %gather3A_879, %select_n3A_872 : vector<16xf32>
        %select_n3A_881 = arith.select %gt3A_880, %gather3A_879, %select_n3A_872 : vector<16xi1>, vector<16xf32>
        %broadcast_in_dim3A_882 = arith.constant 90 : i32
        %broadcast_in_dim3A_883 = vector.broadcast %broadcast_in_dim3A_882 : i32 to vector<16xi32>
        %select_n3A_884 = arith.select %gt3A_880, %broadcast_in_dim3A_883, %select_n3A_875 : vector<16xi1>, vector<16xi32>
        %add3A_885 = arith.constant 91 : i32
        %add3A_886 = vector.broadcast %add3A_885 : i32 to vector<16xi32>
        %add3A_887 = arith.addi %add3A_64, %add3A_886 : vector<16xi32>
        %gather3A_888 = tpu.vector_load_idx %arg5[%add3A_887] : memref<51200xf32, #tpu.memory_space<vmem>>[vector<16xi32>], vector<16xf32>,
        %gt3A_889 = arith.cmpf ogt, %gather3A_888, %select_n3A_881 : vector<16xf32>
        %select_n3A_890 = arith.select %gt3A_889, %gather3A_888, %select_n3A_881 : vector<16xi1>, vector<16xf32>
        %broadcast_in_dim3A_891 = arith.constant 91 : i32
        %broadcast_in_dim3A_892 = vector.broadcast %broadcast_in_dim3A_891 : i32 to vector<16xi32>
        %select_n3A_893 = arith.select %gt3A_889, %broadcast_in_dim3A_892, %select_n3A_884 : vector<16xi1>, vector<16xi32>
        %add3A_894 = arith.constant 92 : i32
        %add3A_895 = vector.broadcast %add3A_894 : i32 to vector<16xi32>
        %add3A_896 = arith.addi %add3A_64, %add3A_895 : vector<16xi32>
        %gather3A_897 = tpu.vector_load_idx %arg5[%add3A_896] : memref<51200xf32, #tpu.memory_space<vmem>>[vector<16xi32>], vector<16xf32>,
        %gt3A_898 = arith.cmpf ogt, %gather3A_897, %select_n3A_890 : vector<16xf32>
        %select_n3A_899 = arith.select %gt3A_898, %gather3A_897, %select_n3A_890 : vector<16xi1>, vector<16xf32>
        %broadcast_in_dim3A_900 = arith.constant 92 : i32
        %broadcast_in_dim3A_901 = vector.broadcast %broadcast_in_dim3A_900 : i32 to vector<16xi32>
        %select_n3A_902 = arith.select %gt3A_898, %broadcast_in_dim3A_901, %select_n3A_893 : vector<16xi1>, vector<16xi32>
        %add3A_903 = arith.constant 93 : i32
        %add3A_904 = vector.broadcast %add3A_903 : i32 to vector<16xi32>
        %add3A_905 = arith.addi %add3A_64, %add3A_904 : vector<16xi32>
        %gather3A_906 = tpu.vector_load_idx %arg5[%add3A_905] : memref<51200xf32, #tpu.memory_space<vmem>>[vector<16xi32>], vector<16xf32>,
        %gt3A_907 = arith.cmpf ogt, %gather3A_906, %select_n3A_899 : vector<16xf32>
        %select_n3A_908 = arith.select %gt3A_907, %gather3A_906, %select_n3A_899 : vector<16xi1>, vector<16xf32>
        %broadcast_in_dim3A_909 = arith.constant 93 : i32
        %broadcast_in_dim3A_910 = vector.broadcast %broadcast_in_dim3A_909 : i32 to vector<16xi32>
        %select_n3A_911 = arith.select %gt3A_907, %broadcast_in_dim3A_910, %select_n3A_902 : vector<16xi1>, vector<16xi32>
        %add3A_912 = arith.constant 94 : i32
        %add3A_913 = vector.broadcast %add3A_912 : i32 to vector<16xi32>
        %add3A_914 = arith.addi %add3A_64, %add3A_913 : vector<16xi32>
        %gather3A_915 = tpu.vector_load_idx %arg5[%add3A_914] : memref<51200xf32, #tpu.memory_space<vmem>>[vector<16xi32>], vector<16xf32>,
        %gt3A_916 = arith.cmpf ogt, %gather3A_915, %select_n3A_908 : vector<16xf32>
        %select_n3A_917 = arith.select %gt3A_916, %gather3A_915, %select_n3A_908 : vector<16xi1>, vector<16xf32>
        %broadcast_in_dim3A_918 = arith.constant 94 : i32
        %broadcast_in_dim3A_919 = vector.broadcast %broadcast_in_dim3A_918 : i32 to vector<16xi32>
        %select_n3A_920 = arith.select %gt3A_916, %broadcast_in_dim3A_919, %select_n3A_911 : vector<16xi1>, vector<16xi32>
        %add3A_921 = arith.constant 95 : i32
        %add3A_922 = vector.broadcast %add3A_921 : i32 to vector<16xi32>
        %add3A_923 = arith.addi %add3A_64, %add3A_922 : vector<16xi32>
        %gather3A_924 = tpu.vector_load_idx %arg5[%add3A_923] : memref<51200xf32, #tpu.memory_space<vmem>>[vector<16xi32>], vector<16xf32>,
        %gt3A_925 = arith.cmpf ogt, %gather3A_924, %select_n3A_917 : vector<16xf32>
        %select_n3A_926 = arith.select %gt3A_925, %gather3A_924, %select_n3A_917 : vector<16xi1>, vector<16xf32>
        %broadcast_in_dim3A_927 = arith.constant 95 : i32
        %broadcast_in_dim3A_928 = vector.broadcast %broadcast_in_dim3A_927 : i32 to vector<16xi32>
        %select_n3A_929 = arith.select %gt3A_925, %broadcast_in_dim3A_928, %select_n3A_920 : vector<16xi1>, vector<16xi32>
        %add3A_930 = arith.constant 96 : i32
        %add3A_931 = vector.broadcast %add3A_930 : i32 to vector<16xi32>
        %add3A_932 = arith.addi %add3A_64, %add3A_931 : vector<16xi32>
        %gather3A_933 = tpu.vector_load_idx %arg5[%add3A_932] : memref<51200xf32, #tpu.memory_space<vmem>>[vector<16xi32>], vector<16xf32>,
        %gt3A_934 = arith.cmpf ogt, %gather3A_933, %select_n3A_926 : vector<16xf32>
        %select_n3A_935 = arith.select %gt3A_934, %gather3A_933, %select_n3A_926 : vector<16xi1>, vector<16xf32>
        %broadcast_in_dim3A_936 = arith.constant 96 : i32
        %broadcast_in_dim3A_937 = vector.broadcast %broadcast_in_dim3A_936 : i32 to vector<16xi32>
        %select_n3A_938 = arith.select %gt3A_934, %broadcast_in_dim3A_937, %select_n3A_929 : vector<16xi1>, vector<16xi32>
        %add3A_939 = arith.constant 97 : i32
        %add3A_940 = vector.broadcast %add3A_939 : i32 to vector<16xi32>
        %add3A_941 = arith.addi %add3A_64, %add3A_940 : vector<16xi32>
        %gather3A_942 = tpu.vector_load_idx %arg5[%add3A_941] : memref<51200xf32, #tpu.memory_space<vmem>>[vector<16xi32>], vector<16xf32>,
        %gt3A_943 = arith.cmpf ogt, %gather3A_942, %select_n3A_935 : vector<16xf32>
        %select_n3A_944 = arith.select %gt3A_943, %gather3A_942, %select_n3A_935 : vector<16xi1>, vector<16xf32>
        %broadcast_in_dim3A_945 = arith.constant 97 : i32
        %broadcast_in_dim3A_946 = vector.broadcast %broadcast_in_dim3A_945 : i32 to vector<16xi32>
        %select_n3A_947 = arith.select %gt3A_943, %broadcast_in_dim3A_946, %select_n3A_938 : vector<16xi1>, vector<16xi32>
        %add3A_948 = arith.constant 98 : i32
        %add3A_949 = vector.broadcast %add3A_948 : i32 to vector<16xi32>
        %add3A_950 = arith.addi %add3A_64, %add3A_949 : vector<16xi32>
        %gather3A_951 = tpu.vector_load_idx %arg5[%add3A_950] : memref<51200xf32, #tpu.memory_space<vmem>>[vector<16xi32>], vector<16xf32>,
        %gt3A_952 = arith.cmpf ogt, %gather3A_951, %select_n3A_944 : vector<16xf32>
        %select_n3A_953 = arith.select %gt3A_952, %gather3A_951, %select_n3A_944 : vector<16xi1>, vector<16xf32>
        %broadcast_in_dim3A_954 = arith.constant 98 : i32
        %broadcast_in_dim3A_955 = vector.broadcast %broadcast_in_dim3A_954 : i32 to vector<16xi32>
        %select_n3A_956 = arith.select %gt3A_952, %broadcast_in_dim3A_955, %select_n3A_947 : vector<16xi1>, vector<16xi32>
        %add3A_957 = arith.constant 99 : i32
        %add3A_958 = vector.broadcast %add3A_957 : i32 to vector<16xi32>
        %add3A_959 = arith.addi %add3A_64, %add3A_958 : vector<16xi32>
        %gather3A_960 = tpu.vector_load_idx %arg5[%add3A_959] : memref<51200xf32, #tpu.memory_space<vmem>>[vector<16xi32>], vector<16xf32>,
        %gt3A_961 = arith.cmpf ogt, %gather3A_960, %select_n3A_953 : vector<16xf32>
        %select_n3A_962 = arith.select %gt3A_961, %gather3A_960, %select_n3A_953 : vector<16xi1>, vector<16xf32>
        %broadcast_in_dim3A_963 = arith.constant 99 : i32
        %broadcast_in_dim3A_964 = vector.broadcast %broadcast_in_dim3A_963 : i32 to vector<16xi32>
        %select_n3A_965 = arith.select %gt3A_961, %broadcast_in_dim3A_964, %select_n3A_956 : vector<16xi1>, vector<16xi32>
        %add3A_966 = arith.constant 0 : i32
        %add3A_967 = vector.broadcast %add3A_966 : i32 to vector<16xi32>
        %add3A_968 = arith.addi %add3A_64, %add3A_967 : vector<16xi32>
        %gather3A_969 = tpu.vector_load_idx %arg5[%add3A_968] : memref<51200xf32, #tpu.memory_space<vmem>>[vector<16xi32>], vector<16xf32>,
        %sub3A = arith.subf %gather3A_969, %select_n3A_962 : vector<16xf32>
        %exp3A = math.exp %sub3A : vector<16xf32>
        %add3A_970 = arith.addf %broadcast_in_dim3A_3, %exp3A : vector<16xf32>
        %add3A_971 = arith.constant 1 : i32
        %add3A_972 = vector.broadcast %add3A_971 : i32 to vector<16xi32>
        %add3A_973 = arith.addi %add3A_64, %add3A_972 : vector<16xi32>
        %gather3A_974 = tpu.vector_load_idx %arg5[%add3A_973] : memref<51200xf32, #tpu.memory_space<vmem>>[vector<16xi32>], vector<16xf32>,
        %sub3A_975 = arith.subf %gather3A_974, %select_n3A_962 : vector<16xf32>
        %exp3A_976 = math.exp %sub3A_975 : vector<16xf32>
        %add3A_977 = arith.addf %add3A_970, %exp3A_976 : vector<16xf32>
        %add3A_978 = arith.constant 2 : i32
        %add3A_979 = vector.broadcast %add3A_978 : i32 to vector<16xi32>
        %add3A_980 = arith.addi %add3A_64, %add3A_979 : vector<16xi32>
        %gather3A_981 = tpu.vector_load_idx %arg5[%add3A_980] : memref<51200xf32, #tpu.memory_space<vmem>>[vector<16xi32>], vector<16xf32>,
        %sub3A_982 = arith.subf %gather3A_981, %select_n3A_962 : vector<16xf32>
        %exp3A_983 = math.exp %sub3A_982 : vector<16xf32>
        %add3A_984 = arith.addf %add3A_977, %exp3A_983 : vector<16xf32>
        %add3A_985 = arith.constant 3 : i32
        %add3A_986 = vector.broadcast %add3A_985 : i32 to vector<16xi32>
        %add3A_987 = arith.addi %add3A_64, %add3A_986 : vector<16xi32>
        %gather3A_988 = tpu.vector_load_idx %arg5[%add3A_987] : memref<51200xf32, #tpu.memory_space<vmem>>[vector<16xi32>], vector<16xf32>,
        %sub3A_989 = arith.subf %gather3A_988, %select_n3A_962 : vector<16xf32>
        %exp3A_990 = math.exp %sub3A_989 : vector<16xf32>
        %add3A_991 = arith.addf %add3A_984, %exp3A_990 : vector<16xf32>
        %add3A_992 = arith.constant 4 : i32
        %add3A_993 = vector.broadcast %add3A_992 : i32 to vector<16xi32>
        %add3A_994 = arith.addi %add3A_64, %add3A_993 : vector<16xi32>
        %gather3A_995 = tpu.vector_load_idx %arg5[%add3A_994] : memref<51200xf32, #tpu.memory_space<vmem>>[vector<16xi32>], vector<16xf32>,
        %sub3A_996 = arith.subf %gather3A_995, %select_n3A_962 : vector<16xf32>
        %exp3A_997 = math.exp %sub3A_996 : vector<16xf32>
        %add3A_998 = arith.addf %add3A_991, %exp3A_997 : vector<16xf32>
        %add3A_999 = arith.constant 5 : i32
        %add3A_1000 = vector.broadcast %add3A_999 : i32 to vector<16xi32>
        %add3A_1001 = arith.addi %add3A_64, %add3A_1000 : vector<16xi32>
        %gather3A_1002 = tpu.vector_load_idx %arg5[%add3A_1001] : memref<51200xf32, #tpu.memory_space<vmem>>[vector<16xi32>], vector<16xf32>,
        %sub3A_1003 = arith.subf %gather3A_1002, %select_n3A_962 : vector<16xf32>
        %exp3A_1004 = math.exp %sub3A_1003 : vector<16xf32>
        %add3A_1005 = arith.addf %add3A_998, %exp3A_1004 : vector<16xf32>
        %add3A_1006 = arith.constant 6 : i32
        %add3A_1007 = vector.broadcast %add3A_1006 : i32 to vector<16xi32>
        %add3A_1008 = arith.addi %add3A_64, %add3A_1007 : vector<16xi32>
        %gather3A_1009 = tpu.vector_load_idx %arg5[%add3A_1008] : memref<51200xf32, #tpu.memory_space<vmem>>[vector<16xi32>], vector<16xf32>,
        %sub3A_1010 = arith.subf %gather3A_1009, %select_n3A_962 : vector<16xf32>
        %exp3A_1011 = math.exp %sub3A_1010 : vector<16xf32>
        %add3A_1012 = arith.addf %add3A_1005, %exp3A_1011 : vector<16xf32>
        %add3A_1013 = arith.constant 7 : i32
        %add3A_1014 = vector.broadcast %add3A_1013 : i32 to vector<16xi32>
        %add3A_1015 = arith.addi %add3A_64, %add3A_1014 : vector<16xi32>
        %gather3A_1016 = tpu.vector_load_idx %arg5[%add3A_1015] : memref<51200xf32, #tpu.memory_space<vmem>>[vector<16xi32>], vector<16xf32>,
        %sub3A_1017 = arith.subf %gather3A_1016, %select_n3A_962 : vector<16xf32>
        %exp3A_1018 = math.exp %sub3A_1017 : vector<16xf32>
        %add3A_1019 = arith.addf %add3A_1012, %exp3A_1018 : vector<16xf32>
        %add3A_1020 = arith.constant 8 : i32
        %add3A_1021 = vector.broadcast %add3A_1020 : i32 to vector<16xi32>
        %add3A_1022 = arith.addi %add3A_64, %add3A_1021 : vector<16xi32>
        %gather3A_1023 = tpu.vector_load_idx %arg5[%add3A_1022] : memref<51200xf32, #tpu.memory_space<vmem>>[vector<16xi32>], vector<16xf32>,
        %sub3A_1024 = arith.subf %gather3A_1023, %select_n3A_962 : vector<16xf32>
        %exp3A_1025 = math.exp %sub3A_1024 : vector<16xf32>
        %add3A_1026 = arith.addf %add3A_1019, %exp3A_1025 : vector<16xf32>
        %add3A_1027 = arith.constant 9 : i32
        %add3A_1028 = vector.broadcast %add3A_1027 : i32 to vector<16xi32>
        %add3A_1029 = arith.addi %add3A_64, %add3A_1028 : vector<16xi32>
        %gather3A_1030 = tpu.vector_load_idx %arg5[%add3A_1029] : memref<51200xf32, #tpu.memory_space<vmem>>[vector<16xi32>], vector<16xf32>,
        %sub3A_1031 = arith.subf %gather3A_1030, %select_n3A_962 : vector<16xf32>
        %exp3A_1032 = math.exp %sub3A_1031 : vector<16xf32>
        %add3A_1033 = arith.addf %add3A_1026, %exp3A_1032 : vector<16xf32>
        %add3A_1034 = arith.constant 10 : i32
        %add3A_1035 = vector.broadcast %add3A_1034 : i32 to vector<16xi32>
        %add3A_1036 = arith.addi %add3A_64, %add3A_1035 : vector<16xi32>
        %gather3A_1037 = tpu.vector_load_idx %arg5[%add3A_1036] : memref<51200xf32, #tpu.memory_space<vmem>>[vector<16xi32>], vector<16xf32>,
        %sub3A_1038 = arith.subf %gather3A_1037, %select_n3A_962 : vector<16xf32>
        %exp3A_1039 = math.exp %sub3A_1038 : vector<16xf32>
        %add3A_1040 = arith.addf %add3A_1033, %exp3A_1039 : vector<16xf32>
        %add3A_1041 = arith.constant 11 : i32
        %add3A_1042 = vector.broadcast %add3A_1041 : i32 to vector<16xi32>
        %add3A_1043 = arith.addi %add3A_64, %add3A_1042 : vector<16xi32>
        %gather3A_1044 = tpu.vector_load_idx %arg5[%add3A_1043] : memref<51200xf32, #tpu.memory_space<vmem>>[vector<16xi32>], vector<16xf32>,
        %sub3A_1045 = arith.subf %gather3A_1044, %select_n3A_962 : vector<16xf32>
        %exp3A_1046 = math.exp %sub3A_1045 : vector<16xf32>
        %add3A_1047 = arith.addf %add3A_1040, %exp3A_1046 : vector<16xf32>
        %add3A_1048 = arith.constant 12 : i32
        %add3A_1049 = vector.broadcast %add3A_1048 : i32 to vector<16xi32>
        %add3A_1050 = arith.addi %add3A_64, %add3A_1049 : vector<16xi32>
        %gather3A_1051 = tpu.vector_load_idx %arg5[%add3A_1050] : memref<51200xf32, #tpu.memory_space<vmem>>[vector<16xi32>], vector<16xf32>,
        %sub3A_1052 = arith.subf %gather3A_1051, %select_n3A_962 : vector<16xf32>
        %exp3A_1053 = math.exp %sub3A_1052 : vector<16xf32>
        %add3A_1054 = arith.addf %add3A_1047, %exp3A_1053 : vector<16xf32>
        %add3A_1055 = arith.constant 13 : i32
        %add3A_1056 = vector.broadcast %add3A_1055 : i32 to vector<16xi32>
        %add3A_1057 = arith.addi %add3A_64, %add3A_1056 : vector<16xi32>
        %gather3A_1058 = tpu.vector_load_idx %arg5[%add3A_1057] : memref<51200xf32, #tpu.memory_space<vmem>>[vector<16xi32>], vector<16xf32>,
        %sub3A_1059 = arith.subf %gather3A_1058, %select_n3A_962 : vector<16xf32>
        %exp3A_1060 = math.exp %sub3A_1059 : vector<16xf32>
        %add3A_1061 = arith.addf %add3A_1054, %exp3A_1060 : vector<16xf32>
        %add3A_1062 = arith.constant 14 : i32
        %add3A_1063 = vector.broadcast %add3A_1062 : i32 to vector<16xi32>
        %add3A_1064 = arith.addi %add3A_64, %add3A_1063 : vector<16xi32>
        %gather3A_1065 = tpu.vector_load_idx %arg5[%add3A_1064] : memref<51200xf32, #tpu.memory_space<vmem>>[vector<16xi32>], vector<16xf32>,
        %sub3A_1066 = arith.subf %gather3A_1065, %select_n3A_962 : vector<16xf32>
        %exp3A_1067 = math.exp %sub3A_1066 : vector<16xf32>
        %add3A_1068 = arith.addf %add3A_1061, %exp3A_1067 : vector<16xf32>
        %add3A_1069 = arith.constant 15 : i32
        %add3A_1070 = vector.broadcast %add3A_1069 : i32 to vector<16xi32>
        %add3A_1071 = arith.addi %add3A_64, %add3A_1070 : vector<16xi32>
        %gather3A_1072 = tpu.vector_load_idx %arg5[%add3A_1071] : memref<51200xf32, #tpu.memory_space<vmem>>[vector<16xi32>], vector<16xf32>,
        %sub3A_1073 = arith.subf %gather3A_1072, %select_n3A_962 : vector<16xf32>
        %exp3A_1074 = math.exp %sub3A_1073 : vector<16xf32>
        %add3A_1075 = arith.addf %add3A_1068, %exp3A_1074 : vector<16xf32>
        %add3A_1076 = arith.constant 16 : i32
        %add3A_1077 = vector.broadcast %add3A_1076 : i32 to vector<16xi32>
        %add3A_1078 = arith.addi %add3A_64, %add3A_1077 : vector<16xi32>
        %gather3A_1079 = tpu.vector_load_idx %arg5[%add3A_1078] : memref<51200xf32, #tpu.memory_space<vmem>>[vector<16xi32>], vector<16xf32>,
        %sub3A_1080 = arith.subf %gather3A_1079, %select_n3A_962 : vector<16xf32>
        %exp3A_1081 = math.exp %sub3A_1080 : vector<16xf32>
        %add3A_1082 = arith.addf %add3A_1075, %exp3A_1081 : vector<16xf32>
        %add3A_1083 = arith.constant 17 : i32
        %add3A_1084 = vector.broadcast %add3A_1083 : i32 to vector<16xi32>
        %add3A_1085 = arith.addi %add3A_64, %add3A_1084 : vector<16xi32>
        %gather3A_1086 = tpu.vector_load_idx %arg5[%add3A_1085] : memref<51200xf32, #tpu.memory_space<vmem>>[vector<16xi32>], vector<16xf32>,
        %sub3A_1087 = arith.subf %gather3A_1086, %select_n3A_962 : vector<16xf32>
        %exp3A_1088 = math.exp %sub3A_1087 : vector<16xf32>
        %add3A_1089 = arith.addf %add3A_1082, %exp3A_1088 : vector<16xf32>
        %add3A_1090 = arith.constant 18 : i32
        %add3A_1091 = vector.broadcast %add3A_1090 : i32 to vector<16xi32>
        %add3A_1092 = arith.addi %add3A_64, %add3A_1091 : vector<16xi32>
        %gather3A_1093 = tpu.vector_load_idx %arg5[%add3A_1092] : memref<51200xf32, #tpu.memory_space<vmem>>[vector<16xi32>], vector<16xf32>,
        %sub3A_1094 = arith.subf %gather3A_1093, %select_n3A_962 : vector<16xf32>
        %exp3A_1095 = math.exp %sub3A_1094 : vector<16xf32>
        %add3A_1096 = arith.addf %add3A_1089, %exp3A_1095 : vector<16xf32>
        %add3A_1097 = arith.constant 19 : i32
        %add3A_1098 = vector.broadcast %add3A_1097 : i32 to vector<16xi32>
        %add3A_1099 = arith.addi %add3A_64, %add3A_1098 : vector<16xi32>
        %gather3A_1100 = tpu.vector_load_idx %arg5[%add3A_1099] : memref<51200xf32, #tpu.memory_space<vmem>>[vector<16xi32>], vector<16xf32>,
        %sub3A_1101 = arith.subf %gather3A_1100, %select_n3A_962 : vector<16xf32>
        %exp3A_1102 = math.exp %sub3A_1101 : vector<16xf32>
        %add3A_1103 = arith.addf %add3A_1096, %exp3A_1102 : vector<16xf32>
        %add3A_1104 = arith.constant 20 : i32
        %add3A_1105 = vector.broadcast %add3A_1104 : i32 to vector<16xi32>
        %add3A_1106 = arith.addi %add3A_64, %add3A_1105 : vector<16xi32>
        %gather3A_1107 = tpu.vector_load_idx %arg5[%add3A_1106] : memref<51200xf32, #tpu.memory_space<vmem>>[vector<16xi32>], vector<16xf32>,
        %sub3A_1108 = arith.subf %gather3A_1107, %select_n3A_962 : vector<16xf32>
        %exp3A_1109 = math.exp %sub3A_1108 : vector<16xf32>
        %add3A_1110 = arith.addf %add3A_1103, %exp3A_1109 : vector<16xf32>
        %add3A_1111 = arith.constant 21 : i32
        %add3A_1112 = vector.broadcast %add3A_1111 : i32 to vector<16xi32>
        %add3A_1113 = arith.addi %add3A_64, %add3A_1112 : vector<16xi32>
        %gather3A_1114 = tpu.vector_load_idx %arg5[%add3A_1113] : memref<51200xf32, #tpu.memory_space<vmem>>[vector<16xi32>], vector<16xf32>,
        %sub3A_1115 = arith.subf %gather3A_1114, %select_n3A_962 : vector<16xf32>
        %exp3A_1116 = math.exp %sub3A_1115 : vector<16xf32>
        %add3A_1117 = arith.addf %add3A_1110, %exp3A_1116 : vector<16xf32>
        %add3A_1118 = arith.constant 22 : i32
        %add3A_1119 = vector.broadcast %add3A_1118 : i32 to vector<16xi32>
        %add3A_1120 = arith.addi %add3A_64, %add3A_1119 : vector<16xi32>
        %gather3A_1121 = tpu.vector_load_idx %arg5[%add3A_1120] : memref<51200xf32, #tpu.memory_space<vmem>>[vector<16xi32>], vector<16xf32>,
        %sub3A_1122 = arith.subf %gather3A_1121, %select_n3A_962 : vector<16xf32>
        %exp3A_1123 = math.exp %sub3A_1122 : vector<16xf32>
        %add3A_1124 = arith.addf %add3A_1117, %exp3A_1123 : vector<16xf32>
        %add3A_1125 = arith.constant 23 : i32
        %add3A_1126 = vector.broadcast %add3A_1125 : i32 to vector<16xi32>
        %add3A_1127 = arith.addi %add3A_64, %add3A_1126 : vector<16xi32>
        %gather3A_1128 = tpu.vector_load_idx %arg5[%add3A_1127] : memref<51200xf32, #tpu.memory_space<vmem>>[vector<16xi32>], vector<16xf32>,
        %sub3A_1129 = arith.subf %gather3A_1128, %select_n3A_962 : vector<16xf32>
        %exp3A_1130 = math.exp %sub3A_1129 : vector<16xf32>
        %add3A_1131 = arith.addf %add3A_1124, %exp3A_1130 : vector<16xf32>
        %add3A_1132 = arith.constant 24 : i32
        %add3A_1133 = vector.broadcast %add3A_1132 : i32 to vector<16xi32>
        %add3A_1134 = arith.addi %add3A_64, %add3A_1133 : vector<16xi32>
        %gather3A_1135 = tpu.vector_load_idx %arg5[%add3A_1134] : memref<51200xf32, #tpu.memory_space<vmem>>[vector<16xi32>], vector<16xf32>,
        %sub3A_1136 = arith.subf %gather3A_1135, %select_n3A_962 : vector<16xf32>
        %exp3A_1137 = math.exp %sub3A_1136 : vector<16xf32>
        %add3A_1138 = arith.addf %add3A_1131, %exp3A_1137 : vector<16xf32>
        %add3A_1139 = arith.constant 25 : i32
        %add3A_1140 = vector.broadcast %add3A_1139 : i32 to vector<16xi32>
        %add3A_1141 = arith.addi %add3A_64, %add3A_1140 : vector<16xi32>
        %gather3A_1142 = tpu.vector_load_idx %arg5[%add3A_1141] : memref<51200xf32, #tpu.memory_space<vmem>>[vector<16xi32>], vector<16xf32>,
        %sub3A_1143 = arith.subf %gather3A_1142, %select_n3A_962 : vector<16xf32>
        %exp3A_1144 = math.exp %sub3A_1143 : vector<16xf32>
        %add3A_1145 = arith.addf %add3A_1138, %exp3A_1144 : vector<16xf32>
        %add3A_1146 = arith.constant 26 : i32
        %add3A_1147 = vector.broadcast %add3A_1146 : i32 to vector<16xi32>
        %add3A_1148 = arith.addi %add3A_64, %add3A_1147 : vector<16xi32>
        %gather3A_1149 = tpu.vector_load_idx %arg5[%add3A_1148] : memref<51200xf32, #tpu.memory_space<vmem>>[vector<16xi32>], vector<16xf32>,
        %sub3A_1150 = arith.subf %gather3A_1149, %select_n3A_962 : vector<16xf32>
        %exp3A_1151 = math.exp %sub3A_1150 : vector<16xf32>
        %add3A_1152 = arith.addf %add3A_1145, %exp3A_1151 : vector<16xf32>
        %add3A_1153 = arith.constant 27 : i32
        %add3A_1154 = vector.broadcast %add3A_1153 : i32 to vector<16xi32>
        %add3A_1155 = arith.addi %add3A_64, %add3A_1154 : vector<16xi32>
        %gather3A_1156 = tpu.vector_load_idx %arg5[%add3A_1155] : memref<51200xf32, #tpu.memory_space<vmem>>[vector<16xi32>], vector<16xf32>,
        %sub3A_1157 = arith.subf %gather3A_1156, %select_n3A_962 : vector<16xf32>
        %exp3A_1158 = math.exp %sub3A_1157 : vector<16xf32>
        %add3A_1159 = arith.addf %add3A_1152, %exp3A_1158 : vector<16xf32>
        %add3A_1160 = arith.constant 28 : i32
        %add3A_1161 = vector.broadcast %add3A_1160 : i32 to vector<16xi32>
        %add3A_1162 = arith.addi %add3A_64, %add3A_1161 : vector<16xi32>
        %gather3A_1163 = tpu.vector_load_idx %arg5[%add3A_1162] : memref<51200xf32, #tpu.memory_space<vmem>>[vector<16xi32>], vector<16xf32>,
        %sub3A_1164 = arith.subf %gather3A_1163, %select_n3A_962 : vector<16xf32>
        %exp3A_1165 = math.exp %sub3A_1164 : vector<16xf32>
        %add3A_1166 = arith.addf %add3A_1159, %exp3A_1165 : vector<16xf32>
        %add3A_1167 = arith.constant 29 : i32
        %add3A_1168 = vector.broadcast %add3A_1167 : i32 to vector<16xi32>
        %add3A_1169 = arith.addi %add3A_64, %add3A_1168 : vector<16xi32>
        %gather3A_1170 = tpu.vector_load_idx %arg5[%add3A_1169] : memref<51200xf32, #tpu.memory_space<vmem>>[vector<16xi32>], vector<16xf32>,
        %sub3A_1171 = arith.subf %gather3A_1170, %select_n3A_962 : vector<16xf32>
        %exp3A_1172 = math.exp %sub3A_1171 : vector<16xf32>
        %add3A_1173 = arith.addf %add3A_1166, %exp3A_1172 : vector<16xf32>
        %add3A_1174 = arith.constant 30 : i32
        %add3A_1175 = vector.broadcast %add3A_1174 : i32 to vector<16xi32>
        %add3A_1176 = arith.addi %add3A_64, %add3A_1175 : vector<16xi32>
        %gather3A_1177 = tpu.vector_load_idx %arg5[%add3A_1176] : memref<51200xf32, #tpu.memory_space<vmem>>[vector<16xi32>], vector<16xf32>,
        %sub3A_1178 = arith.subf %gather3A_1177, %select_n3A_962 : vector<16xf32>
        %exp3A_1179 = math.exp %sub3A_1178 : vector<16xf32>
        %add3A_1180 = arith.addf %add3A_1173, %exp3A_1179 : vector<16xf32>
        %add3A_1181 = arith.constant 31 : i32
        %add3A_1182 = vector.broadcast %add3A_1181 : i32 to vector<16xi32>
        %add3A_1183 = arith.addi %add3A_64, %add3A_1182 : vector<16xi32>
        %gather3A_1184 = tpu.vector_load_idx %arg5[%add3A_1183] : memref<51200xf32, #tpu.memory_space<vmem>>[vector<16xi32>], vector<16xf32>,
        %sub3A_1185 = arith.subf %gather3A_1184, %select_n3A_962 : vector<16xf32>
        %exp3A_1186 = math.exp %sub3A_1185 : vector<16xf32>
        %add3A_1187 = arith.addf %add3A_1180, %exp3A_1186 : vector<16xf32>
        %add3A_1188 = arith.constant 32 : i32
        %add3A_1189 = vector.broadcast %add3A_1188 : i32 to vector<16xi32>
        %add3A_1190 = arith.addi %add3A_64, %add3A_1189 : vector<16xi32>
        %gather3A_1191 = tpu.vector_load_idx %arg5[%add3A_1190] : memref<51200xf32, #tpu.memory_space<vmem>>[vector<16xi32>], vector<16xf32>,
        %sub3A_1192 = arith.subf %gather3A_1191, %select_n3A_962 : vector<16xf32>
        %exp3A_1193 = math.exp %sub3A_1192 : vector<16xf32>
        %add3A_1194 = arith.addf %add3A_1187, %exp3A_1193 : vector<16xf32>
        %add3A_1195 = arith.constant 33 : i32
        %add3A_1196 = vector.broadcast %add3A_1195 : i32 to vector<16xi32>
        %add3A_1197 = arith.addi %add3A_64, %add3A_1196 : vector<16xi32>
        %gather3A_1198 = tpu.vector_load_idx %arg5[%add3A_1197] : memref<51200xf32, #tpu.memory_space<vmem>>[vector<16xi32>], vector<16xf32>,
        %sub3A_1199 = arith.subf %gather3A_1198, %select_n3A_962 : vector<16xf32>
        %exp3A_1200 = math.exp %sub3A_1199 : vector<16xf32>
        %add3A_1201 = arith.addf %add3A_1194, %exp3A_1200 : vector<16xf32>
        %add3A_1202 = arith.constant 34 : i32
        %add3A_1203 = vector.broadcast %add3A_1202 : i32 to vector<16xi32>
        %add3A_1204 = arith.addi %add3A_64, %add3A_1203 : vector<16xi32>
        %gather3A_1205 = tpu.vector_load_idx %arg5[%add3A_1204] : memref<51200xf32, #tpu.memory_space<vmem>>[vector<16xi32>], vector<16xf32>,
        %sub3A_1206 = arith.subf %gather3A_1205, %select_n3A_962 : vector<16xf32>
        %exp3A_1207 = math.exp %sub3A_1206 : vector<16xf32>
        %add3A_1208 = arith.addf %add3A_1201, %exp3A_1207 : vector<16xf32>
        %add3A_1209 = arith.constant 35 : i32
        %add3A_1210 = vector.broadcast %add3A_1209 : i32 to vector<16xi32>
        %add3A_1211 = arith.addi %add3A_64, %add3A_1210 : vector<16xi32>
        %gather3A_1212 = tpu.vector_load_idx %arg5[%add3A_1211] : memref<51200xf32, #tpu.memory_space<vmem>>[vector<16xi32>], vector<16xf32>,
        %sub3A_1213 = arith.subf %gather3A_1212, %select_n3A_962 : vector<16xf32>
        %exp3A_1214 = math.exp %sub3A_1213 : vector<16xf32>
        %add3A_1215 = arith.addf %add3A_1208, %exp3A_1214 : vector<16xf32>
        %add3A_1216 = arith.constant 36 : i32
        %add3A_1217 = vector.broadcast %add3A_1216 : i32 to vector<16xi32>
        %add3A_1218 = arith.addi %add3A_64, %add3A_1217 : vector<16xi32>
        %gather3A_1219 = tpu.vector_load_idx %arg5[%add3A_1218] : memref<51200xf32, #tpu.memory_space<vmem>>[vector<16xi32>], vector<16xf32>,
        %sub3A_1220 = arith.subf %gather3A_1219, %select_n3A_962 : vector<16xf32>
        %exp3A_1221 = math.exp %sub3A_1220 : vector<16xf32>
        %add3A_1222 = arith.addf %add3A_1215, %exp3A_1221 : vector<16xf32>
        %add3A_1223 = arith.constant 37 : i32
        %add3A_1224 = vector.broadcast %add3A_1223 : i32 to vector<16xi32>
        %add3A_1225 = arith.addi %add3A_64, %add3A_1224 : vector<16xi32>
        %gather3A_1226 = tpu.vector_load_idx %arg5[%add3A_1225] : memref<51200xf32, #tpu.memory_space<vmem>>[vector<16xi32>], vector<16xf32>,
        %sub3A_1227 = arith.subf %gather3A_1226, %select_n3A_962 : vector<16xf32>
        %exp3A_1228 = math.exp %sub3A_1227 : vector<16xf32>
        %add3A_1229 = arith.addf %add3A_1222, %exp3A_1228 : vector<16xf32>
        %add3A_1230 = arith.constant 38 : i32
        %add3A_1231 = vector.broadcast %add3A_1230 : i32 to vector<16xi32>
        %add3A_1232 = arith.addi %add3A_64, %add3A_1231 : vector<16xi32>
        %gather3A_1233 = tpu.vector_load_idx %arg5[%add3A_1232] : memref<51200xf32, #tpu.memory_space<vmem>>[vector<16xi32>], vector<16xf32>,
        %sub3A_1234 = arith.subf %gather3A_1233, %select_n3A_962 : vector<16xf32>
        %exp3A_1235 = math.exp %sub3A_1234 : vector<16xf32>
        %add3A_1236 = arith.addf %add3A_1229, %exp3A_1235 : vector<16xf32>
        %add3A_1237 = arith.constant 39 : i32
        %add3A_1238 = vector.broadcast %add3A_1237 : i32 to vector<16xi32>
        %add3A_1239 = arith.addi %add3A_64, %add3A_1238 : vector<16xi32>
        %gather3A_1240 = tpu.vector_load_idx %arg5[%add3A_1239] : memref<51200xf32, #tpu.memory_space<vmem>>[vector<16xi32>], vector<16xf32>,
        %sub3A_1241 = arith.subf %gather3A_1240, %select_n3A_962 : vector<16xf32>
        %exp3A_1242 = math.exp %sub3A_1241 : vector<16xf32>
        %add3A_1243 = arith.addf %add3A_1236, %exp3A_1242 : vector<16xf32>
        %add3A_1244 = arith.constant 40 : i32
        %add3A_1245 = vector.broadcast %add3A_1244 : i32 to vector<16xi32>
        %add3A_1246 = arith.addi %add3A_64, %add3A_1245 : vector<16xi32>
        %gather3A_1247 = tpu.vector_load_idx %arg5[%add3A_1246] : memref<51200xf32, #tpu.memory_space<vmem>>[vector<16xi32>], vector<16xf32>,
        %sub3A_1248 = arith.subf %gather3A_1247, %select_n3A_962 : vector<16xf32>
        %exp3A_1249 = math.exp %sub3A_1248 : vector<16xf32>
        %add3A_1250 = arith.addf %add3A_1243, %exp3A_1249 : vector<16xf32>
        %add3A_1251 = arith.constant 41 : i32
        %add3A_1252 = vector.broadcast %add3A_1251 : i32 to vector<16xi32>
        %add3A_1253 = arith.addi %add3A_64, %add3A_1252 : vector<16xi32>
        %gather3A_1254 = tpu.vector_load_idx %arg5[%add3A_1253] : memref<51200xf32, #tpu.memory_space<vmem>>[vector<16xi32>], vector<16xf32>,
        %sub3A_1255 = arith.subf %gather3A_1254, %select_n3A_962 : vector<16xf32>
        %exp3A_1256 = math.exp %sub3A_1255 : vector<16xf32>
        %add3A_1257 = arith.addf %add3A_1250, %exp3A_1256 : vector<16xf32>
        %add3A_1258 = arith.constant 42 : i32
        %add3A_1259 = vector.broadcast %add3A_1258 : i32 to vector<16xi32>
        %add3A_1260 = arith.addi %add3A_64, %add3A_1259 : vector<16xi32>
        %gather3A_1261 = tpu.vector_load_idx %arg5[%add3A_1260] : memref<51200xf32, #tpu.memory_space<vmem>>[vector<16xi32>], vector<16xf32>,
        %sub3A_1262 = arith.subf %gather3A_1261, %select_n3A_962 : vector<16xf32>
        %exp3A_1263 = math.exp %sub3A_1262 : vector<16xf32>
        %add3A_1264 = arith.addf %add3A_1257, %exp3A_1263 : vector<16xf32>
        %add3A_1265 = arith.constant 43 : i32
        %add3A_1266 = vector.broadcast %add3A_1265 : i32 to vector<16xi32>
        %add3A_1267 = arith.addi %add3A_64, %add3A_1266 : vector<16xi32>
        %gather3A_1268 = tpu.vector_load_idx %arg5[%add3A_1267] : memref<51200xf32, #tpu.memory_space<vmem>>[vector<16xi32>], vector<16xf32>,
        %sub3A_1269 = arith.subf %gather3A_1268, %select_n3A_962 : vector<16xf32>
        %exp3A_1270 = math.exp %sub3A_1269 : vector<16xf32>
        %add3A_1271 = arith.addf %add3A_1264, %exp3A_1270 : vector<16xf32>
        %add3A_1272 = arith.constant 44 : i32
        %add3A_1273 = vector.broadcast %add3A_1272 : i32 to vector<16xi32>
        %add3A_1274 = arith.addi %add3A_64, %add3A_1273 : vector<16xi32>
        %gather3A_1275 = tpu.vector_load_idx %arg5[%add3A_1274] : memref<51200xf32, #tpu.memory_space<vmem>>[vector<16xi32>], vector<16xf32>,
        %sub3A_1276 = arith.subf %gather3A_1275, %select_n3A_962 : vector<16xf32>
        %exp3A_1277 = math.exp %sub3A_1276 : vector<16xf32>
        %add3A_1278 = arith.addf %add3A_1271, %exp3A_1277 : vector<16xf32>
        %add3A_1279 = arith.constant 45 : i32
        %add3A_1280 = vector.broadcast %add3A_1279 : i32 to vector<16xi32>
        %add3A_1281 = arith.addi %add3A_64, %add3A_1280 : vector<16xi32>
        %gather3A_1282 = tpu.vector_load_idx %arg5[%add3A_1281] : memref<51200xf32, #tpu.memory_space<vmem>>[vector<16xi32>], vector<16xf32>,
        %sub3A_1283 = arith.subf %gather3A_1282, %select_n3A_962 : vector<16xf32>
        %exp3A_1284 = math.exp %sub3A_1283 : vector<16xf32>
        %add3A_1285 = arith.addf %add3A_1278, %exp3A_1284 : vector<16xf32>
        %add3A_1286 = arith.constant 46 : i32
        %add3A_1287 = vector.broadcast %add3A_1286 : i32 to vector<16xi32>
        %add3A_1288 = arith.addi %add3A_64, %add3A_1287 : vector<16xi32>
        %gather3A_1289 = tpu.vector_load_idx %arg5[%add3A_1288] : memref<51200xf32, #tpu.memory_space<vmem>>[vector<16xi32>], vector<16xf32>,
        %sub3A_1290 = arith.subf %gather3A_1289, %select_n3A_962 : vector<16xf32>
        %exp3A_1291 = math.exp %sub3A_1290 : vector<16xf32>
        %add3A_1292 = arith.addf %add3A_1285, %exp3A_1291 : vector<16xf32>
        %add3A_1293 = arith.constant 47 : i32
        %add3A_1294 = vector.broadcast %add3A_1293 : i32 to vector<16xi32>
        %add3A_1295 = arith.addi %add3A_64, %add3A_1294 : vector<16xi32>
        %gather3A_1296 = tpu.vector_load_idx %arg5[%add3A_1295] : memref<51200xf32, #tpu.memory_space<vmem>>[vector<16xi32>], vector<16xf32>,
        %sub3A_1297 = arith.subf %gather3A_1296, %select_n3A_962 : vector<16xf32>
        %exp3A_1298 = math.exp %sub3A_1297 : vector<16xf32>
        %add3A_1299 = arith.addf %add3A_1292, %exp3A_1298 : vector<16xf32>
        %add3A_1300 = arith.constant 48 : i32
        %add3A_1301 = vector.broadcast %add3A_1300 : i32 to vector<16xi32>
        %add3A_1302 = arith.addi %add3A_64, %add3A_1301 : vector<16xi32>
        %gather3A_1303 = tpu.vector_load_idx %arg5[%add3A_1302] : memref<51200xf32, #tpu.memory_space<vmem>>[vector<16xi32>], vector<16xf32>,
        %sub3A_1304 = arith.subf %gather3A_1303, %select_n3A_962 : vector<16xf32>
        %exp3A_1305 = math.exp %sub3A_1304 : vector<16xf32>
        %add3A_1306 = arith.addf %add3A_1299, %exp3A_1305 : vector<16xf32>
        %add3A_1307 = arith.constant 49 : i32
        %add3A_1308 = vector.broadcast %add3A_1307 : i32 to vector<16xi32>
        %add3A_1309 = arith.addi %add3A_64, %add3A_1308 : vector<16xi32>
        %gather3A_1310 = tpu.vector_load_idx %arg5[%add3A_1309] : memref<51200xf32, #tpu.memory_space<vmem>>[vector<16xi32>], vector<16xf32>,
        %sub3A_1311 = arith.subf %gather3A_1310, %select_n3A_962 : vector<16xf32>
        %exp3A_1312 = math.exp %sub3A_1311 : vector<16xf32>
        %add3A_1313 = arith.addf %add3A_1306, %exp3A_1312 : vector<16xf32>
        %add3A_1314 = arith.constant 50 : i32
        %add3A_1315 = vector.broadcast %add3A_1314 : i32 to vector<16xi32>
        %add3A_1316 = arith.addi %add3A_64, %add3A_1315 : vector<16xi32>
        %gather3A_1317 = tpu.vector_load_idx %arg5[%add3A_1316] : memref<51200xf32, #tpu.memory_space<vmem>>[vector<16xi32>], vector<16xf32>,
        %sub3A_1318 = arith.subf %gather3A_1317, %select_n3A_962 : vector<16xf32>
        %exp3A_1319 = math.exp %sub3A_1318 : vector<16xf32>
        %add3A_1320 = arith.addf %add3A_1313, %exp3A_1319 : vector<16xf32>
        %add3A_1321 = arith.constant 51 : i32
        %add3A_1322 = vector.broadcast %add3A_1321 : i32 to vector<16xi32>
        %add3A_1323 = arith.addi %add3A_64, %add3A_1322 : vector<16xi32>
        %gather3A_1324 = tpu.vector_load_idx %arg5[%add3A_1323] : memref<51200xf32, #tpu.memory_space<vmem>>[vector<16xi32>], vector<16xf32>,
        %sub3A_1325 = arith.subf %gather3A_1324, %select_n3A_962 : vector<16xf32>
        %exp3A_1326 = math.exp %sub3A_1325 : vector<16xf32>
        %add3A_1327 = arith.addf %add3A_1320, %exp3A_1326 : vector<16xf32>
        %add3A_1328 = arith.constant 52 : i32
        %add3A_1329 = vector.broadcast %add3A_1328 : i32 to vector<16xi32>
        %add3A_1330 = arith.addi %add3A_64, %add3A_1329 : vector<16xi32>
        %gather3A_1331 = tpu.vector_load_idx %arg5[%add3A_1330] : memref<51200xf32, #tpu.memory_space<vmem>>[vector<16xi32>], vector<16xf32>,
        %sub3A_1332 = arith.subf %gather3A_1331, %select_n3A_962 : vector<16xf32>
        %exp3A_1333 = math.exp %sub3A_1332 : vector<16xf32>
        %add3A_1334 = arith.addf %add3A_1327, %exp3A_1333 : vector<16xf32>
        %add3A_1335 = arith.constant 53 : i32
        %add3A_1336 = vector.broadcast %add3A_1335 : i32 to vector<16xi32>
        %add3A_1337 = arith.addi %add3A_64, %add3A_1336 : vector<16xi32>
        %gather3A_1338 = tpu.vector_load_idx %arg5[%add3A_1337] : memref<51200xf32, #tpu.memory_space<vmem>>[vector<16xi32>], vector<16xf32>,
        %sub3A_1339 = arith.subf %gather3A_1338, %select_n3A_962 : vector<16xf32>
        %exp3A_1340 = math.exp %sub3A_1339 : vector<16xf32>
        %add3A_1341 = arith.addf %add3A_1334, %exp3A_1340 : vector<16xf32>
        %add3A_1342 = arith.constant 54 : i32
        %add3A_1343 = vector.broadcast %add3A_1342 : i32 to vector<16xi32>
        %add3A_1344 = arith.addi %add3A_64, %add3A_1343 : vector<16xi32>
        %gather3A_1345 = tpu.vector_load_idx %arg5[%add3A_1344] : memref<51200xf32, #tpu.memory_space<vmem>>[vector<16xi32>], vector<16xf32>,
        %sub3A_1346 = arith.subf %gather3A_1345, %select_n3A_962 : vector<16xf32>
        %exp3A_1347 = math.exp %sub3A_1346 : vector<16xf32>
        %add3A_1348 = arith.addf %add3A_1341, %exp3A_1347 : vector<16xf32>
        %add3A_1349 = arith.constant 55 : i32
        %add3A_1350 = vector.broadcast %add3A_1349 : i32 to vector<16xi32>
        %add3A_1351 = arith.addi %add3A_64, %add3A_1350 : vector<16xi32>
        %gather3A_1352 = tpu.vector_load_idx %arg5[%add3A_1351] : memref<51200xf32, #tpu.memory_space<vmem>>[vector<16xi32>], vector<16xf32>,
        %sub3A_1353 = arith.subf %gather3A_1352, %select_n3A_962 : vector<16xf32>
        %exp3A_1354 = math.exp %sub3A_1353 : vector<16xf32>
        %add3A_1355 = arith.addf %add3A_1348, %exp3A_1354 : vector<16xf32>
        %add3A_1356 = arith.constant 56 : i32
        %add3A_1357 = vector.broadcast %add3A_1356 : i32 to vector<16xi32>
        %add3A_1358 = arith.addi %add3A_64, %add3A_1357 : vector<16xi32>
        %gather3A_1359 = tpu.vector_load_idx %arg5[%add3A_1358] : memref<51200xf32, #tpu.memory_space<vmem>>[vector<16xi32>], vector<16xf32>,
        %sub3A_1360 = arith.subf %gather3A_1359, %select_n3A_962 : vector<16xf32>
        %exp3A_1361 = math.exp %sub3A_1360 : vector<16xf32>
        %add3A_1362 = arith.addf %add3A_1355, %exp3A_1361 : vector<16xf32>
        %add3A_1363 = arith.constant 57 : i32
        %add3A_1364 = vector.broadcast %add3A_1363 : i32 to vector<16xi32>
        %add3A_1365 = arith.addi %add3A_64, %add3A_1364 : vector<16xi32>
        %gather3A_1366 = tpu.vector_load_idx %arg5[%add3A_1365] : memref<51200xf32, #tpu.memory_space<vmem>>[vector<16xi32>], vector<16xf32>,
        %sub3A_1367 = arith.subf %gather3A_1366, %select_n3A_962 : vector<16xf32>
        %exp3A_1368 = math.exp %sub3A_1367 : vector<16xf32>
        %add3A_1369 = arith.addf %add3A_1362, %exp3A_1368 : vector<16xf32>
        %add3A_1370 = arith.constant 58 : i32
        %add3A_1371 = vector.broadcast %add3A_1370 : i32 to vector<16xi32>
        %add3A_1372 = arith.addi %add3A_64, %add3A_1371 : vector<16xi32>
        %gather3A_1373 = tpu.vector_load_idx %arg5[%add3A_1372] : memref<51200xf32, #tpu.memory_space<vmem>>[vector<16xi32>], vector<16xf32>,
        %sub3A_1374 = arith.subf %gather3A_1373, %select_n3A_962 : vector<16xf32>
        %exp3A_1375 = math.exp %sub3A_1374 : vector<16xf32>
        %add3A_1376 = arith.addf %add3A_1369, %exp3A_1375 : vector<16xf32>
        %add3A_1377 = arith.constant 59 : i32
        %add3A_1378 = vector.broadcast %add3A_1377 : i32 to vector<16xi32>
        %add3A_1379 = arith.addi %add3A_64, %add3A_1378 : vector<16xi32>
        %gather3A_1380 = tpu.vector_load_idx %arg5[%add3A_1379] : memref<51200xf32, #tpu.memory_space<vmem>>[vector<16xi32>], vector<16xf32>,
        %sub3A_1381 = arith.subf %gather3A_1380, %select_n3A_962 : vector<16xf32>
        %exp3A_1382 = math.exp %sub3A_1381 : vector<16xf32>
        %add3A_1383 = arith.addf %add3A_1376, %exp3A_1382 : vector<16xf32>
        %add3A_1384 = arith.constant 60 : i32
        %add3A_1385 = vector.broadcast %add3A_1384 : i32 to vector<16xi32>
        %add3A_1386 = arith.addi %add3A_64, %add3A_1385 : vector<16xi32>
        %gather3A_1387 = tpu.vector_load_idx %arg5[%add3A_1386] : memref<51200xf32, #tpu.memory_space<vmem>>[vector<16xi32>], vector<16xf32>,
        %sub3A_1388 = arith.subf %gather3A_1387, %select_n3A_962 : vector<16xf32>
        %exp3A_1389 = math.exp %sub3A_1388 : vector<16xf32>
        %add3A_1390 = arith.addf %add3A_1383, %exp3A_1389 : vector<16xf32>
        %add3A_1391 = arith.constant 61 : i32
        %add3A_1392 = vector.broadcast %add3A_1391 : i32 to vector<16xi32>
        %add3A_1393 = arith.addi %add3A_64, %add3A_1392 : vector<16xi32>
        %gather3A_1394 = tpu.vector_load_idx %arg5[%add3A_1393] : memref<51200xf32, #tpu.memory_space<vmem>>[vector<16xi32>], vector<16xf32>,
        %sub3A_1395 = arith.subf %gather3A_1394, %select_n3A_962 : vector<16xf32>
        %exp3A_1396 = math.exp %sub3A_1395 : vector<16xf32>
        %add3A_1397 = arith.addf %add3A_1390, %exp3A_1396 : vector<16xf32>
        %add3A_1398 = arith.constant 62 : i32
        %add3A_1399 = vector.broadcast %add3A_1398 : i32 to vector<16xi32>
        %add3A_1400 = arith.addi %add3A_64, %add3A_1399 : vector<16xi32>
        %gather3A_1401 = tpu.vector_load_idx %arg5[%add3A_1400] : memref<51200xf32, #tpu.memory_space<vmem>>[vector<16xi32>], vector<16xf32>,
        %sub3A_1402 = arith.subf %gather3A_1401, %select_n3A_962 : vector<16xf32>
        %exp3A_1403 = math.exp %sub3A_1402 : vector<16xf32>
        %add3A_1404 = arith.addf %add3A_1397, %exp3A_1403 : vector<16xf32>
        %add3A_1405 = arith.constant 63 : i32
        %add3A_1406 = vector.broadcast %add3A_1405 : i32 to vector<16xi32>
        %add3A_1407 = arith.addi %add3A_64, %add3A_1406 : vector<16xi32>
        %gather3A_1408 = tpu.vector_load_idx %arg5[%add3A_1407] : memref<51200xf32, #tpu.memory_space<vmem>>[vector<16xi32>], vector<16xf32>,
        %sub3A_1409 = arith.subf %gather3A_1408, %select_n3A_962 : vector<16xf32>
        %exp3A_1410 = math.exp %sub3A_1409 : vector<16xf32>
        %add3A_1411 = arith.addf %add3A_1404, %exp3A_1410 : vector<16xf32>
        %add3A_1412 = arith.constant 64 : i32
        %add3A_1413 = vector.broadcast %add3A_1412 : i32 to vector<16xi32>
        %add3A_1414 = arith.addi %add3A_64, %add3A_1413 : vector<16xi32>
        %gather3A_1415 = tpu.vector_load_idx %arg5[%add3A_1414] : memref<51200xf32, #tpu.memory_space<vmem>>[vector<16xi32>], vector<16xf32>,
        %sub3A_1416 = arith.subf %gather3A_1415, %select_n3A_962 : vector<16xf32>
        %exp3A_1417 = math.exp %sub3A_1416 : vector<16xf32>
        %add3A_1418 = arith.addf %add3A_1411, %exp3A_1417 : vector<16xf32>
        %add3A_1419 = arith.constant 65 : i32
        %add3A_1420 = vector.broadcast %add3A_1419 : i32 to vector<16xi32>
        %add3A_1421 = arith.addi %add3A_64, %add3A_1420 : vector<16xi32>
        %gather3A_1422 = tpu.vector_load_idx %arg5[%add3A_1421] : memref<51200xf32, #tpu.memory_space<vmem>>[vector<16xi32>], vector<16xf32>,
        %sub3A_1423 = arith.subf %gather3A_1422, %select_n3A_962 : vector<16xf32>
        %exp3A_1424 = math.exp %sub3A_1423 : vector<16xf32>
        %add3A_1425 = arith.addf %add3A_1418, %exp3A_1424 : vector<16xf32>
        %add3A_1426 = arith.constant 66 : i32
        %add3A_1427 = vector.broadcast %add3A_1426 : i32 to vector<16xi32>
        %add3A_1428 = arith.addi %add3A_64, %add3A_1427 : vector<16xi32>
        %gather3A_1429 = tpu.vector_load_idx %arg5[%add3A_1428] : memref<51200xf32, #tpu.memory_space<vmem>>[vector<16xi32>], vector<16xf32>,
        %sub3A_1430 = arith.subf %gather3A_1429, %select_n3A_962 : vector<16xf32>
        %exp3A_1431 = math.exp %sub3A_1430 : vector<16xf32>
        %add3A_1432 = arith.addf %add3A_1425, %exp3A_1431 : vector<16xf32>
        %add3A_1433 = arith.constant 67 : i32
        %add3A_1434 = vector.broadcast %add3A_1433 : i32 to vector<16xi32>
        %add3A_1435 = arith.addi %add3A_64, %add3A_1434 : vector<16xi32>
        %gather3A_1436 = tpu.vector_load_idx %arg5[%add3A_1435] : memref<51200xf32, #tpu.memory_space<vmem>>[vector<16xi32>], vector<16xf32>,
        %sub3A_1437 = arith.subf %gather3A_1436, %select_n3A_962 : vector<16xf32>
        %exp3A_1438 = math.exp %sub3A_1437 : vector<16xf32>
        %add3A_1439 = arith.addf %add3A_1432, %exp3A_1438 : vector<16xf32>
        %add3A_1440 = arith.constant 68 : i32
        %add3A_1441 = vector.broadcast %add3A_1440 : i32 to vector<16xi32>
        %add3A_1442 = arith.addi %add3A_64, %add3A_1441 : vector<16xi32>
        %gather3A_1443 = tpu.vector_load_idx %arg5[%add3A_1442] : memref<51200xf32, #tpu.memory_space<vmem>>[vector<16xi32>], vector<16xf32>,
        %sub3A_1444 = arith.subf %gather3A_1443, %select_n3A_962 : vector<16xf32>
        %exp3A_1445 = math.exp %sub3A_1444 : vector<16xf32>
        %add3A_1446 = arith.addf %add3A_1439, %exp3A_1445 : vector<16xf32>
        %add3A_1447 = arith.constant 69 : i32
        %add3A_1448 = vector.broadcast %add3A_1447 : i32 to vector<16xi32>
        %add3A_1449 = arith.addi %add3A_64, %add3A_1448 : vector<16xi32>
        %gather3A_1450 = tpu.vector_load_idx %arg5[%add3A_1449] : memref<51200xf32, #tpu.memory_space<vmem>>[vector<16xi32>], vector<16xf32>,
        %sub3A_1451 = arith.subf %gather3A_1450, %select_n3A_962 : vector<16xf32>
        %exp3A_1452 = math.exp %sub3A_1451 : vector<16xf32>
        %add3A_1453 = arith.addf %add3A_1446, %exp3A_1452 : vector<16xf32>
        %add3A_1454 = arith.constant 70 : i32
        %add3A_1455 = vector.broadcast %add3A_1454 : i32 to vector<16xi32>
        %add3A_1456 = arith.addi %add3A_64, %add3A_1455 : vector<16xi32>
        %gather3A_1457 = tpu.vector_load_idx %arg5[%add3A_1456] : memref<51200xf32, #tpu.memory_space<vmem>>[vector<16xi32>], vector<16xf32>,
        %sub3A_1458 = arith.subf %gather3A_1457, %select_n3A_962 : vector<16xf32>
        %exp3A_1459 = math.exp %sub3A_1458 : vector<16xf32>
        %add3A_1460 = arith.addf %add3A_1453, %exp3A_1459 : vector<16xf32>
        %add3A_1461 = arith.constant 71 : i32
        %add3A_1462 = vector.broadcast %add3A_1461 : i32 to vector<16xi32>
        %add3A_1463 = arith.addi %add3A_64, %add3A_1462 : vector<16xi32>
        %gather3A_1464 = tpu.vector_load_idx %arg5[%add3A_1463] : memref<51200xf32, #tpu.memory_space<vmem>>[vector<16xi32>], vector<16xf32>,
        %sub3A_1465 = arith.subf %gather3A_1464, %select_n3A_962 : vector<16xf32>
        %exp3A_1466 = math.exp %sub3A_1465 : vector<16xf32>
        %add3A_1467 = arith.addf %add3A_1460, %exp3A_1466 : vector<16xf32>
        %add3A_1468 = arith.constant 72 : i32
        %add3A_1469 = vector.broadcast %add3A_1468 : i32 to vector<16xi32>
        %add3A_1470 = arith.addi %add3A_64, %add3A_1469 : vector<16xi32>
        %gather3A_1471 = tpu.vector_load_idx %arg5[%add3A_1470] : memref<51200xf32, #tpu.memory_space<vmem>>[vector<16xi32>], vector<16xf32>,
        %sub3A_1472 = arith.subf %gather3A_1471, %select_n3A_962 : vector<16xf32>
        %exp3A_1473 = math.exp %sub3A_1472 : vector<16xf32>
        %add3A_1474 = arith.addf %add3A_1467, %exp3A_1473 : vector<16xf32>
        %add3A_1475 = arith.constant 73 : i32
        %add3A_1476 = vector.broadcast %add3A_1475 : i32 to vector<16xi32>
        %add3A_1477 = arith.addi %add3A_64, %add3A_1476 : vector<16xi32>
        %gather3A_1478 = tpu.vector_load_idx %arg5[%add3A_1477] : memref<51200xf32, #tpu.memory_space<vmem>>[vector<16xi32>], vector<16xf32>,
        %sub3A_1479 = arith.subf %gather3A_1478, %select_n3A_962 : vector<16xf32>
        %exp3A_1480 = math.exp %sub3A_1479 : vector<16xf32>
        %add3A_1481 = arith.addf %add3A_1474, %exp3A_1480 : vector<16xf32>
        %add3A_1482 = arith.constant 74 : i32
        %add3A_1483 = vector.broadcast %add3A_1482 : i32 to vector<16xi32>
        %add3A_1484 = arith.addi %add3A_64, %add3A_1483 : vector<16xi32>
        %gather3A_1485 = tpu.vector_load_idx %arg5[%add3A_1484] : memref<51200xf32, #tpu.memory_space<vmem>>[vector<16xi32>], vector<16xf32>,
        %sub3A_1486 = arith.subf %gather3A_1485, %select_n3A_962 : vector<16xf32>
        %exp3A_1487 = math.exp %sub3A_1486 : vector<16xf32>
        %add3A_1488 = arith.addf %add3A_1481, %exp3A_1487 : vector<16xf32>
        %add3A_1489 = arith.constant 75 : i32
        %add3A_1490 = vector.broadcast %add3A_1489 : i32 to vector<16xi32>
        %add3A_1491 = arith.addi %add3A_64, %add3A_1490 : vector<16xi32>
        %gather3A_1492 = tpu.vector_load_idx %arg5[%add3A_1491] : memref<51200xf32, #tpu.memory_space<vmem>>[vector<16xi32>], vector<16xf32>,
        %sub3A_1493 = arith.subf %gather3A_1492, %select_n3A_962 : vector<16xf32>
        %exp3A_1494 = math.exp %sub3A_1493 : vector<16xf32>
        %add3A_1495 = arith.addf %add3A_1488, %exp3A_1494 : vector<16xf32>
        %add3A_1496 = arith.constant 76 : i32
        %add3A_1497 = vector.broadcast %add3A_1496 : i32 to vector<16xi32>
        %add3A_1498 = arith.addi %add3A_64, %add3A_1497 : vector<16xi32>
        %gather3A_1499 = tpu.vector_load_idx %arg5[%add3A_1498] : memref<51200xf32, #tpu.memory_space<vmem>>[vector<16xi32>], vector<16xf32>,
        %sub3A_1500 = arith.subf %gather3A_1499, %select_n3A_962 : vector<16xf32>
        %exp3A_1501 = math.exp %sub3A_1500 : vector<16xf32>
        %add3A_1502 = arith.addf %add3A_1495, %exp3A_1501 : vector<16xf32>
        %add3A_1503 = arith.constant 77 : i32
        %add3A_1504 = vector.broadcast %add3A_1503 : i32 to vector<16xi32>
        %add3A_1505 = arith.addi %add3A_64, %add3A_1504 : vector<16xi32>
        %gather3A_1506 = tpu.vector_load_idx %arg5[%add3A_1505] : memref<51200xf32, #tpu.memory_space<vmem>>[vector<16xi32>], vector<16xf32>,
        %sub3A_1507 = arith.subf %gather3A_1506, %select_n3A_962 : vector<16xf32>
        %exp3A_1508 = math.exp %sub3A_1507 : vector<16xf32>
        %add3A_1509 = arith.addf %add3A_1502, %exp3A_1508 : vector<16xf32>
        %add3A_1510 = arith.constant 78 : i32
        %add3A_1511 = vector.broadcast %add3A_1510 : i32 to vector<16xi32>
        %add3A_1512 = arith.addi %add3A_64, %add3A_1511 : vector<16xi32>
        %gather3A_1513 = tpu.vector_load_idx %arg5[%add3A_1512] : memref<51200xf32, #tpu.memory_space<vmem>>[vector<16xi32>], vector<16xf32>,
        %sub3A_1514 = arith.subf %gather3A_1513, %select_n3A_962 : vector<16xf32>
        %exp3A_1515 = math.exp %sub3A_1514 : vector<16xf32>
        %add3A_1516 = arith.addf %add3A_1509, %exp3A_1515 : vector<16xf32>
        %add3A_1517 = arith.constant 79 : i32
        %add3A_1518 = vector.broadcast %add3A_1517 : i32 to vector<16xi32>
        %add3A_1519 = arith.addi %add3A_64, %add3A_1518 : vector<16xi32>
        %gather3A_1520 = tpu.vector_load_idx %arg5[%add3A_1519] : memref<51200xf32, #tpu.memory_space<vmem>>[vector<16xi32>], vector<16xf32>,
        %sub3A_1521 = arith.subf %gather3A_1520, %select_n3A_962 : vector<16xf32>
        %exp3A_1522 = math.exp %sub3A_1521 : vector<16xf32>
        %add3A_1523 = arith.addf %add3A_1516, %exp3A_1522 : vector<16xf32>
        %add3A_1524 = arith.constant 80 : i32
        %add3A_1525 = vector.broadcast %add3A_1524 : i32 to vector<16xi32>
        %add3A_1526 = arith.addi %add3A_64, %add3A_1525 : vector<16xi32>
        %gather3A_1527 = tpu.vector_load_idx %arg5[%add3A_1526] : memref<51200xf32, #tpu.memory_space<vmem>>[vector<16xi32>], vector<16xf32>,
        %sub3A_1528 = arith.subf %gather3A_1527, %select_n3A_962 : vector<16xf32>
        %exp3A_1529 = math.exp %sub3A_1528 : vector<16xf32>
        %add3A_1530 = arith.addf %add3A_1523, %exp3A_1529 : vector<16xf32>
        %add3A_1531 = arith.constant 81 : i32
        %add3A_1532 = vector.broadcast %add3A_1531 : i32 to vector<16xi32>
        %add3A_1533 = arith.addi %add3A_64, %add3A_1532 : vector<16xi32>
        %gather3A_1534 = tpu.vector_load_idx %arg5[%add3A_1533] : memref<51200xf32, #tpu.memory_space<vmem>>[vector<16xi32>], vector<16xf32>,
        %sub3A_1535 = arith.subf %gather3A_1534, %select_n3A_962 : vector<16xf32>
        %exp3A_1536 = math.exp %sub3A_1535 : vector<16xf32>
        %add3A_1537 = arith.addf %add3A_1530, %exp3A_1536 : vector<16xf32>
        %add3A_1538 = arith.constant 82 : i32
        %add3A_1539 = vector.broadcast %add3A_1538 : i32 to vector<16xi32>
        %add3A_1540 = arith.addi %add3A_64, %add3A_1539 : vector<16xi32>
        %gather3A_1541 = tpu.vector_load_idx %arg5[%add3A_1540] : memref<51200xf32, #tpu.memory_space<vmem>>[vector<16xi32>], vector<16xf32>,
        %sub3A_1542 = arith.subf %gather3A_1541, %select_n3A_962 : vector<16xf32>
        %exp3A_1543 = math.exp %sub3A_1542 : vector<16xf32>
        %add3A_1544 = arith.addf %add3A_1537, %exp3A_1543 : vector<16xf32>
        %add3A_1545 = arith.constant 83 : i32
        %add3A_1546 = vector.broadcast %add3A_1545 : i32 to vector<16xi32>
        %add3A_1547 = arith.addi %add3A_64, %add3A_1546 : vector<16xi32>
        %gather3A_1548 = tpu.vector_load_idx %arg5[%add3A_1547] : memref<51200xf32, #tpu.memory_space<vmem>>[vector<16xi32>], vector<16xf32>,
        %sub3A_1549 = arith.subf %gather3A_1548, %select_n3A_962 : vector<16xf32>
        %exp3A_1550 = math.exp %sub3A_1549 : vector<16xf32>
        %add3A_1551 = arith.addf %add3A_1544, %exp3A_1550 : vector<16xf32>
        %add3A_1552 = arith.constant 84 : i32
        %add3A_1553 = vector.broadcast %add3A_1552 : i32 to vector<16xi32>
        %add3A_1554 = arith.addi %add3A_64, %add3A_1553 : vector<16xi32>
        %gather3A_1555 = tpu.vector_load_idx %arg5[%add3A_1554] : memref<51200xf32, #tpu.memory_space<vmem>>[vector<16xi32>], vector<16xf32>,
        %sub3A_1556 = arith.subf %gather3A_1555, %select_n3A_962 : vector<16xf32>
        %exp3A_1557 = math.exp %sub3A_1556 : vector<16xf32>
        %add3A_1558 = arith.addf %add3A_1551, %exp3A_1557 : vector<16xf32>
        %add3A_1559 = arith.constant 85 : i32
        %add3A_1560 = vector.broadcast %add3A_1559 : i32 to vector<16xi32>
        %add3A_1561 = arith.addi %add3A_64, %add3A_1560 : vector<16xi32>
        %gather3A_1562 = tpu.vector_load_idx %arg5[%add3A_1561] : memref<51200xf32, #tpu.memory_space<vmem>>[vector<16xi32>], vector<16xf32>,
        %sub3A_1563 = arith.subf %gather3A_1562, %select_n3A_962 : vector<16xf32>
        %exp3A_1564 = math.exp %sub3A_1563 : vector<16xf32>
        %add3A_1565 = arith.addf %add3A_1558, %exp3A_1564 : vector<16xf32>
        %add3A_1566 = arith.constant 86 : i32
        %add3A_1567 = vector.broadcast %add3A_1566 : i32 to vector<16xi32>
        %add3A_1568 = arith.addi %add3A_64, %add3A_1567 : vector<16xi32>
        %gather3A_1569 = tpu.vector_load_idx %arg5[%add3A_1568] : memref<51200xf32, #tpu.memory_space<vmem>>[vector<16xi32>], vector<16xf32>,
        %sub3A_1570 = arith.subf %gather3A_1569, %select_n3A_962 : vector<16xf32>
        %exp3A_1571 = math.exp %sub3A_1570 : vector<16xf32>
        %add3A_1572 = arith.addf %add3A_1565, %exp3A_1571 : vector<16xf32>
        %add3A_1573 = arith.constant 87 : i32
        %add3A_1574 = vector.broadcast %add3A_1573 : i32 to vector<16xi32>
        %add3A_1575 = arith.addi %add3A_64, %add3A_1574 : vector<16xi32>
        %gather3A_1576 = tpu.vector_load_idx %arg5[%add3A_1575] : memref<51200xf32, #tpu.memory_space<vmem>>[vector<16xi32>], vector<16xf32>,
        %sub3A_1577 = arith.subf %gather3A_1576, %select_n3A_962 : vector<16xf32>
        %exp3A_1578 = math.exp %sub3A_1577 : vector<16xf32>
        %add3A_1579 = arith.addf %add3A_1572, %exp3A_1578 : vector<16xf32>
        %add3A_1580 = arith.constant 88 : i32
        %add3A_1581 = vector.broadcast %add3A_1580 : i32 to vector<16xi32>
        %add3A_1582 = arith.addi %add3A_64, %add3A_1581 : vector<16xi32>
        %gather3A_1583 = tpu.vector_load_idx %arg5[%add3A_1582] : memref<51200xf32, #tpu.memory_space<vmem>>[vector<16xi32>], vector<16xf32>,
        %sub3A_1584 = arith.subf %gather3A_1583, %select_n3A_962 : vector<16xf32>
        %exp3A_1585 = math.exp %sub3A_1584 : vector<16xf32>
        %add3A_1586 = arith.addf %add3A_1579, %exp3A_1585 : vector<16xf32>
        %add3A_1587 = arith.constant 89 : i32
        %add3A_1588 = vector.broadcast %add3A_1587 : i32 to vector<16xi32>
        %add3A_1589 = arith.addi %add3A_64, %add3A_1588 : vector<16xi32>
        %gather3A_1590 = tpu.vector_load_idx %arg5[%add3A_1589] : memref<51200xf32, #tpu.memory_space<vmem>>[vector<16xi32>], vector<16xf32>,
        %sub3A_1591 = arith.subf %gather3A_1590, %select_n3A_962 : vector<16xf32>
        %exp3A_1592 = math.exp %sub3A_1591 : vector<16xf32>
        %add3A_1593 = arith.addf %add3A_1586, %exp3A_1592 : vector<16xf32>
        %add3A_1594 = arith.constant 90 : i32
        %add3A_1595 = vector.broadcast %add3A_1594 : i32 to vector<16xi32>
        %add3A_1596 = arith.addi %add3A_64, %add3A_1595 : vector<16xi32>
        %gather3A_1597 = tpu.vector_load_idx %arg5[%add3A_1596] : memref<51200xf32, #tpu.memory_space<vmem>>[vector<16xi32>], vector<16xf32>,
        %sub3A_1598 = arith.subf %gather3A_1597, %select_n3A_962 : vector<16xf32>
        %exp3A_1599 = math.exp %sub3A_1598 : vector<16xf32>
        %add3A_1600 = arith.addf %add3A_1593, %exp3A_1599 : vector<16xf32>
        %add3A_1601 = arith.constant 91 : i32
        %add3A_1602 = vector.broadcast %add3A_1601 : i32 to vector<16xi32>
        %add3A_1603 = arith.addi %add3A_64, %add3A_1602 : vector<16xi32>
        %gather3A_1604 = tpu.vector_load_idx %arg5[%add3A_1603] : memref<51200xf32, #tpu.memory_space<vmem>>[vector<16xi32>], vector<16xf32>,
        %sub3A_1605 = arith.subf %gather3A_1604, %select_n3A_962 : vector<16xf32>
        %exp3A_1606 = math.exp %sub3A_1605 : vector<16xf32>
        %add3A_1607 = arith.addf %add3A_1600, %exp3A_1606 : vector<16xf32>
        %add3A_1608 = arith.constant 92 : i32
        %add3A_1609 = vector.broadcast %add3A_1608 : i32 to vector<16xi32>
        %add3A_1610 = arith.addi %add3A_64, %add3A_1609 : vector<16xi32>
        %gather3A_1611 = tpu.vector_load_idx %arg5[%add3A_1610] : memref<51200xf32, #tpu.memory_space<vmem>>[vector<16xi32>], vector<16xf32>,
        %sub3A_1612 = arith.subf %gather3A_1611, %select_n3A_962 : vector<16xf32>
        %exp3A_1613 = math.exp %sub3A_1612 : vector<16xf32>
        %add3A_1614 = arith.addf %add3A_1607, %exp3A_1613 : vector<16xf32>
        %add3A_1615 = arith.constant 93 : i32
        %add3A_1616 = vector.broadcast %add3A_1615 : i32 to vector<16xi32>
        %add3A_1617 = arith.addi %add3A_64, %add3A_1616 : vector<16xi32>
        %gather3A_1618 = tpu.vector_load_idx %arg5[%add3A_1617] : memref<51200xf32, #tpu.memory_space<vmem>>[vector<16xi32>], vector<16xf32>,
        %sub3A_1619 = arith.subf %gather3A_1618, %select_n3A_962 : vector<16xf32>
        %exp3A_1620 = math.exp %sub3A_1619 : vector<16xf32>
        %add3A_1621 = arith.addf %add3A_1614, %exp3A_1620 : vector<16xf32>
        %add3A_1622 = arith.constant 94 : i32
        %add3A_1623 = vector.broadcast %add3A_1622 : i32 to vector<16xi32>
        %add3A_1624 = arith.addi %add3A_64, %add3A_1623 : vector<16xi32>
        %gather3A_1625 = tpu.vector_load_idx %arg5[%add3A_1624] : memref<51200xf32, #tpu.memory_space<vmem>>[vector<16xi32>], vector<16xf32>,
        %sub3A_1626 = arith.subf %gather3A_1625, %select_n3A_962 : vector<16xf32>
        %exp3A_1627 = math.exp %sub3A_1626 : vector<16xf32>
        %add3A_1628 = arith.addf %add3A_1621, %exp3A_1627 : vector<16xf32>
        %add3A_1629 = arith.constant 95 : i32
        %add3A_1630 = vector.broadcast %add3A_1629 : i32 to vector<16xi32>
        %add3A_1631 = arith.addi %add3A_64, %add3A_1630 : vector<16xi32>
        %gather3A_1632 = tpu.vector_load_idx %arg5[%add3A_1631] : memref<51200xf32, #tpu.memory_space<vmem>>[vector<16xi32>], vector<16xf32>,
        %sub3A_1633 = arith.subf %gather3A_1632, %select_n3A_962 : vector<16xf32>
        %exp3A_1634 = math.exp %sub3A_1633 : vector<16xf32>
        %add3A_1635 = arith.addf %add3A_1628, %exp3A_1634 : vector<16xf32>
        %add3A_1636 = arith.constant 96 : i32
        %add3A_1637 = vector.broadcast %add3A_1636 : i32 to vector<16xi32>
        %add3A_1638 = arith.addi %add3A_64, %add3A_1637 : vector<16xi32>
        %gather3A_1639 = tpu.vector_load_idx %arg5[%add3A_1638] : memref<51200xf32, #tpu.memory_space<vmem>>[vector<16xi32>], vector<16xf32>,
        %sub3A_1640 = arith.subf %gather3A_1639, %select_n3A_962 : vector<16xf32>
        %exp3A_1641 = math.exp %sub3A_1640 : vector<16xf32>
        %add3A_1642 = arith.addf %add3A_1635, %exp3A_1641 : vector<16xf32>
        %add3A_1643 = arith.constant 97 : i32
        %add3A_1644 = vector.broadcast %add3A_1643 : i32 to vector<16xi32>
        %add3A_1645 = arith.addi %add3A_64, %add3A_1644 : vector<16xi32>
        %gather3A_1646 = tpu.vector_load_idx %arg5[%add3A_1645] : memref<51200xf32, #tpu.memory_space<vmem>>[vector<16xi32>], vector<16xf32>,
        %sub3A_1647 = arith.subf %gather3A_1646, %select_n3A_962 : vector<16xf32>
        %exp3A_1648 = math.exp %sub3A_1647 : vector<16xf32>
        %add3A_1649 = arith.addf %add3A_1642, %exp3A_1648 : vector<16xf32>
        %add3A_1650 = arith.constant 98 : i32
        %add3A_1651 = vector.broadcast %add3A_1650 : i32 to vector<16xi32>
        %add3A_1652 = arith.addi %add3A_64, %add3A_1651 : vector<16xi32>
        %gather3A_1653 = tpu.vector_load_idx %arg5[%add3A_1652] : memref<51200xf32, #tpu.memory_space<vmem>>[vector<16xi32>], vector<16xf32>,
        %sub3A_1654 = arith.subf %gather3A_1653, %select_n3A_962 : vector<16xf32>
        %exp3A_1655 = math.exp %sub3A_1654 : vector<16xf32>
        %add3A_1656 = arith.addf %add3A_1649, %exp3A_1655 : vector<16xf32>
        %add3A_1657 = arith.constant 99 : i32
        %add3A_1658 = vector.broadcast %add3A_1657 : i32 to vector<16xi32>
        %add3A_1659 = arith.addi %add3A_64, %add3A_1658 : vector<16xi32>
        %gather3A_1660 = tpu.vector_load_idx %arg5[%add3A_1659] : memref<51200xf32, #tpu.memory_space<vmem>>[vector<16xi32>], vector<16xf32>,
        %sub3A_1661 = arith.subf %gather3A_1660, %select_n3A_962 : vector<16xf32>
        %exp3A_1662 = math.exp %sub3A_1661 : vector<16xf32>
        %add3A_1663 = arith.addf %add3A_1656, %exp3A_1662 : vector<16xf32>
        %div3A = arith.constant 1.000000e+00 : f32
        %div3A_1664 = vector.broadcast %div3A : f32 to vector<16xf32>
        %div3A_1665 = arith.divf %div3A_1664, %add3A_1663 : vector<16xf32>
        %mul3A_1666 = arith.constant 16 : i32
        %mul3A_1667 = arith.muli %scan3A_56, %mul3A_1666 : i32
        %get3A = arith.index_cast %mul3A_1667 : i32 to index
        %get3A_1668 = tpu.vector_load %arg6[%get3A] {strides = array<i32>} : memref<512xi32, #tpu.memory_space<vmem>>, vector<16xi32>,
        %eq3A = arith.cmpi eq, %select_n3A_965, %get3A_1668 : vector<16xi32>
        %convert_element_type3A = arith.extui %eq3A : vector<16xi1> to vector<16xi32>
        %convert_element_type3A_1669 = arith.sitofp %convert_element_type3A : vector<16xi32> to vector<16xf32>
        %broadcast_in_dim3A_1670 = arith.constant 0 : i32
        %broadcast_in_dim3A_1671 = vector.broadcast %broadcast_in_dim3A_1670 : i32 to vector<16xi32>
        %le3A = arith.constant 0.0666666701 : f32
        %le3A_1672 = vector.broadcast %le3A : f32 to vector<16xf32>
        %le3A_1673 = arith.cmpf ole, %le3A_1672, %div3A_1665 : vector<16xf32>
        %convert_element_type3A_1674 = arith.extui %le3A_1673 : vector<16xi1> to vector<16xi32>
        %add3A_1675 = arith.addi %broadcast_in_dim3A_1671, %convert_element_type3A_1674 : vector<16xi32>
        %le3A_1676 = arith.constant 0.13333334 : f32
        %le3A_1677 = vector.broadcast %le3A_1676 : f32 to vector<16xf32>
        %le3A_1678 = arith.cmpf ole, %le3A_1677, %div3A_1665 : vector<16xf32>
        %convert_element_type3A_1679 = arith.extui %le3A_1678 : vector<16xi1> to vector<16xi32>
        %add3A_1680 = arith.addi %add3A_1675, %convert_element_type3A_1679 : vector<16xi32>
        %le3A_1681 = arith.constant 2.000000e-01 : f32
        %le3A_1682 = vector.broadcast %le3A_1681 : f32 to vector<16xf32>
        %le3A_1683 = arith.cmpf ole, %le3A_1682, %div3A_1665 : vector<16xf32>
        %convert_element_type3A_1684 = arith.extui %le3A_1683 : vector<16xi1> to vector<16xi32>
        %add3A_1685 = arith.addi %add3A_1680, %convert_element_type3A_1684 : vector<16xi32>
        %le3A_1686 = arith.constant 0.266666681 : f32
        %le3A_1687 = vector.broadcast %le3A_1686 : f32 to vector<16xf32>
        %le3A_1688 = arith.cmpf ole, %le3A_1687, %div3A_1665 : vector<16xf32>
        %convert_element_type3A_1689 = arith.extui %le3A_1688 : vector<16xi1> to vector<16xi32>
        %add3A_1690 = arith.addi %add3A_1685, %convert_element_type3A_1689 : vector<16xi32>
        %le3A_1691 = arith.constant 0.333333343 : f32
        %le3A_1692 = vector.broadcast %le3A_1691 : f32 to vector<16xf32>
        %le3A_1693 = arith.cmpf ole, %le3A_1692, %div3A_1665 : vector<16xf32>
        %convert_element_type3A_1694 = arith.extui %le3A_1693 : vector<16xi1> to vector<16xi32>
        %add3A_1695 = arith.addi %add3A_1690, %convert_element_type3A_1694 : vector<16xi32>
        %le3A_1696 = arith.constant 4.000000e-01 : f32
        %le3A_1697 = vector.broadcast %le3A_1696 : f32 to vector<16xf32>
        %le3A_1698 = arith.cmpf ole, %le3A_1697, %div3A_1665 : vector<16xf32>
        %convert_element_type3A_1699 = arith.extui %le3A_1698 : vector<16xi1> to vector<16xi32>
        %add3A_1700 = arith.addi %add3A_1695, %convert_element_type3A_1699 : vector<16xi32>
        %le3A_1701 = arith.constant 0.466666669 : f32
        %le3A_1702 = vector.broadcast %le3A_1701 : f32 to vector<16xf32>
        %le3A_1703 = arith.cmpf ole, %le3A_1702, %div3A_1665 : vector<16xf32>
        %convert_element_type3A_1704 = arith.extui %le3A_1703 : vector<16xi1> to vector<16xi32>
        %add3A_1705 = arith.addi %add3A_1700, %convert_element_type3A_1704 : vector<16xi32>
        %le3A_1706 = arith.constant 0.533333361 : f32
        %le3A_1707 = vector.broadcast %le3A_1706 : f32 to vector<16xf32>
        %le3A_1708 = arith.cmpf ole, %le3A_1707, %div3A_1665 : vector<16xf32>
        %convert_element_type3A_1709 = arith.extui %le3A_1708 : vector<16xi1> to vector<16xi32>
        %add3A_1710 = arith.addi %add3A_1705, %convert_element_type3A_1709 : vector<16xi32>
        %le3A_1711 = arith.constant 6.000000e-01 : f32
        %le3A_1712 = vector.broadcast %le3A_1711 : f32 to vector<16xf32>
        %le3A_1713 = arith.cmpf ole, %le3A_1712, %div3A_1665 : vector<16xf32>
        %convert_element_type3A_1714 = arith.extui %le3A_1713 : vector<16xi1> to vector<16xi32>
        %add3A_1715 = arith.addi %add3A_1710, %convert_element_type3A_1714 : vector<16xi32>
        %le3A_1716 = arith.constant 0.666666686 : f32
        %le3A_1717 = vector.broadcast %le3A_1716 : f32 to vector<16xf32>
        %le3A_1718 = arith.cmpf ole, %le3A_1717, %div3A_1665 : vector<16xf32>
        %convert_element_type3A_1719 = arith.extui %le3A_1718 : vector<16xi1> to vector<16xi32>
        %add3A_1720 = arith.addi %add3A_1715, %convert_element_type3A_1719 : vector<16xi32>
        %le3A_1721 = arith.constant 0.733333349 : f32
        %le3A_1722 = vector.broadcast %le3A_1721 : f32 to vector<16xf32>
        %le3A_1723 = arith.cmpf ole, %le3A_1722, %div3A_1665 : vector<16xf32>
        %convert_element_type3A_1724 = arith.extui %le3A_1723 : vector<16xi1> to vector<16xi32>
        %add3A_1725 = arith.addi %add3A_1720, %convert_element_type3A_1724 : vector<16xi32>
        %le3A_1726 = arith.constant 8.000000e-01 : f32
        %le3A_1727 = vector.broadcast %le3A_1726 : f32 to vector<16xf32>
        %le3A_1728 = arith.cmpf ole, %le3A_1727, %div3A_1665 : vector<16xf32>
        %convert_element_type3A_1729 = arith.extui %le3A_1728 : vector<16xi1> to vector<16xi32>
        %add3A_1730 = arith.addi %add3A_1725, %convert_element_type3A_1729 : vector<16xi32>
        %le3A_1731 = arith.constant 0.866666674 : f32
        %le3A_1732 = vector.broadcast %le3A_1731 : f32 to vector<16xf32>
        %le3A_1733 = arith.cmpf ole, %le3A_1732, %div3A_1665 : vector<16xf32>
        %convert_element_type3A_1734 = arith.extui %le3A_1733 : vector<16xi1> to vector<16xi32>
        %add3A_1735 = arith.addi %add3A_1730, %convert_element_type3A_1734 : vector<16xi32>
        %le3A_1736 = arith.constant 0.933333337 : f32
        %le3A_1737 = vector.broadcast %le3A_1736 : f32 to vector<16xf32>
        %le3A_1738 = arith.cmpf ole, %le3A_1737, %div3A_1665 : vector<16xf32>
        %convert_element_type3A_1739 = arith.extui %le3A_1738 : vector<16xi1> to vector<16xi32>
        %add3A_1740 = arith.addi %add3A_1735, %convert_element_type3A_1739 : vector<16xi32>
        %le3A_1741 = arith.constant 1.000000e+00 : f32
        %le3A_1742 = vector.broadcast %le3A_1741 : f32 to vector<16xf32>
        %le3A_1743 = arith.cmpf ole, %le3A_1742, %div3A_1665 : vector<16xf32>
        %convert_element_type3A_1744 = arith.extui %le3A_1743 : vector<16xi1> to vector<16xi32>
        %add3A_1745 = arith.addi %add3A_1740, %convert_element_type3A_1744 : vector<16xi32>
        %min3A = arith.constant 14 : i32
        %min3A_1746 = vector.broadcast %min3A : i32 to vector<16xi32>
        %min3A_1747 = arith.minsi %add3A_1745, %min3A_1746 : vector<16xi32>
        %mul3A_1748 = arith.constant 16 : i32
        %mul3A_1749 = vector.broadcast %mul3A_1748 : i32 to vector<16xi32>
        %mul3A_1750 = arith.muli %min3A_1747, %mul3A_1749 : vector<16xi32>
        %add3A_1751 = arith.addi %mul3A_1750, %iota3A : vector<16xi32>
        %sub3A_1752 = arith.subf %div3A_1665, %convert_element_type3A_1669 : vector<16xf32>
        tpu.vector_store_idx %arg7[%add3A_1751], %sub3A_1752 {add = true} : memref<256xf32, #tpu.memory_space<vmem>>[vector<16xi32>], vector<16xf32>,
        %scan3A_1753 = arith.constant 0 : i32
        scf.yield %scan3A_1753 : i32
      }
      %scan3A_54 = arith.constant 32 : i32
      %scan3A_55 = arith.constant 0 : i32
      scf.yield %scan3A_55 : i32
    }
    %scan3A_40 = arith.constant 16 : i32
    "tpu.region"() ({
      %run_scoped3A = tpu.sem_alloc : memref<!tpu.dma_semaphore, #tpu.memory_space<semaphore_mem>>
      %dma_start3A = arith.constant 0 : i32
      %dma_start3A_41 = tpu.memref_slice %arg4[%add3A, %dma_start3A] : memref<32x256xf32, #tpu.memory_space<hbm>> -> memref<1x256xf32, #tpu.memory_space<hbm>>
      %dma_start3A_42 = tpu.memref_squeeze %dma_start3A_41 : memref<1x256xf32, #tpu.memory_space<hbm>> -> memref<256xf32, #tpu.memory_space<hbm>>
      %dma_start3A_43 = arith.constant 0 : i32
      %dma_start3A_44 = tpu.memref_slice %arg4[%add3A, %dma_start3A_43] : memref<32x256xf32, #tpu.memory_space<hbm>> -> memref<1x256xf32, #tpu.memory_space<hbm>>
      %dma_start3A_45 = tpu.memref_squeeze %dma_start3A_44 : memref<1x256xf32, #tpu.memory_space<hbm>> -> memref<256xf32, #tpu.memory_space<hbm>>
      tpu.enqueue_dma source(%arg7 : memref<256xf32, #tpu.memory_space<vmem>>) target(%dma_start3A_45 : memref<256xf32, #tpu.memory_space<hbm>>) target_semaphore(%run_scoped3A : memref<!tpu.dma_semaphore, #tpu.memory_space<semaphore_mem>>)
      %dma_wait3A = arith.constant 0 : i32
      %dma_wait3A_46 = tpu.memref_slice %arg4[%add3A, %dma_wait3A] : memref<32x256xf32, #tpu.memory_space<hbm>> -> memref<1x256xf32, #tpu.memory_space<hbm>>
      %dma_wait3A_47 = tpu.memref_squeeze %dma_wait3A_46 : memref<1x256xf32, #tpu.memory_space<hbm>> -> memref<256xf32, #tpu.memory_space<hbm>>
      %dma_wait3A_48 = arith.constant 0 : i32
      %dma_wait3A_49 = tpu.memref_slice %arg4[%add3A, %dma_wait3A_48] : memref<32x256xf32, #tpu.memory_space<hbm>> -> memref<1x256xf32, #tpu.memory_space<hbm>>
      %dma_wait3A_50 = tpu.memref_squeeze %dma_wait3A_49 : memref<1x256xf32, #tpu.memory_space<hbm>> -> memref<256xf32, #tpu.memory_space<hbm>>
      tpu.wait_dma2 semaphore(%run_scoped3A : memref<!tpu.dma_semaphore, #tpu.memory_space<semaphore_mem>>) src(%arg7 : memref<256xf32, #tpu.memory_space<vmem>>) dst(%dma_wait3A_50 : memref<256xf32, #tpu.memory_space<hbm>>)
      tpu.yield
    }) : () -> ()
    return
  }
}

module attributes {stable_mosaic.version = 14 : i64} {
  func.func @_tc_body(%arg0: i32, %arg1: memref<8192x100xf32, #tpu.memory_space<vmem>>, %arg2: memref<1x64x128xi32, #tpu.memory_space<vmem>>, %arg3: memref<128x128xbf16, #tpu.memory_space<vmem>>, %arg4: memref<8x16xf32, #tpu.memory_space<vmem>>) attributes {dimension_semantics = [#tpu.dimension_semantics<arbitrary>], iteration_bounds = array<i64: 96>, scalar_prefetch = 0 : i64, scratch_operands = 0 : i64, tpu.core_type = #tpu.core_type<tc>, window_params = [{transform_indices = @transform_0, window_bounds = array<i64: 8192, 100>}, {transform_indices = @transform_1, window_bounds = array<i64: 1, 64, 128>}, {pipeline_mode = #tpu.pipeline_mode<synchronous>, transform_indices = @transform_2, window_bounds = array<i64: 128, 128>}, {pipeline_mode = #tpu.pipeline_mode<synchronous>, transform_indices = @transform_3, window_bounds = array<i64: 8, 16>}]} {
    %eq3A = arith.constant 0 : i32
    %eq3A_0 = arith.cmpi eq, %arg0, %eq3A : i32
    %convert_element_type3A = arith.extui %eq3A_0 : i1 to i32
    %cond3A = arith.constant 0 : i32
    %cond3A_1 = arith.cmpi ne, %convert_element_type3A, %cond3A : i32
    scf.if %cond3A_1 {
      %broadcast_in_dim3A_90 = arith.constant 0.000000e+00 : f32
      %broadcast_in_dim3A_91 = vector.broadcast %broadcast_in_dim3A_90 : f32 to vector<8x16xf32>
      %swap3A_92 = arith.constant 0 : index
      %swap3A_93 = arith.constant 0 : index
      %swap3A_94 = vector.load %arg4[%swap3A_92, %swap3A_93] : memref<8x16xf32, #tpu.memory_space<vmem>>, vector<8x16xf32>
      tpu.vector_store %arg4[%swap3A_92, %swap3A_93], %broadcast_in_dim3A_91 {strides = array<i32>} : memref<8x16xf32, #tpu.memory_space<vmem>>, vector<8x16xf32>,
    } else {
    }
    %get3A = arith.constant 0 : index
    %get3A_2 = arith.constant 0 : index
    %get3A_3 = vector.load %arg1[%get3A, %get3A_2] : memref<8192x100xf32, #tpu.memory_space<vmem>>, vector<8192x100xf32>
    %reduce_max3A = arith.constant dense<0xFF800000> : vector<8192xf32>
    %reduce_max3A_4 = vector.multi_reduction <maximumf>, %get3A_3, %reduce_max3A [1] : vector<8192x100xf32> to vector<8192xf32>
    %broadcast_in_dim3A = vector.shape_cast %reduce_max3A_4 : vector<8192xf32> to vector<8192x1xf32>
    %iota3A = tpu.iota {dimensions = array<i32: 1>} : vector<8192x100xi32>
    %convert_element_type3A_5 = arith.sitofp %iota3A : vector<8192x100xi32> to vector<8192x100xf32>
    %eq3A_6 = vector.broadcast %broadcast_in_dim3A : vector<8192x1xf32> to vector<8192x100xf32>
    %eq3A_7 = arith.cmpf oeq, %get3A_3, %eq3A_6 : vector<8192x100xf32>
    %jit3A = arith.constant 1.000000e+02 : f32
    %broadcast_in_dim3A_8 = vector.broadcast %jit3A : f32 to vector<8192x100xf32>
    %select_n3A = arith.select %eq3A_7, %convert_element_type3A_5, %broadcast_in_dim3A_8 : vector<8192x100xi1>, vector<8192x100xf32>
    %reduce_min3A = arith.constant dense<0x7F800000> : vector<8192xf32>
    %reduce_min3A_9 = vector.multi_reduction <minimumf>, %select_n3A, %reduce_min3A [1] : vector<8192x100xf32> to vector<8192xf32>
    %broadcast_in_dim3A_10 = vector.shape_cast %reduce_min3A_9 : vector<8192xf32> to vector<8192x1xf32>
    %sub3A = vector.broadcast %broadcast_in_dim3A : vector<8192x1xf32> to vector<8192x100xf32>
    %sub3A_11 = arith.subf %get3A_3, %sub3A : vector<8192x100xf32>
    %exp3A = math.exp %sub3A_11 : vector<8192x100xf32>
    %reduce_sum3A = arith.constant dense<0.000000e+00> : vector<8192xf32>
    %reduce_sum3A_12 = vector.multi_reduction <add>, %exp3A, %reduce_sum3A [1] : vector<8192x100xf32> to vector<8192xf32>
    %broadcast_in_dim3A_13 = vector.shape_cast %reduce_sum3A_12 : vector<8192xf32> to vector<8192x1xf32>
    %div3A = arith.constant 1.000000e+00 : f32
    %div3A_14 = vector.broadcast %div3A : f32 to vector<8192x1xf32>
    %div3A_15 = arith.divf %div3A_14, %broadcast_in_dim3A_13 : vector<8192x1xf32>
    %get3A_16 = arith.constant 0 : index
    %get3A_17 = arith.constant 0 : index
    %get3A_18 = arith.constant 0 : index
    %get3A_19 = vector.load %arg2[%get3A_16, %get3A_17, %get3A_18] : memref<1x64x128xi32, #tpu.memory_space<vmem>>, vector<1x64x128xi32>
    %get3A_20 = vector.shape_cast %get3A_19 : vector<1x64x128xi32> to vector<64x128xi32>
    %convert_element_type3A_21 = arith.sitofp %get3A_20 : vector<64x128xi32> to vector<64x128xbf16>
    %reshape3A = vector.shape_cast %convert_element_type3A_21 : vector<64x128xbf16> to vector<64x1x128xbf16>
    %broadcast_in_dim3A_22 = vector.shape_cast %reshape3A : vector<64x1x128xbf16> to vector<64x1x128xbf16>
    %broadcast_in_dim3A_23 = vector.broadcast %broadcast_in_dim3A_22 : vector<64x1x128xbf16> to vector<64x128x128xbf16>
    %reshape3A_24 = vector.shape_cast %broadcast_in_dim3A_23 : vector<64x128x128xbf16> to vector<8192x128xbf16>
    %get3A_25 = arith.constant 0 : index
    %get3A_26 = arith.constant 0 : index
    %get3A_27 = vector.load %arg3[%get3A_25, %get3A_26] : memref<128x128xbf16, #tpu.memory_space<vmem>>, vector<128x128xbf16>
    %reshape3A_28 = vector.shape_cast %get3A_27 : vector<128x128xbf16> to vector<1x128x128xbf16>
    %broadcast_in_dim3A_29 = vector.shape_cast %reshape3A_28 : vector<1x128x128xbf16> to vector<1x128x128xbf16>
    %broadcast_in_dim3A_30 = vector.broadcast %broadcast_in_dim3A_29 : vector<1x128x128xbf16> to vector<64x128x128xbf16>
    %reshape3A_31 = vector.shape_cast %broadcast_in_dim3A_30 : vector<64x128x128xbf16> to vector<8192x128xbf16>
    %convert_element_type3A_32 = arith.truncf %broadcast_in_dim3A_10 : vector<8192x1xf32> to vector<8192x1xbf16>
    %eq3A_33 = vector.broadcast %convert_element_type3A_32 : vector<8192x1xbf16> to vector<8192x128xbf16>
    %eq3A_34 = arith.cmpf oeq, %reshape3A_24, %eq3A_33 : vector<8192x128xbf16>
    %jit3A_35 = arith.constant 0.000000e+00 : bf16
    %broadcast_in_dim3A_36 = vector.broadcast %jit3A_35 : bf16 to vector<8192x128xbf16>
    %select_n3A_37 = arith.select %eq3A_34, %reshape3A_31, %broadcast_in_dim3A_36 : vector<8192x128xi1>, vector<8192x128xbf16>
    %broadcast_in_dim3A_38 = arith.constant 1.000000e+00 : bf16
    %broadcast_in_dim3A_39 = vector.broadcast %broadcast_in_dim3A_38 : bf16 to vector<128x1xbf16>
    %dot_general3A = arith.constant dense<0.000000e+00> : vector<8192x1xf32>
    %dot_general3A_40 = tpu.matmul %select_n3A_37, %broadcast_in_dim3A_39, %dot_general3A {dimension_numbers = #tpu.dot_dimension_numbers<[1], [0], [0], [1], [0, 0, 1, 1], [], []>, transpose_lhs_hint = false} : vector<8192x128xbf16>, vector<128x1xbf16>, vector<8192x1xf32> -> vector<8192x1xf32>
    %iota3A_41 = tpu.iota {dimensions = array<i32: 1>} : vector<1x16xi32>
    %convert_element_type3A_42 = arith.sitofp %iota3A_41 : vector<1x16xi32> to vector<1x16xf32>
    %eq3A_43 = arith.constant 0 : i32
    %eq3A_44 = vector.broadcast %eq3A_43 : i32 to vector<1x16xi32>
    %eq3A_45 = arith.cmpi eq, %iota3A_41, %eq3A_44 : vector<1x16xi32>
    %neg3A = arith.constant 0.000000e+00 : f32
    %neg3A_46 = arith.constant 0x7F800000 : f32
    %neg3A_47 = arith.subf %neg3A, %neg3A_46 : f32
    %ge3A = arith.constant 15 : i32
    %ge3A_48 = vector.broadcast %ge3A : i32 to vector<1x16xi32>
    %ge3A_49 = arith.cmpi sge, %iota3A_41, %ge3A_48 : vector<1x16xi32>
    %div3A_50 = arith.constant 1.500000e+01 : f32
    %div3A_51 = vector.broadcast %div3A_50 : f32 to vector<1x16xf32>
    %div3A_52 = arith.divf %convert_element_type3A_42, %div3A_51 : vector<1x16xf32>
    %jit3A_53 = arith.constant 0x7F800000 : f32
    %broadcast_in_dim3A_54 = vector.broadcast %jit3A_53 : f32 to vector<1x16xf32>
    %select_n3A_55 = arith.select %ge3A_49, %broadcast_in_dim3A_54, %div3A_52 : vector<1x16xi1>, vector<1x16xf32>
    %broadcast_in_dim3A_56 = vector.broadcast %neg3A_47 : f32 to vector<1x16xf32>
    %select_n3A_57 = arith.select %eq3A_45, %broadcast_in_dim3A_56, %select_n3A_55 : vector<1x16xi1>, vector<1x16xf32>
    %ge3A_58 = arith.constant 14 : i32
    %ge3A_59 = vector.broadcast %ge3A_58 : i32 to vector<1x16xi32>
    %ge3A_60 = arith.cmpi sge, %iota3A_41, %ge3A_59 : vector<1x16xi32>
    %add3A = arith.constant 1.000000e+00 : f32
    %add3A_61 = vector.broadcast %add3A : f32 to vector<1x16xf32>
    %add3A_62 = arith.addf %convert_element_type3A_42, %add3A_61 : vector<1x16xf32>
    %div3A_63 = arith.constant 1.500000e+01 : f32
    %div3A_64 = vector.broadcast %div3A_63 : f32 to vector<1x16xf32>
    %div3A_65 = arith.divf %add3A_62, %div3A_64 : vector<1x16xf32>
    %jit3A_66 = arith.constant 0x7F800000 : f32
    %broadcast_in_dim3A_67 = vector.broadcast %jit3A_66 : f32 to vector<1x16xf32>
    %select_n3A_68 = arith.select %ge3A_60, %broadcast_in_dim3A_67, %div3A_65 : vector<1x16xi1>, vector<1x16xf32>
    %ge3A_69 = vector.broadcast %div3A_15 : vector<8192x1xf32> to vector<8192x16xf32>
    %ge3A_70 = vector.broadcast %select_n3A_57 : vector<1x16xf32> to vector<8192x16xf32>
    %ge3A_71 = arith.cmpf oge, %ge3A_69, %ge3A_70 : vector<8192x16xf32>
    %lt3A = vector.broadcast %div3A_15 : vector<8192x1xf32> to vector<8192x16xf32>
    %lt3A_72 = vector.broadcast %select_n3A_68 : vector<1x16xf32> to vector<8192x16xf32>
    %lt3A_73 = arith.cmpf olt, %lt3A, %lt3A_72 : vector<8192x16xf32>
    %and3A = arith.andi %ge3A_71, %lt3A_73 : vector<8192x16xi1>
    %sub3A_74 = arith.subf %div3A_15, %dot_general3A_40 : vector<8192x1xf32>
    %jit3A_75 = arith.constant 0.000000e+00 : f32
    %broadcast_in_dim3A_76 = vector.shape_cast %sub3A_74 : vector<8192x1xf32> to vector<8192x1xf32>
    %broadcast_in_dim3A_77 = vector.broadcast %broadcast_in_dim3A_76 : vector<8192x1xf32> to vector<8192x16xf32>
    %broadcast_in_dim3A_78 = vector.broadcast %jit3A_75 : f32 to vector<8192x16xf32>
    %select_n3A_79 = arith.select %and3A, %broadcast_in_dim3A_77, %broadcast_in_dim3A_78 : vector<8192x16xi1>, vector<8192x16xf32>
    %broadcast_in_dim3A_80 = arith.constant 1.000000e+00 : f32
    %broadcast_in_dim3A_81 = vector.broadcast %broadcast_in_dim3A_80 : f32 to vector<8192x1xf32>
    %dot_general3A_82 = arith.constant dense<0.000000e+00> : vector<1x16xf32>
    %dot_general3A_83 = tpu.matmul %broadcast_in_dim3A_81, %select_n3A_79, %dot_general3A_82 {dimension_numbers = #tpu.dot_dimension_numbers<[0], [0], [1], [1], [0, 1, 1, 1], [], []>, transpose_lhs_hint = false} : vector<8192x1xf32>, vector<8192x16xf32>, vector<1x16xf32> -> vector<1x16xf32>
    %get3A_84 = arith.constant 0 : index
    %get3A_85 = arith.constant 0 : index
    %get3A_86 = vector.load %arg4[%get3A_84, %get3A_85] : memref<8x16xf32, #tpu.memory_space<vmem>>, vector<1x16xf32>
    %add3A_87 = arith.addf %get3A_86, %dot_general3A_83 : vector<1x16xf32>
    %swap3A = arith.constant 0 : index
    %swap3A_88 = arith.constant 0 : index
    %swap3A_89 = vector.load %arg4[%swap3A, %swap3A_88] : memref<8x16xf32, #tpu.memory_space<vmem>>, vector<1x16xf32>
    tpu.vector_store %arg4[%swap3A, %swap3A_88], %add3A_87 {strides = array<i32>} : memref<8x16xf32, #tpu.memory_space<vmem>>, vector<1x16xf32>,
    return
  }
  func.func @transform_0(%arg0: i32) -> (i32, i32) {
    %add3A = arith.constant 32 : i32
    %add3A_0 = arith.addi %arg0, %add3A : i32
    %c0_i32 = arith.constant 0 : i32
    %c0_i32_1 = arith.constant 0 : i32
    return %add3A_0, %c0_i32 : i32, i32
  }
  func.func @transform_1(%arg0: i32) -> (i32, i32, i32) {
    %add3A = arith.constant 32 : i32
    %add3A_0 = arith.addi %arg0, %add3A : i32
    %c0_i32 = arith.constant 0 : i32
    %c0_i32_1 = arith.constant 0 : i32
    %c0_i32_2 = arith.constant 0 : i32
    return %add3A_0, %c0_i32, %c0_i32_1 : i32, i32, i32
  }
  func.func @transform_2(%arg0: i32) -> (i32, i32) {
    %c0_i32 = arith.constant 0 : i32
    %c0_i32_0 = arith.constant 0 : i32
    %c0_i32_1 = arith.constant 0 : i32
    return %c0_i32, %c0_i32_0 : i32, i32
  }
  func.func @transform_3(%arg0: i32) -> (i32, i32) {
    %c0_i32 = arith.constant 0 : i32
    %c0_i32_0 = arith.constant 0 : i32
    %c0_i32_1 = arith.constant 0 : i32
    return %c0_i32, %c0_i32_0 : i32, i32
  }
}

</mosaic_0001>

<sc_bundles>
// kernel: kernel.4.cloned.1.call-start
scs
__scs_entry_jumppad:
0x0: {  	(pc) =	sbr.rel $0x88, $3  }
0x1: {  	(tag) =	ssettag $0x0;
	lr =	simm.s32 $0x1  }
0x2: {  	[smem:$0x3F9F] =	sst lr;
	_ =	strace $0xD0000000  }
0x3: {  	_ = 	snop  }
0x4: {  	_ = 	snop  }
0x5: {  	_ = 	snop  }
0x6: {  	_ = 	snop  }
0x7: {  	_ = 	snop  }
__scs_overlays_trampoline_lowered:
0x8: {  	[smem:$0x3FAE] =	sst s0  }
0x9: {  	[smem:$0x3FAF] =	sst s1  }
0xa: {  	[smem:$0x3FB0] =	sst s2  }
0xb: {  	[smem:$0x3FB1] =	sst s3  }
0xc: {  	[smem:$0x3FB2] =	sst s4  }
0xd: {  	[smem:$0x3FB3] =	sst s5  }
0xe: {  	[smem:$0x3FB4] =	sst s6  }
0xf: {  	[smem:$0x3FB5] =	sst s7  }
0x10: {  	[smem:$0x3FB6] =	sst s8  }
0x11: {  	[smem:$0x3FB7] =	sst s9;
	s0 =	simm.s32 @!p0 $0x0  }
0x12: {  	s1 =	sld [smem:$0x3F9D];
	s0 =	simm.s32 @p0 $0x1  }
0x13: {  	[smem:$0x3FB8] =	sst s0;
	s0 =	simm.s32 @!p1 $0x0  }
0x14: {  	s2 =	sld [smem:$0x3F9C];
	s0 =	simm.s32 @p1 $0x1  }
0x15: {  	[smem:$0x3FB9] =	sst s0;
	s0 =	simm.s32 @!p2 $0x0  }
0x16: {  	s3 =	sld [smem:$0x3FDB];
	s0 =	simm.s32 @p2 $0x1  }
0x17: {  	s4 =	simm.s32 $0x1BF5;
	[smem:$0x3FBB] =	sst s0  }
0x18: {  	s0 =	sld [smem:$0x3F9E];
	_ =	swait.ge [sflag:s4], $0x0  }
0x19: {  	s7 =	sld [smem:$0x3F9F]  }
0x1a: {  	s8 =	sadd.s32 $0xFFFFE003, lr  }
0x1b: {  	s9 =	sadd.s32 $0xFFFFFEF7, lr;
	s5 =	simm.s32 $0xFFFFFFFF;
	p2 =	slt.u32 s8, $0xFFFFF086  }
0x1c: {  	p1 =	slt.u32 s9, $0xF7A;
	s5 =	simm.s32 @!p2 $0x0  }
0x1d: {  	s5 =	simm.s32 @p1 $0x1;
	p0 =	seq.s32 s7, s2  }
0x1e: {  	s7 =	smul.u32 @!p0 $0xF7A, s2;
	p2 =	seq.s32 @!p0 s5, $0x0  }
0x1f: {  	s9 =	smul.u32 $0xF7A, s1;
	s8 =	simm.s32 @!p0 $0x1BF5;
	p2 =	por !p2, p0  }
0x20: {  	[sflag:s8] =	ssyncset.s32 @!p0 $0xFFFFF086;
	s6 =	sadd.s32 @!p0 s3, s7;
	s7 =	simm.s32 @!p0 $0x108  }
0x21: {  	s3 =	sadd.s32 s3, s9;
	s6 =	sadd.s32 @!p0 $0x88, s6;
	s7 =	simm.s32 @p2 $0x1082  }
0x22: {  	[simem:s7], [sflag:s8] =	dma.local @!p0 [hbm:s6], $0xF7A  }
0x23: {  	s9 =	sor.u32 $0xD0000000, s2;
	s6 =	simm.s32 $0x108;
	_ =	swait.ge @!p0 [sflag:s8], $0x0  }
0x24: {  	s3 =	sadd.s32 $0x88, s3;
	s6 =	simm.s32 @!p1 $0x1082;
	[sflag:s4] =	ssyncset.s32 $0xFFFFF086  }
0x25: {  	[simem:s6], [sflag:s4] =	dma.local [hbm:s3], $0xF7A  }
0x26: {  	[smem:$0x3F9F] =	sst s1;
	(tag) =	ssettag s2;
	_ =	strace s9  }
0x27: {  	s1 =	sld [smem:$0x3FAF]  }
0x28: {  	s2 =	sld [smem:$0x3FB0]  }
0x29: {  	s4 =	sld [smem:$0x3FB2]  }
0x2a: {  	p0 =	seq.s32 s5, $0x0;
	s5 =	sld [smem:$0x3FB3]  }
0x2b: {  	s6 =	sld [smem:$0x3FB4]  }
0x2c: {  	s7 =	sld [smem:$0x3FB5]  }
0x2d: {  	s3 =	simm.s32 $0x108;
	s8 =	sld [smem:$0x3FB6]  }
0x2e: {  	s3 =	simm.s32 @!p0 $0x1082;
	s9 =	sld [smem:$0x3FB7]  }
0x2f: {  	lr =	sadd.s32 s0, s3;
	s0 =	sld [smem:$0x3FAE]  }
0x30: {  	s3 =	sld [smem:$0x3FB1]  }
0x31: {  	[smem:$0x3FBA] =	sst s10  }
0x32: {  	s10 =	sld [smem:$0x3FB8];
	_ =	sdelay $0x3  }
0x33: {  	p0 =	seq.s32 s10, $0x1;
	s10 =	sld [smem:$0x3FBA];
	_ =	sdelay $0x3  }
0x34: {  	[smem:$0x3FBA] =	sst s10  }
0x35: {  	s10 =	sld [smem:$0x3FB9];
	_ =	sdelay $0x3  }
0x36: {  	p1 =	seq.s32 s10, $0x1;
	s10 =	sld [smem:$0x3FBA];
	_ =	sdelay $0x3  }
0x37: {  	[smem:$0x3FBA] =	sst s10  }
0x38: {  	s10 =	sld [smem:$0x3FBB]  }
0x39: {  	_ = 	snop;
	(pc) =	sbr.ind lr, $3  }
0x3a: {  	_ = 	snop  }
0x3b: {  	_ = 	snop  }
0x3c: {  	p2 =	seq.s32 s10, $0x1;
	s10 =	sld [smem:$0x3FBA]  }
0x3d: {  	_ =	shalt  }
0x3e: {  	_ =	shalt  }
0x3f: {  	_ =	shalt  }
0x40: {  	_ =	shalt  }
0x41: {  	_ =	shalt  }
0x42: {  	_ =	shalt  }
0x43: {  	_ =	shalt  }
0x44: {  	_ =	shalt  }
0x45: {  	_ =	shalt  }
0x46: {  	_ =	shalt  }
0x47: {  	_ =	shalt  }
0x48: {  	_ =	shalt  }
0x49: {  	_ =	shalt  }
0x4a: {  	_ =	shalt  }
0x4b: {  	_ =	shalt  }
0x4c: {  	_ =	shalt  }
0x4d: {  	_ =	shalt  }
0x4e: {  	_ =	shalt  }
0x4f: {  	_ =	shalt  }
0x50: {  	_ =	shalt  }
0x51: {  	_ =	shalt  }
0x52: {  	_ =	shalt  }
0x53: {  	_ =	shalt  }
0x54: {  	_ =	shalt  }
0x55: {  	_ =	shalt  }
0x56: {  	_ =	shalt  }
0x57: {  	_ =	shalt  }
0x58: {  	_ =	shalt  }
0x59: {  	_ =	shalt  }
0x5a: {  	_ =	shalt  }
0x5b: {  	_ =	shalt  }
0x5c: {  	_ =	shalt  }
0x5d: {  	_ =	shalt  }
0x5e: {  	_ =	shalt  }
0x5f: {  	_ =	shalt  }
0x60: {  	_ =	shalt  }
0x61: {  	_ =	shalt  }
0x62: {  	_ =	shalt  }
0x63: {  	_ =	shalt  }
0x64: {  	_ =	shalt  }
0x65: {  	_ =	shalt  }
0x66: {  	_ =	shalt  }
0x67: {  	_ =	shalt  }
0x68: {  	_ =	shalt  }
0x69: {  	_ =	shalt  }
0x6a: {  	_ =	shalt  }
0x6b: {  	_ =	shalt  }
0x6c: {  	_ =	shalt  }
0x6d: {  	_ =	shalt  }
0x6e: {  	_ =	shalt  }
0x6f: {  	_ =	shalt  }
0x70: {  	_ =	shalt  }
0x71: {  	_ =	shalt  }
0x72: {  	_ =	shalt  }
0x73: {  	_ =	shalt  }
0x74: {  	_ =	shalt  }
0x75: {  	_ =	shalt  }
0x76: {  	_ =	shalt  }
0x77: {  	_ =	shalt  }
0x78: {  	_ =	shalt  }
0x79: {  	_ =	shalt  }
0x7a: {  	_ =	shalt  }
0x7b: {  	_ =	shalt  }
0x7c: {  	_ =	shalt  }
0x7d: {  	_ =	shalt  }
0x7e: {  	_ =	shalt  }
0x7f: {  	_ =	shalt  }
0x80: {  	_ =	shalt  }
0x81: {  	_ =	shalt  }
0x82: {  	_ =	shalt  }
0x83: {  	_ =	shalt  }
0x84: {  	_ =	shalt  }
0x85: {  	_ =	shalt  }
0x86: {  	_ =	shalt  }
0x87: {  	_ =	shalt  }
.Lfunc_end0:
.L_simem_size_0:
called_computation_lowered:
.L_overlay_start_0:
0x88: {  	s2 =	sld [smem:$0x3FD9]  }
0x89: {  	s3 =	sld [smem:$0x3FFE];
	_ =	sdelay $0x1  }
0x8a: {  	s1 =	srdreg.scid  }
0x8b: {  	s0 =	sand.u32 $0x1, s1  }
0x8c: {  	s17 =	sshll.u32 s0, $0xA;
	s2 =	sadd.s32 s3, s2  }
0x8d: {  	s2 =	sadd.s32 s2, s17  }
0x8e: {  	[smem:$0x3FC6] =	sst s2  }
0x8f: {  	_ = 	snop  }
0x90: {  	s2 =	sld [smem:$0x3FC8];
	(tm) =	ssettm $0x1  }
0x91: {  	s18 =	sld [smem:$0x3FFB];
	_ =	sdelay $0x3  }
0x92: {  	_ =	strace s18  }
0x93: {  	s3 =	sld [smem:$0x3FFC];
	_ =	sdelay $0x3  }
0x94: {  	_ =	strace s3  }
0x95: {  	s3 =	sld [smem:$0x3FFD];
	_ =	sdelay $0x3  }
0x96: {  	_ =	strace s3  }
0x97: {  	_ =	strace $0x8FFFFFFF  }
0x98: {  	s19 =	sld [smem:$0x3FDB];
	_ =	sdelay $0x1  }
0x99: {  	s4 =	simm.s32 $_scs_section_size  }
0x9a: {  	s5 =	simm.s32 $_size__tile_overlayer_lowered;
	s6 =	simm.s32 $_tile_overlayer_lowered  }
0x9b: {  	s22 =	simm.s32 $0x1BFF;
	s21 =	sshll.u32 s6, $0x1;
	s3 =	sadd.s32 s4, s19  }
0x9c: {  	s7 =	simm.s32 $0x0;
	s20 =	sshll.u32 s5, $0x1;
	s5 =	sadd.s32 s21, s3  }
0x9d: {  	[timem:s7], [sflag:s22] =	dma.local [hbm:s5], s20  }
0x9e: {  	_ =	swait.ge [sflag:s22], s20  }
0x9f: {  	s4 =	ssub.s32 $0x0, s20;
	[sflag:s22] =	ssyncset.done $0x0  }
0xa0: {  	[sflag:s22] =	ssyncadd.s32 s4;
	_ =	sdelay $0x1  }
0xa1: {  	s23 =	simm.s32 $0x1B8B  }
0xa2: {  	_ =	swait.ge [sflag:s23], $0x1  }
0xa3: {  	[sflag:s23] =	ssyncset.done $0x0  }
0xa4: {  	s25 =	simm.s32 $0x1B8E;
	s24 =	sld [smem:$0x3FFE];
	[sflag:s23] =	ssyncadd.s32 $0xFFFFFFFF  }
0xa5: {  	s26 =	simm.s32 $execute0_lowered;
	[smem:$0x3FD2] =	sst s25  }
0xa6: {  	s5 =	sshll.u32 s26, $0x1;
	_ =	strace $0x80000046;
	[dreg:$0x1] =	wrdreg $0xFFFFFFFF  }
0xa7: {  	s28 =	simm.s32 $_size_execute0_lowered;
	s3 =	sadd.s32 s3, s5;
	[dreg:$0x0] =	wrdreg $0x0  }
0xa8: {  	s5 =	sshll.u32 s28, $0x1;
	[dreg:$0x2] =	wrdreg s3  }
0xa9: {  	[dreg:$0x3] =	wrdreg s5  }
0xaa: {  	[dreg:$0x4] =	wrdreg $0xC0  }
0xab: {  	_ =	task [dreg:s7], $0x5FFFF  }
0xac: {  	[dreg:$0x1] =	wrdreg $0xFFFFFFFF  }
0xad: {  	[dreg:$0x0] =	wrdreg $0x60  }
0xae: {  	[dreg:$0x2] =	wrdreg s24  }
0xaf: {  	[dreg:$0x3] =	wrdreg s2  }
0xb0: {  	[dreg:$0x4] =	wrdreg $0x9  }
0xb1: {  	_ =	task.clear_ibuf [dreg:s7], $0x5FFFF;
	_ =	strace $0x90000046  }
0xb2: {  	s29 =	simm.s32 $0x9;
	_ =	strace $0x80000048  }
0xb3: {  	_ =	swait.ge [sflag:s29], $0x1  }
0xb4: {  	[sflag:s29] =	ssyncadd.s32 $0xFFFFFFFF  }
0xb5: {  	_ =	strace $0x90000048  }
0xb6: {  	_ =	sfence  }
0xb7: {  	s30 =	sld [smem:$0x0];
	_ =	sdelay $0x2  }
0xb8: {  	s31 =	sshll.u32 s1, $0xD;
	s1 =	sshrl.u32 s1, $0x2  }
0xb9: {  	s3 =	sand.u32 $0x4000, s31;
	s1 =	sadd.s32 s1, s30  }
0xba: {  	s0 =	sor.u32 s3, s0;
	s1 =	sshll.u32 s1, $0x11  }
0xbb: {  	s0 =	sor.u32 s1, s0  }
0xbc: {  	s0 =	sadd.s32 $0x8F2B, s0  }
0xbd: {  	[sflag:s0] =	ssyncadd.remote.s32 $0x1  }
0xbe: {  	_ =	sfence.sel $0xFFFF  }
0xbf: {  	[dreg:$0x0] =	wrdreg $0xFFFFFFFF;
	(pc) =	sbr.abs _section_cstart, $3  }
0xc0: {  	[dreg:$0x1] =	wrdreg $0xFFFFFFFF  }
0xc1: {  	_ =	task.clear_ibuf [dreg:s7], $0x2FFFF;
	_ =	strace $0x9FFFFFFF  }
0xc2: {  	(tm) =	ssettm $0x7FFFFFFF  }
0xc3: {  	_ =	shalt  }
tec
execute0_lowered:
.L_overlay_start_1:
0x0: {  	(tag) =	ssettag $0x1  }
0x1: {  	v0 =	vlaneseq.u32  }
0x2: {  	s4 =	rddreg [dreg:$0x0];
	v48 =	vmul.u32 $0x64, v0  }
0x3: {  	s1 =	rddreg [dreg:$0x1];
	s3 =	simm.s32 $0x0  }
0x4: {  	[smem:$0x7FF] =	sst s3;
	v0 =	vadd.s32 $0x32, v48  }
0x5: {  	s0 =	rddreg [dreg:$0x2];
	_ =	strace $0x80000047;
	v1 =	vor.u32 $0x1, v48;
	[tilespmem:$0x1FC40] =	vst v0  }
0x6: {  	v3 =	vor.u32 $0x2, v48;
	[tilespmem:$0x1FCF0] =	vst v1  }
0x7: {  	v4 =	vor.u32 $0x3, v48;
	[tilespmem:$0x1FD00] =	vst v3  }
0x8: {  	v5 =	vadd.s32 $0x4, v48;
	[tilespmem:$0x1FD10] =	vst v4  }
0x9: {  	v44 =	vadd.s32 $0x5, v48;
	[tilespmem:$0x1FD20] =	vst v5  }
0xa: {  	v7 =	vadd.s32 $0x6, v48;
	[tilespmem:$0x1FD30] =	vst v44  }
0xb: {  	v9 =	vadd.s32 $0x7, v48;
	[tilespmem:$0x1FD40] =	vst v7  }
0xc: {  	v11 =	vadd.s32 $0x8, v48;
	[tilespmem:$0x1FD50] =	vst v9  }
0xd: {  	v13 =	vadd.s32 $0x9, v48;
	[tilespmem:$0x1FD60] =	vst v11  }
0xe: {  	v14 =	vadd.s32 $0xA, v48;
	[tilespmem:$0x1FD70] =	vst v13  }
0xf: {  	v15 =	vadd.s32 $0xB, v48;
	[tilespmem:$0x1FD80] =	vst v14  }
0x10: {  	v16 =	vadd.s32 $0xC, v48;
	[tilespmem:$0x1FD90] =	vst v15  }
0x11: {  	v17 =	vadd.s32 $0xD, v48;
	[tilespmem:$0x1FDA0] =	vst v16  }
0x12: {  	v18 =	vadd.s32 $0xE, v48;
	[tilespmem:$0x1FDB0] =	vst v17  }
0x13: {  	v19 =	vadd.s32 $0xF, v48;
	[tilespmem:$0x1FDC0] =	vst v18  }
0x14: {  	v20 =	vadd.s32 $0x10, v48;
	[tilespmem:$0x1FDD0] =	vst v19  }
0x15: {  	v21 =	vadd.s32 $0x11, v48;
	[tilespmem:$0x1FDE0] =	vst v20  }
0x16: {  	v22 =	vadd.s32 $0x12, v48;
	[tilespmem:$0x1FDF0] =	vst v21  }
0x17: {  	v23 =	vadd.s32 $0x13, v48;
	[tilespmem:$0x1FE00] =	vst v22  }
0x18: {  	v24 =	vadd.s32 $0x14, v48;
	[tilespmem:$0x1FE10] =	vst v23  }
0x19: {  	v25 =	vadd.s32 $0x15, v48;
	[tilespmem:$0x1FE20] =	vst v24  }
0x1a: {  	v26 =	vadd.s32 $0x16, v48;
	[tilespmem:$0x1FE30] =	vst v25  }
0x1b: {  	v27 =	vadd.s32 $0x17, v48;
	[tilespmem:$0x1FE40] =	vst v26  }
0x1c: {  	v28 =	vadd.s32 $0x18, v48;
	[tilespmem:$0x1FE50] =	vst v27  }
0x1d: {  	v29 =	vadd.s32 $0x19, v48;
	[tilespmem:$0x1FE60] =	vst v28  }
0x1e: {  	v30 =	vadd.s32 $0x1A, v48;
	[tilespmem:$0x1FE70] =	vst v29  }
0x1f: {  	v31 =	vadd.s32 $0x1B, v48;
	[tilespmem:$0x1FE80] =	vst v30  }
0x20: {  	v32 =	vadd.s32 $0x1C, v48;
	[tilespmem:$0x1FE90] =	vst v31  }
0x21: {  	v33 =	vadd.s32 $0x1D, v48;
	[tilespmem:$0x1FEA0] =	vst v32  }
0x22: {  	v34 =	vadd.s32 $0x1E, v48;
	[tilespmem:$0x1FEB0] =	vst v33  }
0x23: {  	v35 =	vadd.s32 $0x1F, v48;
	[tilespmem:$0x1FEC0] =	vst v34  }
0x24: {  	v36 =	vadd.s32 $0x20, v48;
	[tilespmem:$0x1FED0] =	vst v35  }
0x25: {  	v37 =	vadd.s32 $0x21, v48;
	[tilespmem:$0x1FEE0] =	vst v36  }
0x26: {  	v38 =	vadd.s32 $0x22, v48;
	[tilespmem:$0x1FEF0] =	vst v37  }
0x27: {  	v39 =	vadd.s32 $0x23, v48;
	[tilespmem:$0x1FF00] =	vst v38  }
0x28: {  	v40 =	vadd.s32 $0x24, v48;
	[tilespmem:$0x1FF10] =	vst v39  }
0x29: {  	v41 =	vadd.s32 $0x25, v48;
	[tilespmem:$0x1FF20] =	vst v40  }
0x2a: {  	v42 =	vadd.s32 $0x26, v48;
	[tilespmem:$0x1FF30] =	vst v41  }
0x2b: {  	v43 =	vadd.s32 $0x27, v48;
	[tilespmem:$0x1FF40] =	vst v42  }
0x2c: {  	v45 =	vadd.s32 $0x28, v48;
	[tilespmem:$0x1FF50] =	vst v43  }
0x2d: {  	v56 =	vadd.s32 $0x29, v48;
	[tilespmem:$0x1FF60] =	vst v45  }
0x2e: {  	v46 =	vadd.s32 $0x2A, v48;
	[tilespmem:$0x1FF70] =	vst v56  }
0x2f: {  	v57 =	vadd.s32 $0x2B, v48;
	[tilespmem:$0x1FF80] =	vst v46  }
0x30: {  	v50 =	vadd.s32 $0x2C, v48;
	[tilespmem:$0x1FF90] =	vst v57  }
0x31: {  	v51 =	vadd.s32 $0x2D, v48;
	[tilespmem:$0x1FFA0] =	vst v50  }
0x32: {  	v52 =	vadd.s32 $0x2E, v48;
	[tilespmem:$0x1FFB0] =	vst v51  }
0x33: {  	v53 =	vadd.s32 $0x2F, v48;
	[tilespmem:$0x1FFC0] =	vst v52  }
0x34: {  	v54 =	vadd.s32 $0x30, v48;
	[tilespmem:$0x1FFD0] =	vst v53  }
0x35: {  	v55 =	vadd.s32 $0x31, v48;
	[tilespmem:$0x1FFE0] =	vst v54  }
0x36: {  	v0 =	vadd.s32 $0x33, v48;
	[tilespmem:$0x1FFF0] =	vst v55  }
0x37: {  	[tilespmem:$0x1FC50] =	vst v0;
	v0 =	vadd.s32 $0x34, v48  }
0x38: {  	[tilespmem:$0x1FC60] =	vst v0;
	v0 =	vadd.s32 $0x35, v48  }
0x39: {  	s2 =	stileid.u32;
	s5 =	srdreg.scid;
	[tilespmem:$0x1FC70] =	vst v0;
	v0 =	vadd.s32 $0x36, v48  }
0x3a: {  	s10 =	simm.s32 $0x80;
	s11 =	simm.s32 $0x400;
	s12 =	simm.s32 $0x0;
	[tilespmem:$0x1FC80] =	vst v0;
	v0 =	vadd.s32 $0x37, v48  }
0x3b: {  	s5 =	sand.u32 $0x1, s5;
	s6 =	sshll.u32 s2, $0x1;
	s7 =	sshll.u32 s2, $0x6;
	[tilespmem:$0x1FC90] =	vst v0;
	v0 =	vadd.s32 $0x38, v48  }
0x3c: {  	s6 =	sor.u32 s5, s6;
	s7 =	sand.u32 $0x300, s7;
	s5 =	ssub.s32 $0x2, s5;
	[tilespmem:$0x1FCA0] =	vst v0;
	v0 =	vadd.s32 $0x39, v48  }
0x3d: {  	s8 =	sshll.u32 s6, $0x4;
	s7 =	sadd.s32 s7, s4;
	s9 =	sshrl.u32 s5, $0x1;
	[tilespmem:$0x1FCB0] =	vst v0;
	v0 =	vadd.s32 $0x3A, v48  }
0x3e: {  	s4 =	sadd.s32 $0x1000000, s4;
	s8 =	sand.u32 $0x70, s8;
	s31 =	ssub.s32 s5, s9;
	[tilespmem:$0x1FCC0] =	vst v0;
	v0 =	vadd.s32 $0x3B, v48  }
0x3f: {  	s5 =	sshll.u32 s6, $0xD;
	s9 =	simm.s32 $0xCA00;
	s7 =	sadd.s32 s8, s7;
	[tilespmem:$0x1FCD0] =	vst v0;
	v0 =	vadd.s32 $0x3C, v48  }
0x40: {  	s8 =	simm.s32 $0x1;
	s6 =	sadd.s32 $0x1C80000, s7;
	s7 =	smax.u32 s31, $0x1;
	[tilespmem:$0x1FCE0] =	vst v0  }
.LBB2_1:
0x41: {  	v0 =	vimm.f32 $0.0e+00  }
0x42: {  	[tilespmem:$0xCA00] =	vst v0  }
0x43: {  	[tilespmem:$0xCA10] =	vst v0  }
0x44: {  	[tilespmem:$0xCA20] =	vst v0  }
0x45: {  	[tilespmem:$0xCA30] =	vst v0  }
0x46: {  	[tilespmem:$0xCA40] =	vst v0  }
0x47: {  	[tilespmem:$0xCA50] =	vst v0  }
0x48: {  	[tilespmem:$0xCA60] =	vst v0  }
0x49: {  	[tilespmem:$0xCA70] =	vst v0  }
0x4a: {  	[tilespmem:$0xCA80] =	vst v0  }
0x4b: {  	[tilespmem:$0xCA90] =	vst v0  }
0x4c: {  	[tilespmem:$0xCAA0] =	vst v0  }
0x4d: {  	[tilespmem:$0xCAB0] =	vst v0  }
0x4e: {  	[tilespmem:$0xCAC0] =	vst v0  }
0x4f: {  	[tilespmem:$0xCAD0] =	vst v0  }
0x50: {  	[tilespmem:$0xCAE0] =	vst v0  }
0x51: {  	s13 =	simm.s32 $0x0;
	[tilespmem:$0xCAF0] =	vst v0  }
.LBB2_2:
0x52: {  	s14 =	sshll.u32 s13, $0x9  }
0x53: {  	s15 =	sadd.s32 s5, s14  }
0x54: {  	s14 =	smul.u32 $0x64, s15;
	_ =	sdelay $0x1  }
0x55: {  	s14 =	sshrl.u32 s14, $0x3  }
0x56: {  	s16 =	sadd.s32 s4, s14;
	s14 =	simm.s32 $0x0  }
0x57: {  	[tilespmem:s14], [sflag:$0x1] =	stream.linear.gather [hbm4b:s16+s14], $0xC800, $0x38;
	[tilespmem:$0xCB00] =	vst v63  }
0x58: {  	_ =	swait.ge [sflag:s8], $0xC800  }
0x59: {  	s15 =	sshrl.u32 s15, $0x3;
	[sflag:s8] =	ssyncset.done $0x0  }
0x5a: {  	s31 =	sadd.s32 s1, s15;
	s15 =	simm.s32 $0xC800;
	[sflag:s8] =	ssyncadd.s32 $0xFFFF3800  }
0x5b: {  	[tilespmem:s15], [sflag:$0x1] =	stream.linear.gather [hbm4b:s31+s14], $0x200, $0x38;
	[tilespmem:$0xCB00] =	vst v63  }
0x5c: {  	_ =	swait.ge [sflag:s8], $0x200  }
0x5d: {  	[sflag:s8] =	ssyncset.done $0x0  }
0x5e: {  	[sflag:s8] =	ssyncadd.s32 $0xFFFFFE00  }
.LBB2_3:
0x5f: {  	_ =	sdelay $0x2  }
0x60: {  	v2 =	vadd.s32 s14, v1;
	v1 =	vld [tilespmem:$0x1FD00]  }
0x61: {  	v0 =	vadd.s32 s14, v48;
	_ =	sdelay $0x3  }
0x62: {  	v3 =	vadd.s32 s14, v1  }
0x63: {  	v47 =	vld.idx.msk [tilespmem:v0+s3+$0x0], $0xffff  }
0x64: {  	v0 =	vadd.s32 s14, v4  }
0x65: {  	v12 =	vld.idx.msk [tilespmem:v2+s3+$0x0], $0xffff  }
0x66: {  	v2 =	vadd.s32 s14, v5  }
0x67: {  	v49 =	vld.idx.msk [tilespmem:v3+s3+$0x0], $0xffff  }
0x68: {  	vm0 =	vgt.f32 v47, $-Inf;
	v3 =	vadd.s32 s14, v44  }
0x69: {  	v4 =	vnsel vm0, $0xFF800000, v47;
	v44 =	vld.idx.msk [tilespmem:v0+s3+$0x0], $0xffff  }
0x6a: {  	vm8 =	vgt.f32 v12, v4;
	v0 =	vadd.s32 s14, v7  }
0x6b: {  	v10 =	vld.idx.msk [tilespmem:v2+s3+$0x0], $0xffff;
	v4 =	vsel vm8, v12, v4  }
0x6c: {  	v2 =	vadd.s32 s14, v9;
	vm10 =	vgt.f32 v49, v4  }
0x6d: {  	v5 =	vld.idx.msk [tilespmem:v3+s3+$0x0], $0xffff;
	v4 =	vsel vm10, v49, v4  }
0x6e: {  	v7 =	vadd.s32 s14, v11;
	vm11 =	vgt.f32 v44, v4  }
0x6f: {  	v6 =	vld.idx.msk [tilespmem:v0+s3+$0x0], $0xffff;
	v4 =	vsel vm11, v44, v4  }
0x70: {  	v9 =	vadd.s32 s14, v13;
	vm13 =	vgt.f32 v10, v4  }
0x71: {  	v8 =	vld.idx.msk [tilespmem:v2+s3+$0x0], $0xffff;
	v4 =	vsel vm13, v10, v4  }
0x72: {  	v11 =	vadd.s32 s14, v14;
	vm14 =	vgt.f32 v5, v4  }
0x73: {  	v13 =	vsel vm14, v5, v4;
	v4 =	vld.idx.msk [tilespmem:v7+s3+$0x0], $0xffff  }
0x74: {  	v0 =	vimm.s32 $0x0;
	v7 =	vadd.s32 s14, v15;
	vm9 =	vgt.f32 v6, v13  }
0x75: {  	v9 =	vld.idx.msk [tilespmem:v9+s3+$0x0], $0xffff;
	v0 =	vsel vm9, $0xFFFFFFFF, v0;
	v13 =	vsel vm9, v6, v13  }
0x76: {  	v14 =	vadd.s32 s14, v16;
	[tilespmem:$0x1F430] =	vst v0;
	vm0 =	vgt.f32 v8, v13;
	v0 =	vimm.s32 $0x0  }
0x77: {  	v11 =	vld.idx.msk [tilespmem:v11+s3+$0x0], $0xffff;
	v0 =	vsel vm0, $0xFFFFFFFF, v0;
	v13 =	vsel vm0, v8, v13  }
0x78: {  	v15 =	vadd.s32 s14, v17;
	[tilespmem:$0x1F440] =	vst v0;
	vm0 =	vgt.f32 v4, v13;
	v0 =	vimm.s32 $0x0  }
0x79: {  	v0 =	vsel vm0, $0xFFFFFFFF, v0;
	v16 =	vsel vm0, v4, v13;
	v13 =	vld.idx.msk [tilespmem:v7+s3+$0x0], $0xffff  }
0x7a: {  	v7 =	vadd.s32 s14, v18;
	[tilespmem:$0x1F450] =	vst v0;
	vm0 =	vgt.f32 v9, v16;
	v0 =	vimm.s32 $0x0  }
0x7b: {  	v14 =	vld.idx.msk [tilespmem:v14+s3+$0x0], $0xffff;
	v0 =	vsel vm0, $0xFFFFFFFF, v0;
	v16 =	vsel vm0, v9, v16  }
0x7c: {  	v17 =	vadd.s32 s14, v19;
	[tilespmem:$0x1F460] =	vst v0;
	vm0 =	vgt.f32 v11, v16;
	v0 =	vimm.s32 $0x0  }
0x7d: {  	v15 =	vld.idx.msk [tilespmem:v15+s3+$0x0], $0xffff;
	v0 =	vsel vm0, $0xFFFFFFFF, v0;
	v16 =	vsel vm0, v11, v16  }
0x7e: {  	v18 =	vadd.s32 s14, v20;
	[tilespmem:$0x1F470] =	vst v0;
	vm0 =	vgt.f32 v13, v16;
	v0 =	vimm.s32 $0x0  }
0x7f: {  	v0 =	vsel vm0, $0xFFFFFFFF, v0;
	v19 =	vsel vm0, v13, v16;
	v16 =	vld.idx.msk [tilespmem:v7+s3+$0x0], $0xffff  }
0x80: {  	v7 =	vadd.s32 s14, v21;
	[tilespmem:$0x1F480] =	vst v0;
	vm0 =	vgt.f32 v14, v19;
	v0 =	vimm.s32 $0x0  }
0x81: {  	v17 =	vld.idx.msk [tilespmem:v17+s3+$0x0], $0xffff;
	v0 =	vsel vm0, $0xFFFFFFFF, v0;
	v19 =	vsel vm0, v14, v19  }
0x82: {  	v20 =	vadd.s32 s14, v22;
	[tilespmem:$0x1F4A0] =	vst v0;
	vm0 =	vgt.f32 v15, v19;
	v0 =	vimm.s32 $0x0  }
0x83: {  	v18 =	vld.idx.msk [tilespmem:v18+s3+$0x0], $0xffff;
	v0 =	vsel vm0, $0xFFFFFFFF, v0;
	v19 =	vsel vm0, v15, v19  }
0x84: {  	v21 =	vadd.s32 s14, v23;
	[tilespmem:$0x1F4C0] =	vst v0;
	vm0 =	vgt.f32 v16, v19;
	v0 =	vimm.s32 $0x0  }
0x85: {  	v0 =	vsel vm0, $0xFFFFFFFF, v0;
	v22 =	vsel vm0, v16, v19;
	v19 =	vld.idx.msk [tilespmem:v7+s3+$0x0], $0xffff  }
0x86: {  	v7 =	vadd.s32 s14, v24;
	[tilespmem:$0x1F4E0] =	vst v0;
	vm0 =	vgt.f32 v17, v22;
	v0 =	vimm.s32 $0x0  }
0x87: {  	v20 =	vld.idx.msk [tilespmem:v20+s3+$0x0], $0xffff;
	v0 =	vsel vm0, $0xFFFFFFFF, v0;
	v22 =	vsel vm0, v17, v22  }
0x88: {  	v23 =	vadd.s32 s14, v25;
	[tilespmem:$0x1F500] =	vst v0;
	vm0 =	vgt.f32 v18, v22;
	v0 =	vimm.s32 $0x0  }
0x89: {  	v21 =	vld.idx.msk [tilespmem:v21+s3+$0x0], $0xffff;
	v0 =	vsel vm0, $0xFFFFFFFF, v0;
	v22 =	vsel vm0, v18, v22  }
0x8a: {  	v24 =	vadd.s32 s14, v26;
	[tilespmem:$0x1F520] =	vst v0;
	vm0 =	vgt.f32 v19, v22;
	v0 =	vimm.s32 $0x0  }
0x8b: {  	v0 =	vsel vm0, $0xFFFFFFFF, v0;
	v25 =	vsel vm0, v19, v22;
	v22 =	vld.idx.msk [tilespmem:v7+s3+$0x0], $0xffff  }
0x8c: {  	v7 =	vadd.s32 s14, v27;
	[tilespmem:$0x1F530] =	vst v0;
	vm0 =	vgt.f32 v20, v25;
	v0 =	vimm.s32 $0x0  }
0x8d: {  	v23 =	vld.idx.msk [tilespmem:v23+s3+$0x0], $0xffff;
	v0 =	vsel vm0, $0xFFFFFFFF, v0;
	v25 =	vsel vm0, v20, v25  }
0x8e: {  	v26 =	vadd.s32 s14, v28;
	[tilespmem:$0x1F550] =	vst v0;
	vm0 =	vgt.f32 v21, v25;
	v0 =	vimm.s32 $0x0  }
0x8f: {  	v24 =	vld.idx.msk [tilespmem:v24+s3+$0x0], $0xffff;
	v0 =	vsel vm0, $0xFFFFFFFF, v0;
	v25 =	vsel vm0, v21, v25  }
0x90: {  	v27 =	vadd.s32 s14, v29;
	[tilespmem:$0x1F560] =	vst v0;
	vm0 =	vgt.f32 v22, v25;
	v0 =	vimm.s32 $0x0  }
0x91: {  	v0 =	vsel vm0, $0xFFFFFFFF, v0;
	v28 =	vsel vm0, v22, v25;
	v25 =	vld.idx.msk [tilespmem:v7+s3+$0x0], $0xffff  }
0x92: {  	v7 =	vadd.s32 s14, v30;
	[tilespmem:$0x1F570] =	vst v0;
	vm0 =	vgt.f32 v23, v28;
	v0 =	vimm.s32 $0x0  }
0x93: {  	v26 =	vld.idx.msk [tilespmem:v26+s3+$0x0], $0xffff;
	v0 =	vsel vm0, $0xFFFFFFFF, v0;
	v28 =	vsel vm0, v23, v28  }
0x94: {  	v29 =	vadd.s32 s14, v31;
	[tilespmem:$0x1F580] =	vst v0;
	vm0 =	vgt.f32 v24, v28;
	v0 =	vimm.s32 $0x0  }
0x95: {  	v27 =	vld.idx.msk [tilespmem:v27+s3+$0x0], $0xffff;
	v0 =	vsel vm0, $0xFFFFFFFF, v0;
	v28 =	vsel vm0, v24, v28  }
0x96: {  	v30 =	vadd.s32 s14, v32;
	[tilespmem:$0x1F5A0] =	vst v0;
	vm0 =	vgt.f32 v25, v28;
	v0 =	vimm.s32 $0x0  }
0x97: {  	v0 =	vsel vm0, $0xFFFFFFFF, v0;
	v31 =	vsel vm0, v25, v28;
	v28 =	vld.idx.msk [tilespmem:v7+s3+$0x0], $0xffff  }
0x98: {  	v7 =	vadd.s32 s14, v33;
	[tilespmem:$0x1F5C0] =	vst v0;
	vm0 =	vgt.f32 v26, v31;
	v0 =	vimm.s32 $0x0  }
0x99: {  	v29 =	vld.idx.msk [tilespmem:v29+s3+$0x0], $0xffff;
	v0 =	vsel vm0, $0xFFFFFFFF, v0;
	v31 =	vsel vm0, v26, v31  }
0x9a: {  	v61 =	vadd.s32 s14, v34;
	[tilespmem:$0x1F5E0] =	vst v0;
	vm0 =	vgt.f32 v27, v31;
	v0 =	vimm.s32 $0x0  }
0x9b: {  	v30 =	vld.idx.msk [tilespmem:v30+s3+$0x0], $0xffff;
	v0 =	vsel vm0, $0xFFFFFFFF, v0;
	v31 =	vsel vm0, v27, v31  }
0x9c: {  	v62 =	vadd.s32 s14, v35;
	[tilespmem:$0x1F600] =	vst v0;
	vm0 =	vgt.f32 v28, v31;
	v0 =	vimm.s32 $0x0  }
0x9d: {  	v0 =	vsel vm0, $0xFFFFFFFF, v0;
	v63 =	vsel vm0, v28, v31;
	v31 =	vld.idx.msk [tilespmem:v7+s3+$0x0], $0xffff  }
0x9e: {  	v7 =	vadd.s32 s14, v36;
	[tilespmem:$0x1F610] =	vst v0;
	vm0 =	vgt.f32 v29, v63;
	v0 =	vimm.s32 $0x0  }
0x9f: {  	v32 =	vld.idx.msk [tilespmem:v61+s3+$0x0], $0xffff;
	v0 =	vsel vm0, $0xFFFFFFFF, v0;
	v34 =	vsel vm0, v29, v63  }
0xa0: {  	v58 =	vadd.s32 s14, v37;
	[tilespmem:$0x1F630] =	vst v0;
	vm0 =	vgt.f32 v30, v34;
	v0 =	vimm.s32 $0x0  }
0xa1: {  	v33 =	vld.idx.msk [tilespmem:v62+s3+$0x0], $0xffff;
	v0 =	vsel vm0, $0xFFFFFFFF, v0;
	v34 =	vsel vm0, v30, v34  }
0xa2: {  	v59 =	vadd.s32 s14, v38;
	[tilespmem:$0x1F640] =	vst v0;
	vm0 =	vgt.f32 v31, v34;
	v0 =	vimm.s32 $0x0  }
0xa3: {  	v0 =	vsel vm0, $0xFFFFFFFF, v0;
	v60 =	vsel vm0, v31, v34;
	v34 =	vld.idx.msk [tilespmem:v7+s3+$0x0], $0xffff  }
0xa4: {  	v7 =	vadd.s32 s14, v39;
	[tilespmem:$0x1F660] =	vst v0;
	vm0 =	vgt.f32 v32, v60;
	v0 =	vimm.s32 $0x0  }
0xa5: {  	v35 =	vld.idx.msk [tilespmem:v58+s3+$0x0], $0xffff;
	v0 =	vsel vm0, $0xFFFFFFFF, v0;
	v37 =	vsel vm0, v32, v60  }
0xa6: {  	v61 =	vadd.s32 s14, v40;
	[tilespmem:$0x1F680] =	vst v0;
	vm0 =	vgt.f32 v33, v37;
	v0 =	vimm.s32 $0x0  }
0xa7: {  	v36 =	vld.idx.msk [tilespmem:v59+s3+$0x0], $0xffff;
	v0 =	vsel vm0, $0xFFFFFFFF, v0;
	v37 =	vsel vm0, v33, v37  }
0xa8: {  	v62 =	vadd.s32 s14, v41;
	[tilespmem:$0x1F6A0] =	vst v0;
	vm0 =	vgt.f32 v34, v37;
	v0 =	vimm.s32 $0x0  }
0xa9: {  	v0 =	vsel vm0, $0xFFFFFFFF, v0;
	v63 =	vsel vm0, v34, v37;
	v37 =	vld.idx.msk [tilespmem:v7+s3+$0x0], $0xffff  }
0xaa: {  	v7 =	vadd.s32 s14, v42;
	[tilespmem:$0x1F6C0] =	vst v0;
	vm0 =	vgt.f32 v35, v63;
	v0 =	vimm.s32 $0x0  }
0xab: {  	v38 =	vld.idx.msk [tilespmem:v61+s3+$0x0], $0xffff;
	v0 =	vsel vm0, $0xFFFFFFFF, v0;
	v40 =	vsel vm0, v35, v63  }
0xac: {  	v58 =	vadd.s32 s14, v43;
	[tilespmem:$0x1F6E0] =	vst v0;
	vm0 =	vgt.f32 v36, v40;
	v0 =	vimm.s32 $0x0  }
0xad: {  	v39 =	vld.idx.msk [tilespmem:v62+s3+$0x0], $0xffff;
	v0 =	vsel vm0, $0xFFFFFFFF, v0;
	v40 =	vsel vm0, v36, v40  }
0xae: {  	v59 =	vadd.s32 s14, v45;
	[tilespmem:$0x1F700] =	vst v0;
	vm0 =	vgt.f32 v37, v40;
	v0 =	vimm.s32 $0x0  }
0xaf: {  	v0 =	vsel vm0, $0xFFFFFFFF, v0;
	v63 =	vsel vm0, v37, v40;
	v40 =	vld.idx.msk [tilespmem:v7+s3+$0x0], $0xffff  }
0xb0: {  	v7 =	vadd.s32 s14, v56;
	[tilespmem:$0x1F710] =	vst v0;
	vm0 =	vgt.f32 v38, v63;
	v0 =	vimm.s32 $0x0  }
0xb1: {  	v0 =	vsel vm0, $0xFFFFFFFF, v0;
	v43 =	vsel vm0, v38, v63;
	v63 =	vld.idx.msk [tilespmem:v58+s3+$0x0], $0xffff  }
0xb2: {  	v45 =	vadd.s32 s14, v46;
	[tilespmem:$0x1F730] =	vst v0;
	vm0 =	vgt.f32 v39, v43;
	v0 =	vimm.s32 $0x0  }
0xb3: {  	v62 =	vld.idx.msk [tilespmem:v59+s3+$0x0], $0xffff;
	v0 =	vsel vm0, $0xFFFFFFFF, v0;
	v43 =	vsel vm0, v39, v43  }
0xb4: {  	v46 =	vadd.s32 s14, v57;
	[tilespmem:$0x1F740] =	vst v0;
	vm0 =	vgt.f32 v40, v43;
	v0 =	vimm.s32 $0x0  }
0xb5: {  	v61 =	vld.idx.msk [tilespmem:v7+s3+$0x0], $0xffff;
	v0 =	vsel vm0, $0xFFFFFFFF, v0;
	v43 =	vsel vm0, v40, v43  }
0xb6: {  	v7 =	vadd.s32 s14, v50;
	[tilespmem:$0x1F760] =	vst v0;
	vm0 =	vgt.f32 v63, v43;
	v0 =	vimm.s32 $0x0  }
0xb7: {  	v60 =	vld.idx.msk [tilespmem:v45+s3+$0x0], $0xffff;
	v0 =	vsel vm0, $0xFFFFFFFF, v0;
	v43 =	vsel vm0, v63, v43  }
0xb8: {  	[tilespmem:$0x1F780] =	vst v0;
	vm0 =	vgt.f32 v62, v43;
	v0 =	vimm.s32 $0x0  }
0xb9: {  	v59 =	vld.idx.msk [tilespmem:v46+s3+$0x0], $0xffff;
	v0 =	vsel vm0, $0xFFFFFFFF, v0;
	v43 =	vsel vm0, v62, v43  }
0xba: {  	[tilespmem:$0x1F7A0] =	vst v0;
	vm0 =	vgt.f32 v61, v43;
	v0 =	vimm.s32 $0x0  }
0xbb: {  	v58 =	vld.idx.msk [tilespmem:v7+s3+$0x0], $0xffff;
	v0 =	vsel vm0, $0xFFFFFFFF, v0;
	v43 =	vsel vm0, v61, v43  }
0xbc: {  	v51 =	vadd.s32 s14, v51;
	[tilespmem:$0x1F7C0] =	vst v0;
	vm0 =	vgt.f32 v60, v43;
	v0 =	vimm.s32 $0x0  }
0xbd: {  	v0 =	vsel vm0, $0xFFFFFFFF, v0;
	v43 =	vsel vm0, v60, v43  }
0xbe: {  	[tilespmem:$0x1F7E0] =	vst v0;
	vm0 =	vgt.f32 v59, v43;
	v0 =	vimm.s32 $0x0  }
0xbf: {  	v0 =	vsel vm0, $0xFFFFFFFF, v0;
	v43 =	vsel vm0, v59, v43  }
0xc0: {  	[tilespmem:$0x1F800] =	vst v0;
	vm0 =	vgt.f32 v58, v43;
	v0 =	vimm.s32 $0x0  }
0xc1: {  	v57 =	vld.idx.msk [tilespmem:v51+s3+$0x0], $0xffff;
	v0 =	vsel vm0, $0xFFFFFFFF, v0  }
0xc2: {  	v7 =	vadd.s32 s14, v53;
	[tilespmem:$0x1F810] =	vst v0;
	v0 =	vld [tilespmem:$0x1FC40]  }
0xc3: {  	v52 =	vadd.s32 s14, v52;
	_ =	sdelay $0x2  }
0xc4: {  	v46 =	vadd.s32 s14, v55;
	v43 =	vsel vm0, v58, v43  }
0xc5: {  	v55 =	vld.idx.msk [tilespmem:v7+s3+$0x0], $0xffff;
	vm0 =	vgt.f32 v57, v43;
	v7 =	vadd.s32 s14, v0;
	v0 =	vimm.s32 $0x0  }
0xc6: {  	v56 =	vld.idx.msk [tilespmem:v52+s3+$0x0], $0xffff;
	v0 =	vsel vm0, $0xFFFFFFFF, v0  }
0xc7: {  	[tilespmem:$0x1F830] =	vst v0;
	v0 =	vld [tilespmem:$0x1FC50];
	_ =	sdelay $0x3  }
0xc8: {  	v43 =	vsel vm0, v57, v43  }
0xc9: {  	vm0 =	vgt.f32 v56, v43;
	v50 =	vadd.s32 s14, v0;
	v0 =	vimm.s32 $0x0  }
0xca: {  	v0 =	vsel vm0, $0xFFFFFFFF, v0  }
0xcb: {  	v45 =	vadd.s32 s14, v54;
	[tilespmem:$0x1F840] =	vst v0;
	v0 =	vld [tilespmem:$0x1FC60];
	_ =	sdelay $0x3  }
0xcc: {  	v43 =	vsel vm0, v56, v43  }
0xcd: {  	v54 =	vld.idx.msk [tilespmem:v45+s3+$0x0], $0xffff;
	vm0 =	vgt.f32 v55, v43;
	v45 =	vadd.s32 s14, v0;
	v0 =	vimm.s32 $0x0  }
0xce: {  	v0 =	vsel vm0, $0xFFFFFFFF, v0  }
0xcf: {  	[tilespmem:$0x1F860] =	vst v0;
	v0 =	vld [tilespmem:$0x1FC70];
	_ =	sdelay $0x3  }
0xd0: {  	v43 =	vsel vm0, v55, v43  }
0xd1: {  	v52 =	vld.idx.msk [tilespmem:v7+s3+$0x0], $0xffff;
	vm0 =	vgt.f32 v54, v43;
	v7 =	vadd.s32 s14, v0;
	v0 =	vimm.s32 $0x0  }
0xd2: {  	v53 =	vld.idx.msk [tilespmem:v46+s3+$0x0], $0xffff;
	v0 =	vsel vm0, $0xFFFFFFFF, v0  }
0xd3: {  	[tilespmem:$0x1F880] =	vst v0;
	v0 =	vld [tilespmem:$0x1FC80];
	_ =	sdelay $0x3  }
0xd4: {  	v43 =	vsel vm0, v54, v43  }
0xd5: {  	vm0 =	vgt.f32 v53, v43;
	v46 =	vadd.s32 s14, v0;
	v0 =	vimm.s32 $0x0  }
0xd6: {  	v0 =	vsel vm0, $0xFFFFFFFF, v0  }
0xd7: {  	[tilespmem:$0x1F8A0] =	vst v0;
	v0 =	vld [tilespmem:$0x1FC90];
	_ =	sdelay $0x3  }
0xd8: {  	v51 =	vld.idx.msk [tilespmem:v50+s3+$0x0], $0xffff;
	v43 =	vsel vm0, v53, v43  }
0xd9: {  	v50 =	vld.idx.msk [tilespmem:v45+s3+$0x0], $0xffff;
	vm0 =	vgt.f32 v52, v43;
	v45 =	vadd.s32 s14, v0;
	v0 =	vimm.s32 $0x0  }
0xda: {  	v0 =	vsel vm0, $0xFFFFFFFF, v0  }
0xdb: {  	[tilespmem:$0x1F8C0] =	vst v0;
	v0 =	vld [tilespmem:$0x1FCA0];
	_ =	sdelay $0x3  }
0xdc: {  	v43 =	vsel vm0, v52, v43  }
0xdd: {  	v1 =	vld.idx.msk [tilespmem:v7+s3+$0x0], $0xffff;
	vm0 =	vgt.f32 v51, v43;
	v7 =	vadd.s32 s14, v0;
	v0 =	vimm.s32 $0x0  }
0xde: {  	v0 =	vsel vm0, $0xFFFFFFFF, v0  }
0xdf: {  	[tilespmem:$0x1F8E0] =	vst v0;
	v0 =	vld [tilespmem:$0x1FCB0];
	_ =	sdelay $0x3  }
0xe0: {  	v43 =	vsel vm0, v51, v43  }
0xe1: {  	v3 =	vld.idx.msk [tilespmem:v46+s3+$0x0], $0xffff;
	vm0 =	vgt.f32 v50, v43;
	v46 =	vadd.s32 s14, v0;
	v0 =	vimm.s32 $0x0  }
0xe2: {  	v0 =	vsel vm0, $0xFFFFFFFF, v0  }
0xe3: {  	[tilespmem:$0x1F900] =	vst v0;
	v0 =	vld [tilespmem:$0x1FCC0];
	_ =	sdelay $0x3  }
0xe4: {  	v43 =	vsel vm0, v50, v43  }
0xe5: {  	v2 =	vld.idx.msk [tilespmem:v45+s3+$0x0], $0xffff;
	vm0 =	vgt.f32 v1, v43;
	v45 =	vadd.s32 s14, v0;
	v0 =	vimm.s32 $0x0  }
0xe6: {  	v0 =	vsel vm0, $0xFFFFFFFF, v0  }
0xe7: {  	[tilespmem:$0x1F910] =	vst v0;
	v0 =	vld [tilespmem:$0x1FCD0];
	_ =	sdelay $0x3  }
0xe8: {  	v43 =	vsel vm0, v1, v43  }
0xe9: {  	[tilespmem:$0x1F490] =	vst v1;
	v1 =	vld.idx.msk [tilespmem:v7+s3+$0x0], $0xffff;
	vm0 =	vgt.f32 v3, v43;
	v7 =	vadd.s32 s14, v0;
	v0 =	vimm.s32 $0x0  }
0xea: {  	v0 =	vsel vm0, $0xFFFFFFFF, v0  }
0xeb: {  	[tilespmem:$0x1F930] =	vst v0;
	v0 =	vld [tilespmem:$0x1FCE0];
	_ =	sdelay $0x2  }
0xec: {  	[tilespmem:$0x1F4B0] =	vst v3;
	v43 =	vsel vm0, v3, v43;
	v3 =	vld.idx.msk [tilespmem:v46+s3+$0x0], $0xffff  }
0xed: {  	[tilespmem:$0x1F4F0] =	vst v1;
	vm0 =	vgt.f32 v2, v43  }
0xee: {  	[tilespmem:$0x1F4D0] =	vst v2;
	v43 =	vsel vm0, v2, v43;
	v41 =	vadd.s32 s14, v0;
	v0 =	vimm.s32 $0x0  }
0xef: {  	v46 =	vadd.s32 $0x3D, v48;
	v2 =	vld.idx.msk [tilespmem:v45+s3+$0x0], $0xffff;
	v0 =	vsel vm0, $0xFFFFFFFF, v0;
	vm0 =	vgt.f32 v1, v43  }
0xf0: {  	v45 =	vimm.s32 $0x0;
	[tilespmem:$0x1F940] =	vst v0;
	v0 =	vadd.s32 s14, v46;
	v46 =	vsel vm0, v1, v43  }
0xf1: {  	v42 =	vsel vm0, $0xFFFFFFFF, v45;
	v43 =	vld.idx.msk [tilespmem:v7+s3+$0x0], $0xffff;
	v1 =	vimm.s32 $0x0;
	vm0 =	vgt.f32 v3, v46  }
0xf2: {  	v7 =	vadd.s32 $0x3E, v48;
	[tilespmem:$0x1F960] =	vst v42;
	v1 =	vsel vm0, $0xFFFFFFFF, v1  }
0xf3: {  	v7 =	vadd.s32 s14, v7;
	[tilespmem:$0x1F980] =	vst v1;
	v1 =	vsel vm0, v3, v46;
	v42 =	vld.idx.msk [tilespmem:v41+s3+$0x0], $0xffff  }
0xf4: {  	v45 =	vadd.s32 $0x3F, v48;
	vm0 =	vgt.f32 v2, v1  }
0xf5: {  	[tilespmem:$0x1F510] =	vst v3;
	v41 =	vadd.s32 s14, v45;
	v3 =	vimm.s32 $0x0;
	v1 =	vsel vm0, v2, v1  }
0xf6: {  	[tilespmem:$0x1F540] =	vst v2;
	v3 =	vsel vm0, $0xFFFFFFFF, v3;
	v45 =	vld.idx.msk [tilespmem:v0+s3+$0x0], $0xffff;
	v2 =	vimm.s32 $0x0;
	vm0 =	vgt.f32 v43, v1  }
0xf7: {  	v0 =	vadd.s32 $0x40, v48;
	[tilespmem:$0x1F9A0] =	vst v3;
	v2 =	vsel vm0, $0xFFFFFFFF, v2;
	v1 =	vsel vm0, v43, v1  }
0xf8: {  	v0 =	vadd.s32 s14, v0;
	v3 =	vimm.s32 $0x0;
	[tilespmem:$0x1F9C0] =	vst v2;
	v2 =	vld.idx.msk [tilespmem:v7+s3+$0x0], $0xffff;
	vm0 =	vgt.f32 v42, v1  }
0xf9: {  	v7 =	vadd.s32 $0x41, v48;
	v3 =	vsel vm0, $0xFFFFFFFF, v3  }
0xfa: {  	v46 =	vadd.s32 $0x42, v48;
	v7 =	vadd.s32 s14, v7;
	v1 =	vsel vm0, v42, v1;
	[tilespmem:$0x1F9E0] =	vst v3;
	v3 =	vld.idx.msk [tilespmem:v41+s3+$0x0], $0xffff  }
0xfb: {  	v41 =	vadd.s32 s14, v46;
	vm0 =	vgt.f32 v45, v1;
	v46 =	vimm.s32 $0x0  }
0xfc: {  	[tilespmem:$0x1F590] =	vst v45;
	v46 =	vsel vm0, $0xFFFFFFFF, v46;
	v1 =	vsel vm0, v45, v1  }
0xfd: {  	v45 =	vld.idx.msk [tilespmem:v0+s3+$0x0], $0xffff;
	[tilespmem:$0x1FA00] =	vst v46;
	v46 =	vimm.s32 $0x0;
	vm0 =	vgt.f32 v2, v1  }
0xfe: {  	v0 =	vadd.s32 $0x43, v48;
	[tilespmem:$0x1F5B0] =	vst v2;
	v46 =	vsel vm0, $0xFFFFFFFF, v46;
	v1 =	vsel vm0, v2, v1  }
0xff: {  	v0 =	vadd.s32 s14, v0;
	v2 =	vld.idx.msk [tilespmem:v7+s3+$0x0], $0xffff;
	[tilespmem:$0x1FA10] =	vst v46;
	vm0 =	vgt.f32 v3, v1;
	v46 =	vimm.s32 $0x0  }
0x100: {  	v7 =	vadd.s32 $0x44, v48;
	[tilespmem:$0x1F5D0] =	vst v3;
	v46 =	vsel vm0, $0xFFFFFFFF, v46  }
0x101: {  	v7 =	vadd.s32 s14, v7;
	v1 =	vsel vm0, v3, v1;
	v3 =	vld.idx.msk [tilespmem:v41+s3+$0x0], $0xffff;
	[tilespmem:$0x1FA30] =	vst v46;
	v46 =	vadd.s32 $0x45, v48  }
0x102: {  	vm0 =	vgt.f32 v45, v1;
	v41 =	vadd.s32 s14, v46;
	v46 =	vimm.s32 $0x0  }
0x103: {  	[tilespmem:$0x1F5F0] =	vst v45;
	v1 =	vsel vm0, v45, v1;
	v46 =	vsel vm0, $0xFFFFFFFF, v46  }
0x104: {  	v45 =	vld.idx.msk [tilespmem:v0+s3+$0x0], $0xffff;
	vm0 =	vgt.f32 v2, v1;
	[tilespmem:$0x1FA40] =	vst v46;
	v46 =	vimm.s32 $0x0  }
0x105: {  	v0 =	vadd.s32 $0x46, v48;
	[tilespmem:$0x1F620] =	vst v2;
	v1 =	vsel vm0, v2, v1;
	v46 =	vsel vm0, $0xFFFFFFFF, v46  }
0x106: {  	v0 =	vadd.s32 s14, v0;
	v2 =	vld.idx.msk [tilespmem:v7+s3+$0x0], $0xffff;
	vm0 =	vgt.f32 v3, v1;
	[tilespmem:$0x1FA60] =	vst v46;
	v46 =	vimm.s32 $0x0  }
0x107: {  	v7 =	vadd.s32 $0x47, v48;
	[tilespmem:$0x1F650] =	vst v3;
	v46 =	vsel vm0, $0xFFFFFFFF, v46  }
0x108: {  	v7 =	vadd.s32 s14, v7;
	v1 =	vsel vm0, v3, v1;
	v3 =	vld.idx.msk [tilespmem:v41+s3+$0x0], $0xffff;
	[tilespmem:$0x1FA80] =	vst v46;
	v46 =	vadd.s32 $0x48, v48  }
0x109: {  	vm0 =	vgt.f32 v45, v1;
	v41 =	vadd.s32 s14, v46;
	v46 =	vimm.s32 $0x0  }
0x10a: {  	[tilespmem:$0x1F670] =	vst v45;
	v1 =	vsel vm0, v45, v1;
	v46 =	vsel vm0, $0xFFFFFFFF, v46  }
0x10b: {  	v45 =	vld.idx.msk [tilespmem:v0+s3+$0x0], $0xffff;
	vm0 =	vgt.f32 v2, v1;
	[tilespmem:$0x1FAA0] =	vst v46;
	v46 =	vimm.s32 $0x0  }
0x10c: {  	v0 =	vadd.s32 $0x49, v48;
	[tilespmem:$0x1F690] =	vst v2;
	v1 =	vsel vm0, v2, v1;
	v46 =	vsel vm0, $0xFFFFFFFF, v46  }
0x10d: {  	v0 =	vadd.s32 s14, v0;
	v2 =	vld.idx.msk [tilespmem:v7+s3+$0x0], $0xffff;
	vm0 =	vgt.f32 v3, v1;
	[tilespmem:$0x1FAC0] =	vst v46;
	v46 =	vimm.s32 $0x0  }
0x10e: {  	v7 =	vadd.s32 $0x4A, v48;
	[tilespmem:$0x1F6B0] =	vst v3;
	v46 =	vsel vm0, $0xFFFFFFFF, v46  }
0x10f: {  	v7 =	vadd.s32 s14, v7;
	v1 =	vsel vm0, v3, v1;
	v3 =	vld.idx.msk [tilespmem:v41+s3+$0x0], $0xffff;
	[tilespmem:$0x1FAE0] =	vst v46;
	v46 =	vadd.s32 $0x4B, v48  }
0x110: {  	vm0 =	vgt.f32 v45, v1;
	v41 =	vadd.s32 s14, v46;
	v46 =	vimm.s32 $0x0  }
0x111: {  	[tilespmem:$0x1F6D0] =	vst v45;
	v1 =	vsel vm0, v45, v1;
	v46 =	vsel vm0, $0xFFFFFFFF, v46  }
0x112: {  	v45 =	vld.idx.msk [tilespmem:v0+s3+$0x0], $0xffff;
	vm0 =	vgt.f32 v2, v1;
	[tilespmem:$0x1FB00] =	vst v46;
	v46 =	vimm.s32 $0x0  }
0x113: {  	v0 =	vadd.s32 $0x4C, v48;
	[tilespmem:$0x1F6F0] =	vst v2;
	v1 =	vsel vm0, v2, v1;
	v46 =	vsel vm0, $0xFFFFFFFF, v46  }
0x114: {  	v0 =	vadd.s32 s14, v0;
	v2 =	vld.idx.msk [tilespmem:v7+s3+$0x0], $0xffff;
	vm0 =	vgt.f32 v3, v1;
	[tilespmem:$0x1FB10] =	vst v46;
	v46 =	vimm.s32 $0x0  }
0x115: {  	v7 =	vadd.s32 $0x4D, v48;
	[tilespmem:$0x1F720] =	vst v3;
	v46 =	vsel vm0, $0xFFFFFFFF, v46  }
0x116: {  	v7 =	vadd.s32 s14, v7;
	v1 =	vsel vm0, v3, v1;
	v3 =	vld.idx.msk [tilespmem:v41+s3+$0x0], $0xffff;
	[tilespmem:$0x1FB20] =	vst v46;
	v46 =	vadd.s32 $0x4E, v48  }
0x117: {  	vm0 =	vgt.f32 v45, v1;
	v41 =	vadd.s32 s14, v46;
	v46 =	vimm.s32 $0x0  }
0x118: {  	[tilespmem:$0x1F750] =	vst v45;
	v1 =	vsel vm0, v45, v1;
	v46 =	vsel vm0, $0xFFFFFFFF, v46  }
0x119: {  	v45 =	vld.idx.msk [tilespmem:v0+s3+$0x0], $0xffff;
	vm0 =	vgt.f32 v2, v1;
	[tilespmem:$0x1FB30] =	vst v46;
	v46 =	vimm.s32 $0x0  }
0x11a: {  	v0 =	vadd.s32 $0x4F, v48;
	[tilespmem:$0x1F770] =	vst v2;
	v1 =	vsel vm0, v2, v1;
	v46 =	vsel vm0, $0xFFFFFFFF, v46  }
0x11b: {  	v0 =	vadd.s32 s14, v0;
	v2 =	vld.idx.msk [tilespmem:v7+s3+$0x0], $0xffff;
	vm0 =	vgt.f32 v3, v1;
	[tilespmem:$0x1FB40] =	vst v46;
	v46 =	vimm.s32 $0x0  }
0x11c: {  	v7 =	vadd.s32 $0x50, v48;
	[tilespmem:$0x1F790] =	vst v3;
	v46 =	vsel vm0, $0xFFFFFFFF, v46  }
0x11d: {  	v7 =	vadd.s32 s14, v7;
	v1 =	vsel vm0, v3, v1;
	v3 =	vld.idx.msk [tilespmem:v41+s3+$0x0], $0xffff;
	[tilespmem:$0x1FB50] =	vst v46;
	v46 =	vadd.s32 $0x51, v48  }
0x11e: {  	vm0 =	vgt.f32 v45, v1;
	v41 =	vadd.s32 s14, v46;
	v46 =	vimm.s32 $0x0  }
0x11f: {  	[tilespmem:$0x1F7B0] =	vst v45;
	v1 =	vsel vm0, v45, v1;
	v46 =	vsel vm0, $0xFFFFFFFF, v46  }
0x120: {  	v45 =	vld.idx.msk [tilespmem:v0+s3+$0x0], $0xffff;
	vm0 =	vgt.f32 v2, v1;
	[tilespmem:$0x1FB60] =	vst v46;
	v46 =	vimm.s32 $0x0  }
0x121: {  	v0 =	vadd.s32 $0x52, v48;
	[tilespmem:$0x1F7D0] =	vst v2;
	v1 =	vsel vm0, v2, v1;
	v46 =	vsel vm0, $0xFFFFFFFF, v46  }
0x122: {  	v0 =	vadd.s32 s14, v0;
	v2 =	vimm.s32 $0x0;
	vm0 =	vgt.f32 v3, v1;
	[tilespmem:$0x1FB70] =	vst v46;
	v46 =	vld.idx.msk [tilespmem:v7+s3+$0x0], $0xffff  }
0x123: {  	v7 =	vadd.s32 $0x53, v48;
	v2 =	vsel vm0, $0xFFFFFFFF, v2  }
0x124: {  	v1 =	vsel vm0, v3, v1;
	v7 =	vadd.s32 s14, v7;
	[tilespmem:$0x1FB80] =	vst v2;
	v2 =	vld.idx.msk [tilespmem:v41+s3+$0x0], $0xffff  }
0x125: {  	[tilespmem:$0x1F7F0] =	vst v3;
	v3 =	vimm.s32 $0x0;
	v41 =	vadd.s32 $0x54, v48;
	vm0 =	vgt.f32 v45, v1  }
0x126: {  	[tilespmem:$0x1F820] =	vst v45;
	v41 =	vadd.s32 s14, v41;
	v3 =	vsel vm0, $0xFFFFFFFF, v3;
	v1 =	vsel vm0, v45, v1  }
0x127: {  	v45 =	vld.idx.msk [tilespmem:v0+s3+$0x0], $0xffff;
	[tilespmem:$0x1FB90] =	vst v3;
	v3 =	vimm.s32 $0x0;
	vm0 =	vgt.f32 v46, v1  }
0x128: {  	v0 =	vadd.s32 $0x55, v48;
	[tilespmem:$0x1F850] =	vst v46;
	v3 =	vsel vm0, $0xFFFFFFFF, v3;
	v1 =	vsel vm0, v46, v1  }
0x129: {  	v0 =	vadd.s32 s14, v0;
	v46 =	vimm.s32 $0x0;
	[tilespmem:$0x1FBA0] =	vst v3;
	v3 =	vld.idx.msk [tilespmem:v7+s3+$0x0], $0xffff;
	vm0 =	vgt.f32 v2, v1  }
0x12a: {  	[tilespmem:$0x1F870] =	vst v2;
	v7 =	vadd.s32 $0x56, v48;
	v46 =	vsel vm0, $0xFFFFFFFF, v46  }
0x12b: {  	v7 =	vadd.s32 s14, v7;
	v1 =	vsel vm0, v2, v1;
	v2 =	vld.idx.msk [tilespmem:v41+s3+$0x0], $0xffff;
	[tilespmem:$0x1FBB0] =	vst v46;
	v46 =	vadd.s32 $0x57, v48  }
0x12c: {  	vm0 =	vgt.f32 v45, v1;
	v41 =	vadd.s32 s14, v46;
	v46 =	vimm.s32 $0x0  }
0x12d: {  	[tilespmem:$0x1F890] =	vst v45;
	v1 =	vsel vm0, v45, v1;
	v46 =	vsel vm0, $0xFFFFFFFF, v46  }
0x12e: {  	v45 =	vld.idx.msk [tilespmem:v0+s3+$0x0], $0xffff;
	v0 =	vadd.s32 $0x58, v48;
	[tilespmem:$0x1FBC0] =	vst v46;
	vm0 =	vgt.f32 v3, v1;
	v46 =	vimm.s32 $0x0  }
0x12f: {  	v0 =	vadd.s32 s14, v0;
	[tilespmem:$0x1F8B0] =	vst v3;
	v46 =	vsel vm0, $0xFFFFFFFF, v46;
	v1 =	vsel vm0, v3, v1  }
0x130: {  	v3 =	vld.idx.msk [tilespmem:v7+s3+$0x0], $0xffff;
	v7 =	vadd.s32 $0x59, v48;
	[tilespmem:$0x1FBD0] =	vst v46;
	vm0 =	vgt.f32 v2, v1;
	v46 =	vimm.s32 $0x0  }
0x131: {  	[tilespmem:$0x1F8D0] =	vst v2;
	v7 =	vadd.s32 s14, v7;
	v46 =	vsel vm0, $0xFFFFFFFF, v46  }
0x132: {  	v1 =	vsel vm0, v2, v1;
	v2 =	vld.idx.msk [tilespmem:v41+s3+$0x0], $0xffff;
	[tilespmem:$0x1FBE0] =	vst v46;
	v46 =	vadd.s32 $0x5A, v48  }
0x133: {  	vm15 =	vgt.f32 v45, v1;
	v41 =	vadd.s32 s14, v46  }
0x134: {  	[tilespmem:$0x1F8F0] =	vst v45;
	v1 =	vsel vm15, v45, v1;
	v45 =	vld.idx.msk [tilespmem:v0+s3+$0x0], $0xffff;
	v0 =	vadd.s32 $0x5B, v48  }
0x135: {  	v0 =	vadd.s32 s14, v0;
	vm12 =	vgt.f32 v3, v1  }
0x136: {  	v1 =	vsel vm12, v3, v1;
	v46 =	vld.idx.msk [tilespmem:v7+s3+$0x0], $0xffff;
	v7 =	vadd.s32 $0x5C, v48  }
0x137: {  	v7 =	vadd.s32 s14, v7;
	vm9 =	vgt.f32 v2, v1  }
0x138: {  	[tilespmem:$0x1F950] =	vst v2;
	v1 =	vsel vm9, v2, v1;
	v2 =	vld.idx.msk [tilespmem:v41+s3+$0x0], $0xffff;
	v41 =	vadd.s32 $0x5D, v48  }
0x139: {  	vm7 =	vgt.f32 v45, v1;
	v41 =	vadd.s32 s14, v41  }
0x13a: {  	[tilespmem:$0x1F970] =	vst v45;
	v1 =	vsel vm7, v45, v1;
	v45 =	vld.idx.msk [tilespmem:v0+s3+$0x0], $0xffff;
	v0 =	vadd.s32 $0x5E, v48  }
0x13b: {  	v0 =	vadd.s32 s14, v0;
	vm6 =	vgt.f32 v46, v1  }
0x13c: {  	[tilespmem:$0x1F990] =	vst v46;
	v1 =	vsel vm6, v46, v1;
	v46 =	vld.idx.msk [tilespmem:v7+s3+$0x0], $0xffff;
	v7 =	vadd.s32 $0x5F, v48  }
0x13d: {  	v7 =	vadd.s32 s14, v7;
	vm5 =	vgt.f32 v2, v1  }
0x13e: {  	[tilespmem:$0x1F9B0] =	vst v2;
	v1 =	vsel vm5, v2, v1;
	v2 =	vld.idx.msk [tilespmem:v41+s3+$0x0], $0xffff  }
0x13f: {  	v41 =	vadd.s32 $0x60, v48;
	vm4 =	vgt.f32 v45, v1  }
0x140: {  	[tilespmem:$0x1F9D0] =	vst v45;
	v41 =	vadd.s32 s14, v41;
	v1 =	vsel vm4, v45, v1;
	v45 =	vld.idx.msk [tilespmem:v0+s3+$0x0], $0xffff  }
0x141: {  	v0 =	vadd.s32 $0x61, v48;
	vm3 =	vgt.f32 v46, v1  }
0x142: {  	[tilespmem:$0x1F9F0] =	vst v46;
	v0 =	vadd.s32 s14, v0;
	v1 =	vsel vm3, v46, v1;
	v46 =	vld.idx.msk [tilespmem:v7+s3+$0x0], $0xffff  }
0x143: {  	vm2 =	vgt.f32 v2, v1  }
0x144: {  	v7 =	vadd.s32 $0x62, v48;
	v1 =	vsel vm2, v2, v1  }
0x145: {  	[tilespmem:$0x1FA20] =	vst v2;
	v7 =	vadd.s32 s14, v7;
	v2 =	vld.idx.msk [tilespmem:v41+s3+$0x0], $0xffff;
	vm1 =	vgt.f32 v45, v1  }
0x146: {  	v41 =	vadd.s32 $0x63, v48;
	v1 =	vsel vm1, v45, v1  }
0x147: {  	[tilespmem:$0x1FA50] =	vst v45;
	v41 =	vadd.s32 s14, v41;
	v45 =	vld.idx.msk [tilespmem:v0+s3+$0x0], $0xffff;
	v0 =	vimm.s32 $0x0;
	vm0 =	vgt.f32 v46, v1  }
0x148: {  	v0 =	vsel vm0, $0xFFFFFFFF, v0  }
0x149: {  	[tilespmem:$0x1FBF0] =	vst v0;
	v0 =	vsel vm0, v46, v1  }
0x14a: {  	v7 =	vld.idx.msk [tilespmem:v7+s3+$0x0], $0xffff;
	v1 =	vimm.s32 $0x0;
	vm0 =	vgt.f32 v2, v0  }
0x14b: {  	v1 =	vsel vm0, $0xFFFFFFFF, v1  }
0x14c: {  	v0 =	vsel vm0, v2, v0;
	[tilespmem:$0x1FC00] =	vst v1;
	v1 =	vld.idx.msk [tilespmem:v41+s3+$0x0], $0xffff  }
0x14d: {  	vm0 =	vgt.f32 v45, v0  }
0x14e: {  	[tilespmem:$0x1FA90] =	vst v2;
	v2 =	vimm.s32 $0x0;
	v0 =	vsel vm0, v45, v0  }
0x14f: {  	v2 =	vsel vm0, $0xFFFFFFFF, v2;
	vm0 =	vgt.f32 v7, v0  }
0x150: {  	[tilespmem:$0x1FC10] =	vst v2;
	v2 =	vimm.s32 $0x0;
	v0 =	vsel vm0, v7, v0  }
0x151: {  	v2 =	vsel vm0, $0xFFFFFFFF, v2;
	vm0 =	vgt.f32 v1, v0  }
0x152: {  	[tilespmem:$0x1FAD0] =	vst v7;
	v7 =	vsel vm0, v1, v0  }
0x153: {  	v0 =	vsub.f32 v47, v7;
	_ =	sdelay $0x1  }
0x154: {  	v0 =	vmul.f32 $1.442695020e+00, v0  }
0x155: {  	[tilespmem:$0x1FAF0] =	vst v1;
	v1 =	vsub.f32 v12, v7  }
0x156: {  	(erf) = vpow2.f32 v0  }
0x157: {  	v0 =	vmul.f32 $1.442695020e+00, v1;
	v1 =	vsub.f32 v49, v7;
	_ =	sdelay $0x1  }
0x158: {  	(erf) = vpow2.f32 v0;
	v0 =	vmul.f32 $1.442695020e+00, v1;
	v1 =	vsub.f32 v44, v7;
	_ =	sdelay $0x1  }
0x159: {  	(erf) = vpow2.f32 v0;
	v0 =	vmul.f32 $1.442695020e+00, v1;
	v1 =	vsub.f32 v10, v7;
	_ =	sdelay $0x1  }
0x15a: {  	(erf) = vpow2.f32 v0;
	v0 =	vmul.f32 $1.442695020e+00, v1;
	v1 =	vsub.f32 v5, v7  }
0x15b: {  	[tilespmem:$0x1FC20] =	vst v2;
	v2 =	vimm.s32 $0x0  }
0x15c: {  	[tilespmem:$0x1F920] =	vst v3;
	(erf) = vpow2.f32 v0;
	v0 =	vmul.f32 $1.442695020e+00, v1;
	v1 =	vsub.f32 v6, v7;
	v3 =	vpop (erf)  }
0x15d: {  	v2 =	vsel vm0, $0xFFFFFFFF, v2;
	v3 =	vadd.f32 $0.0e+00, v3  }
0x15e: {  	(erf) = vpow2.f32 v0;
	v0 =	vmul.f32 $1.442695020e+00, v1;
	v1 =	vsub.f32 v8, v7;
	_ =	sdelay $0x1  }
0x15f: {  	[tilespmem:$0x1FC30] =	vst v2;
	v2 =	vpop (erf);
	(erf) = vpow2.f32 v0;
	v0 =	vmul.f32 $1.442695020e+00, v1;
	v1 =	vsub.f32 v4, v7  }
0x160: {  	v2 =	vadd.f32 v3, v2  }
0x161: {  	v3 =	vpop (erf);
	(erf) = vpow2.f32 v0;
	v0 =	vmul.f32 $1.442695020e+00, v1;
	v1 =	vsub.f32 v9, v7  }
0x162: {  	v2 =	vadd.f32 v2, v3  }
0x163: {  	v3 =	vpop (erf);
	(erf) = vpow2.f32 v0;
	v0 =	vmul.f32 $1.442695020e+00, v1;
	v1 =	vsub.f32 v11, v7  }
0x164: {  	v2 =	vadd.f32 v2, v3  }
0x165: {  	v3 =	vpop (erf);
	(erf) = vpow2.f32 v0;
	v0 =	vmul.f32 $1.442695020e+00, v1;
	v1 =	vsub.f32 v13, v7  }
0x166: {  	v2 =	vadd.f32 v2, v3  }
0x167: {  	v3 =	vpop (erf);
	(erf) = vpow2.f32 v0;
	v0 =	vmul.f32 $1.442695020e+00, v1;
	v1 =	vsub.f32 v14, v7  }
0x168: {  	v2 =	vadd.f32 v2, v3  }
0x169: {  	v3 =	vpop (erf);
	(erf) = vpow2.f32 v0;
	v0 =	vmul.f32 $1.442695020e+00, v1;
	v1 =	vsub.f32 v15, v7  }
0x16a: {  	v2 =	vadd.f32 v2, v3  }
0x16b: {  	v3 =	vpop (erf);
	(erf) = vpow2.f32 v0;
	v0 =	vmul.f32 $1.442695020e+00, v1;
	v1 =	vsub.f32 v16, v7  }
0x16c: {  	v2 =	vadd.f32 v2, v3  }
0x16d: {  	v3 =	vpop (erf);
	(erf) = vpow2.f32 v0;
	v0 =	vmul.f32 $1.442695020e+00, v1;
	v1 =	vsub.f32 v17, v7  }
0x16e: {  	v2 =	vadd.f32 v2, v3  }
0x16f: {  	v3 =	vpop (erf);
	(erf) = vpow2.f32 v0;
	v0 =	vmul.f32 $1.442695020e+00, v1;
	v1 =	vsub.f32 v18, v7  }
0x170: {  	v2 =	vadd.f32 v2, v3  }
0x171: {  	v3 =	vpop (erf);
	(erf) = vpow2.f32 v0;
	v0 =	vmul.f32 $1.442695020e+00, v1;
	v1 =	vsub.f32 v19, v7  }
0x172: {  	v2 =	vadd.f32 v2, v3  }
0x173: {  	v3 =	vpop (erf);
	(erf) = vpow2.f32 v0;
	v0 =	vmul.f32 $1.442695020e+00, v1;
	v1 =	vsub.f32 v20, v7  }
0x174: {  	v2 =	vadd.f32 v2, v3  }
0x175: {  	v3 =	vpop (erf);
	(erf) = vpow2.f32 v0;
	v0 =	vmul.f32 $1.442695020e+00, v1;
	v1 =	vsub.f32 v21, v7  }
0x176: {  	v2 =	vadd.f32 v2, v3  }
0x177: {  	v3 =	vpop (erf);
	(erf) = vpow2.f32 v0;
	v0 =	vmul.f32 $1.442695020e+00, v1;
	v1 =	vsub.f32 v22, v7  }
0x178: {  	v2 =	vadd.f32 v2, v3  }
0x179: {  	v3 =	vpop (erf);
	(erf) = vpow2.f32 v0;
	v0 =	vmul.f32 $1.442695020e+00, v1;
	v1 =	vsub.f32 v23, v7  }
0x17a: {  	v2 =	vadd.f32 v2, v3  }
0x17b: {  	v3 =	vpop (erf);
	(erf) = vpow2.f32 v0;
	v0 =	vmul.f32 $1.442695020e+00, v1;
	v1 =	vsub.f32 v24, v7  }
0x17c: {  	v2 =	vadd.f32 v2, v3  }
0x17d: {  	v3 =	vpop (erf);
	(erf) = vpow2.f32 v0;
	v0 =	vmul.f32 $1.442695020e+00, v1;
	v1 =	vsub.f32 v25, v7  }
0x17e: {  	v2 =	vadd.f32 v2, v3  }
0x17f: {  	v3 =	vpop (erf);
	(erf) = vpow2.f32 v0;
	v0 =	vmul.f32 $1.442695020e+00, v1;
	v1 =	vsub.f32 v26, v7  }
0x180: {  	v2 =	vadd.f32 v2, v3  }
0x181: {  	v3 =	vpop (erf);
	(erf) = vpow2.f32 v0;
	v0 =	vmul.f32 $1.442695020e+00, v1;
	v1 =	vsub.f32 v27, v7  }
0x182: {  	v2 =	vadd.f32 v2, v3  }
0x183: {  	v3 =	vpop (erf);
	(erf) = vpow2.f32 v0;
	v0 =	vmul.f32 $1.442695020e+00, v1;
	v1 =	vsub.f32 v28, v7  }
0x184: {  	v2 =	vadd.f32 v2, v3  }
0x185: {  	v3 =	vpop (erf);
	(erf) = vpow2.f32 v0;
	v0 =	vmul.f32 $1.442695020e+00, v1;
	v1 =	vsub.f32 v29, v7  }
0x186: {  	v2 =	vadd.f32 v2, v3  }
0x187: {  	v3 =	vpop (erf);
	(erf) = vpow2.f32 v0;
	v0 =	vmul.f32 $1.442695020e+00, v1;
	v1 =	vsub.f32 v30, v7  }
0x188: {  	v2 =	vadd.f32 v2, v3  }
0x189: {  	v3 =	vpop (erf);
	(erf) = vpow2.f32 v0;
	v0 =	vmul.f32 $1.442695020e+00, v1;
	v1 =	vsub.f32 v31, v7  }
0x18a: {  	v2 =	vadd.f32 v2, v3  }
0x18b: {  	v3 =	vpop (erf);
	(erf) = vpow2.f32 v0;
	v0 =	vmul.f32 $1.442695020e+00, v1;
	v1 =	vsub.f32 v32, v7  }
0x18c: {  	v2 =	vadd.f32 v2, v3  }
0x18d: {  	v3 =	vpop (erf);
	(erf) = vpow2.f32 v0;
	v0 =	vmul.f32 $1.442695020e+00, v1;
	v1 =	vsub.f32 v33, v7  }
0x18e: {  	v2 =	vadd.f32 v2, v3  }
0x18f: {  	v3 =	vpop (erf);
	(erf) = vpow2.f32 v0;
	v0 =	vmul.f32 $1.442695020e+00, v1;
	v1 =	vsub.f32 v34, v7  }
0x190: {  	v2 =	vadd.f32 v2, v3  }
0x191: {  	v3 =	vpop (erf);
	(erf) = vpow2.f32 v0;
	v0 =	vmul.f32 $1.442695020e+00, v1;
	v1 =	vsub.f32 v35, v7  }
0x192: {  	v2 =	vadd.f32 v2, v3  }
0x193: {  	v3 =	vpop (erf);
	(erf) = vpow2.f32 v0;
	v0 =	vmul.f32 $1.442695020e+00, v1;
	v1 =	vsub.f32 v36, v7  }
0x194: {  	v2 =	vadd.f32 v2, v3  }
0x195: {  	v3 =	vpop (erf);
	(erf) = vpow2.f32 v0;
	v0 =	vmul.f32 $1.442695020e+00, v1;
	v1 =	vsub.f32 v37, v7  }
0x196: {  	v2 =	vadd.f32 v2, v3  }
0x197: {  	v3 =	vpop (erf);
	(erf) = vpow2.f32 v0;
	v0 =	vmul.f32 $1.442695020e+00, v1;
	v1 =	vsub.f32 v38, v7  }
0x198: {  	v2 =	vadd.f32 v2, v3  }
0x199: {  	v3 =	vpop (erf);
	(erf) = vpow2.f32 v0;
	v0 =	vmul.f32 $1.442695020e+00, v1;
	v1 =	vsub.f32 v39, v7  }
0x19a: {  	v2 =	vadd.f32 v2, v3  }
0x19b: {  	v3 =	vpop (erf);
	(erf) = vpow2.f32 v0;
	v0 =	vmul.f32 $1.442695020e+00, v1;
	v1 =	vsub.f32 v40, v7  }
0x19c: {  	v2 =	vadd.f32 v2, v3  }
0x19d: {  	v3 =	vpop (erf);
	(erf) = vpow2.f32 v0;
	v0 =	vmul.f32 $1.442695020e+00, v1;
	v1 =	vsub.f32 v63, v7  }
0x19e: {  	v2 =	vadd.f32 v2, v3  }
0x19f: {  	v3 =	vpop (erf);
	(erf) = vpow2.f32 v0;
	v0 =	vmul.f32 $1.442695020e+00, v1;
	v1 =	vsub.f32 v62, v7  }
0x1a0: {  	v2 =	vadd.f32 v2, v3  }
0x1a1: {  	v3 =	vpop (erf);
	(erf) = vpow2.f32 v0;
	v0 =	vmul.f32 $1.442695020e+00, v1;
	v1 =	vsub.f32 v61, v7  }
0x1a2: {  	v2 =	vadd.f32 v2, v3  }
0x1a3: {  	v3 =	vpop (erf);
	(erf) = vpow2.f32 v0;
	v0 =	vmul.f32 $1.442695020e+00, v1  }
0x1a4: {  	v1 =	vsub.f32 v60, v7;
	v2 =	vadd.f32 v2, v3  }
0x1a5: {  	v3 =	vpop (erf);
	(erf) = vpow2.f32 v0  }
0x1a6: {  	v0 =	vmul.f32 $1.442695020e+00, v1;
	v1 =	vsub.f32 v59, v7;
	v2 =	vadd.f32 v2, v3  }
0x1a7: {  	v3 =	vpop (erf)  }
0x1a8: {  	(erf) = vpow2.f32 v0;
	v0 =	vmul.f32 $1.442695020e+00, v1;
	v2 =	vadd.f32 v2, v3  }
0x1a9: {  	v3 =	vpop (erf)  }
0x1aa: {  	(erf) = vpow2.f32 v0;
	v2 =	vadd.f32 v2, v3  }
0x1ab: {  	v1 =	vsub.f32 v58, v7;
	v4 =	vpop (erf)  }
0x1ac: {  	v2 =	vadd.f32 v2, v4  }
0x1ad: {  	v1 =	vmul.f32 $1.442695020e+00, v1;
	v3 =	vsub.f32 v57, v7;
	v4 =	vpop (erf)  }
0x1ae: {  	v2 =	vadd.f32 v2, v4  }
0x1af: {  	(erf) = vpow2.f32 v1;
	v1 =	vmul.f32 $1.442695020e+00, v3;
	v3 =	vsub.f32 v56, v7;
	v4 =	vpop (erf)  }
0x1b0: {  	v5 =	vimm.s32 $0x0;
	v2 =	vadd.f32 v2, v4  }
0x1b1: {  	(erf) = vpow2.f32 v1;
	v1 =	vmul.f32 $1.442695020e+00, v3;
	v3 =	vsub.f32 v55, v7;
	v4 =	vpop (erf)  }
0x1b2: {  	v0 =	vsel vm8, $0x1, v5;
	v2 =	vadd.f32 v2, v4  }
0x1b3: {  	(erf) = vpow2.f32 v1;
	v1 =	vmul.f32 $1.442695020e+00, v3;
	v3 =	vsub.f32 v54, v7;
	v4 =	vpop (erf)  }
0x1b4: {  	v0 =	vsel vm10, $0x2, v0;
	v2 =	vadd.f32 v2, v4;
	v4 =	vld [tilespmem:$0x1F440]  }
0x1b5: {  	(erf) = vpow2.f32 v1;
	v1 =	vmul.f32 $1.442695020e+00, v3;
	v3 =	vsub.f32 v53, v7  }
0x1b6: {  	v0 =	vsel vm11, $0x3, v0  }
0x1b7: {  	(erf) = vpow2.f32 v1;
	v1 =	vmul.f32 $1.442695020e+00, v3;
	v3 =	vsub.f32 v52, v7  }
0x1b8: {  	v0 =	vsel vm13, $0x4, v0  }
0x1b9: {  	vm13 =	vnez.u8 v4;
	v4 =	vpop (erf);
	(erf) = vpow2.f32 v1;
	v1 =	vmul.f32 $1.442695020e+00, v3;
	v3 =	vld [tilespmem:$0x1F450];
	_ =	sdelay $0x1  }
0x1ba: {  	v2 =	vadd.f32 v2, v4;
	v4 =	vpop (erf);
	(erf) = vpow2.f32 v1;
	v1 =	vld [tilespmem:$0x1F470];
	_ =	sdelay $0x2  }
0x1bb: {  	v0 =	vsel vm14, $0x5, v0;
	vm14 =	vnez.u8 v3;
	v3 =	vsub.f32 v51, v7;
	_ =	sdelay $0x1  }
0x1bc: {  	vm10 =	vnez.u8 v1;
	v1 =	vmul.f32 $1.442695020e+00, v3;
	v3 =	vsub.f32 v50, v7;
	_ =	sdelay $0x1  }
0x1bd: {  	v2 =	vadd.f32 v2, v4;
	v4 =	vpop (erf);
	(erf) = vpow2.f32 v1;
	v1 =	vmul.f32 $1.442695020e+00, v3;
	v3 =	vld [tilespmem:$0x1F490];
	_ =	sdelay $0x4  }
0x1be: {  	v3 =	vsub.f32 v3, v7;
	_ =	sdelay $0x1  }
0x1bf: {  	v2 =	vadd.f32 v2, v4;
	v4 =	vpop (erf);
	(erf) = vpow2.f32 v1;
	v1 =	vmul.f32 $1.442695020e+00, v3;
	v3 =	vld [tilespmem:$0x1F4B0];
	_ =	sdelay $0x4  }
0x1c0: {  	v3 =	vsub.f32 v3, v7;
	_ =	sdelay $0x1  }
0x1c1: {  	v2 =	vadd.f32 v2, v4;
	v4 =	vpop (erf);
	(erf) = vpow2.f32 v1;
	v1 =	vmul.f32 $1.442695020e+00, v3;
	v3 =	vld [tilespmem:$0x1F4D0];
	_ =	sdelay $0x2  }
0x1c2: {  	v6 =	vld [tilespmem:$0x1F430];
	_ =	sdelay $0x1  }
0x1c3: {  	v3 =	vsub.f32 v3, v7;
	_ =	sdelay $0x1  }
0x1c4: {  	v2 =	vadd.f32 v2, v4;
	v4 =	vpop (erf);
	(erf) = vpow2.f32 v1;
	v1 =	vmul.f32 $1.442695020e+00, v3;
	v3 =	vld [tilespmem:$0x1F4F0]  }
0x1c5: {  	vm11 =	vnez.u8 v6;
	v6 =	vld [tilespmem:$0x1F460];
	_ =	sdelay $0x3  }
0x1c6: {  	v3 =	vsub.f32 v3, v7  }
0x1c7: {  	vm8 =	vnez.u8 v6;
	v6 =	vld [tilespmem:$0x1F480]  }
0x1c8: {  	v2 =	vadd.f32 v2, v4;
	v4 =	vpop (erf);
	(erf) = vpow2.f32 v1;
	v1 =	vmul.f32 $1.442695020e+00, v3;
	v3 =	vld [tilespmem:$0x1F510]  }
0x1c9: {  	v0 =	vsel vm11, $0x6, v0  }
0x1ca: {  	v0 =	vsel vm13, $0x7, v0;
	v2 =	vadd.f32 v2, v4;
	v4 =	vld [tilespmem:$0x1F520]  }
0x1cb: {  	v0 =	vsel vm14, $0x8, v0  }
0x1cc: {  	v0 =	vsel vm8, $0x9, v0  }
0x1cd: {  	vm11 =	vnez.u8 v6;
	v0 =	vsel vm10, $0xA, v0;
	v3 =	vsub.f32 v3, v7  }
0x1ce: {  	v6 =	vld [tilespmem:$0x1F4A0];
	v0 =	vsel vm11, $0xB, v0  }
0x1cf: {  	vm11 =	vnez.u8 v4;
	v4 =	vpop (erf);
	(erf) = vpow2.f32 v1;
	v1 =	vmul.f32 $1.442695020e+00, v3;
	v3 =	vld [tilespmem:$0x1F530];
	_ =	sdelay $0x3  }
0x1d0: {  	vm13 =	vnez.u8 v6;
	v6 =	vld [tilespmem:$0x1F4C0]  }
0x1d1: {  	v0 =	vsel vm13, $0xC, v0;
	vm13 =	vnez.u8 v3;
	v3 =	vld [tilespmem:$0x1F540];
	_ =	sdelay $0x1  }
0x1d2: {  	v2 =	vadd.f32 v2, v4;
	v4 =	vpop (erf);
	(erf) = vpow2.f32 v1;
	v1 =	vld [tilespmem:$0x1F560];
	_ =	sdelay $0x2  }
0x1d3: {  	vm14 =	vnez.u8 v6;
	v6 =	vld [tilespmem:$0x1F4E0];
	v3 =	vsub.f32 v3, v7;
	_ =	sdelay $0x1  }
0x1d4: {  	vm0 =	vnez.u8 v1;
	v1 =	vmul.f32 $1.442695020e+00, v3;
	v3 =	vsub.f32 v43, v7  }
0x1d5: {  	v2 =	vadd.f32 v2, v4  }
0x1d6: {  	v4 =	vpop (erf);
	(erf) = vpow2.f32 v1;
	v1 =	vmul.f32 $1.442695020e+00, v3;
	v3 =	vsub.f32 v42, v7  }
0x1d7: {  	vm8 =	vnez.u8 v6;
	v6 =	vld [tilespmem:$0x1F500]  }
0x1d8: {  	v2 =	vadd.f32 v2, v4;
	v4 =	vpop (erf);
	(erf) = vpow2.f32 v1;
	v1 =	vmul.f32 $1.442695020e+00, v3;
	v3 =	vld [tilespmem:$0x1F590];
	_ =	sdelay $0x4  }
0x1d9: {  	vm10 =	vnez.u8 v6;
	v6 =	vld [tilespmem:$0x1F550];
	v3 =	vsub.f32 v3, v7;
	_ =	sdelay $0x1  }
0x1da: {  	v2 =	vadd.f32 v2, v4;
	v4 =	vpop (erf);
	(erf) = vpow2.f32 v1;
	v1 =	vmul.f32 $1.442695020e+00, v3;
	v3 =	vld [tilespmem:$0x1F5B0];
	_ =	sdelay $0x2  }
0x1db: {  	v0 =	vsel vm14, $0xD, v0;
	vm14 =	vnez.u8 v6;
	v6 =	vld [tilespmem:$0x1F570]  }
0x1dc: {  	v0 =	vsel vm8, $0xE, v0  }
0x1dd: {  	v0 =	vsel vm10, $0xF, v0;
	v3 =	vsub.f32 v3, v7  }
0x1de: {  	v0 =	vsel vm11, $0x10, v0  }
0x1df: {  	v2 =	vadd.f32 v2, v4;
	v4 =	vpop (erf);
	(erf) = vpow2.f32 v1;
	v1 =	vmul.f32 $1.442695020e+00, v3;
	v3 =	vld [tilespmem:$0x1F5D0]  }
0x1e0: {  	v0 =	vsel vm13, $0x11, v0;
	vm13 =	vnez.u8 v6;
	v6 =	vld [tilespmem:$0x1F580];
	_ =	sdelay $0x3  }
0x1e1: {  	v3 =	vsub.f32 v3, v7  }
0x1e2: {  	v0 =	vsel vm14, $0x12, v0;
	vm14 =	vnez.u8 v6;
	v6 =	vld [tilespmem:$0x1F5A0]  }
0x1e3: {  	v2 =	vadd.f32 v2, v4;
	v4 =	vpop (erf);
	(erf) = vpow2.f32 v1;
	v1 =	vmul.f32 $1.442695020e+00, v3;
	v3 =	vld [tilespmem:$0x1F5F0];
	_ =	sdelay $0x1  }
0x1e4: {  	v2 =	vadd.f32 v2, v4;
	v4 =	vld [tilespmem:$0x1F600]  }
0x1e5: {  	v0 =	vsel vm0, $0x13, v0  }
0x1e6: {  	v0 =	vsel vm13, $0x14, v0  }
0x1e7: {  	v0 =	vsel vm14, $0x15, v0;
	vm0 =	vnez.u8 v6;
	v3 =	vsub.f32 v3, v7  }
0x1e8: {  	v6 =	vld [tilespmem:$0x1F5C0];
	v0 =	vsel vm0, $0x16, v0  }
0x1e9: {  	vm0 =	vnez.u8 v4;
	v4 =	vpop (erf);
	(erf) = vpow2.f32 v1;
	v1 =	vmul.f32 $1.442695020e+00, v3;
	v3 =	vld [tilespmem:$0x1F610];
	_ =	sdelay $0x3  }
0x1ea: {  	vm13 =	vnez.u8 v6;
	v6 =	vld [tilespmem:$0x1F5E0]  }
0x1eb: {  	v0 =	vsel vm13, $0x17, v0;
	vm13 =	vnez.u8 v3;
	v3 =	vld [tilespmem:$0x1F620];
	_ =	sdelay $0x1  }
0x1ec: {  	v2 =	vadd.f32 v2, v4;
	v4 =	vpop (erf);
	(erf) = vpow2.f32 v1;
	v1 =	vld [tilespmem:$0x1F640];
	_ =	sdelay $0x2  }
0x1ed: {  	vm14 =	vnez.u8 v6;
	v3 =	vsub.f32 v3, v7  }
0x1ee: {  	v0 =	vsel vm14, $0x18, v0  }
0x1ef: {  	v0 =	vsel vm0, $0x19, v0;
	vm0 =	vnez.u8 v1;
	v1 =	vmul.f32 $1.442695020e+00, v3;
	v3 =	vld [tilespmem:$0x1F650];
	_ =	sdelay $0x4  }
0x1f0: {  	v3 =	vsub.f32 v3, v7;
	_ =	sdelay $0x1  }
0x1f1: {  	v2 =	vadd.f32 v2, v4;
	v4 =	vpop (erf);
	(erf) = vpow2.f32 v1;
	v1 =	vmul.f32 $1.442695020e+00, v3;
	v3 =	vld [tilespmem:$0x1F670];
	_ =	sdelay $0x4  }
0x1f2: {  	v3 =	vsub.f32 v3, v7;
	_ =	sdelay $0x1  }
0x1f3: {  	v2 =	vadd.f32 v2, v4;
	v4 =	vpop (erf);
	(erf) = vpow2.f32 v1;
	v1 =	vmul.f32 $1.442695020e+00, v3;
	v3 =	vld [tilespmem:$0x1F690];
	_ =	sdelay $0x4  }
0x1f4: {  	v6 =	vld [tilespmem:$0x1F630];
	v3 =	vsub.f32 v3, v7;
	_ =	sdelay $0x1  }
0x1f5: {  	v2 =	vadd.f32 v2, v4;
	v4 =	vpop (erf);
	(erf) = vpow2.f32 v1;
	v1 =	vmul.f32 $1.442695020e+00, v3;
	v3 =	vld [tilespmem:$0x1F6B0];
	_ =	sdelay $0x2  }
0x1f6: {  	vm14 =	vnez.u8 v6;
	v6 =	vld [tilespmem:$0x1F660];
	_ =	sdelay $0x1  }
0x1f7: {  	v3 =	vsub.f32 v3, v7;
	_ =	sdelay $0x1  }
0x1f8: {  	v2 =	vadd.f32 v2, v4;
	v4 =	vpop (erf);
	(erf) = vpow2.f32 v1;
	v1 =	vmul.f32 $1.442695020e+00, v3;
	v3 =	vld [tilespmem:$0x1F6D0]  }
0x1f9: {  	v0 =	vsel vm13, $0x1A, v0;
	vm13 =	vnez.u8 v6;
	v6 =	vld [tilespmem:$0x1F680];
	_ =	sdelay $0x3  }
0x1fa: {  	v3 =	vsub.f32 v3, v7  }
0x1fb: {  	v0 =	vsel vm14, $0x1B, v0;
	vm14 =	vnez.u8 v6;
	v6 =	vld [tilespmem:$0x1F6A0]  }
0x1fc: {  	v2 =	vadd.f32 v2, v4;
	v4 =	vpop (erf);
	(erf) = vpow2.f32 v1;
	v1 =	vmul.f32 $1.442695020e+00, v3;
	v3 =	vld [tilespmem:$0x1F6F0];
	_ =	sdelay $0x1  }
0x1fd: {  	v2 =	vadd.f32 v2, v4;
	v4 =	vld [tilespmem:$0x1F700]  }
0x1fe: {  	v0 =	vsel vm0, $0x1C, v0  }
0x1ff: {  	v0 =	vsel vm13, $0x1D, v0  }
0x200: {  	v0 =	vsel vm14, $0x1E, v0;
	vm0 =	vnez.u8 v6;
	v3 =	vsub.f32 v3, v7  }
0x201: {  	v6 =	vld [tilespmem:$0x1F6C0];
	v0 =	vsel vm0, $0x1F, v0  }
0x202: {  	vm0 =	vnez.u8 v4;
	v4 =	vpop (erf);
	(erf) = vpow2.f32 v1;
	v1 =	vmul.f32 $1.442695020e+00, v3;
	v3 =	vld [tilespmem:$0x1F710];
	_ =	sdelay $0x3  }
0x203: {  	vm13 =	vnez.u8 v6  }
0x204: {  	v0 =	vsel vm13, $0x20, v0;
	v2 =	vadd.f32 v2, v4;
	vm13 =	vnez.u8 v3;
	v3 =	vld [tilespmem:$0x1F720]  }
0x205: {  	v6 =	vld [tilespmem:$0x1F6E0];
	v4 =	vpop (erf)  }
0x206: {  	v2 =	vadd.f32 v2, v4;
	v4 =	vld [tilespmem:$0x1F750];
	_ =	sdelay $0x1  }
0x207: {  	(erf) = vpow2.f32 v1;
	v1 =	vld [tilespmem:$0x1F740]  }
0x208: {  	v3 =	vsub.f32 v3, v7  }
0x209: {  	vm14 =	vnez.u8 v6  }
0x20a: {  	v0 =	vsel vm14, $0x21, v0;
	v4 =	vsub.f32 v4, v7;
	v3 =	vmul.f32 $1.442695020e+00, v3  }
0x20b: {  	v0 =	vsel vm0, $0x22, v0  }
0x20c: {  	vm0 =	vnez.u8 v1;
	v1 =	vpop (erf);
	(erf) = vpow2.f32 v3;
	v3 =	vmul.f32 $1.442695020e+00, v4;
	v4 =	vld [tilespmem:$0x1F770];
	_ =	sdelay $0x4  }
0x20d: {  	v4 =	vsub.f32 v4, v7;
	_ =	sdelay $0x1  }
0x20e: {  	v1 =	vadd.f32 v2, v1;
	v2 =	vpop (erf);
	(erf) = vpow2.f32 v3;
	v3 =	vmul.f32 $1.442695020e+00, v4;
	v4 =	vld [tilespmem:$0x1F790];
	_ =	sdelay $0x2  }
0x20f: {  	v6 =	vld [tilespmem:$0x1F730];
	_ =	sdelay $0x1  }
0x210: {  	v4 =	vsub.f32 v4, v7;
	_ =	sdelay $0x1  }
0x211: {  	v1 =	vadd.f32 v1, v2;
	v2 =	vpop (erf);
	(erf) = vpow2.f32 v3;
	v3 =	vmul.f32 $1.442695020e+00, v4;
	v4 =	vld [tilespmem:$0x1F7B0]  }
0x212: {  	vm14 =	vnez.u8 v6;
	v6 =	vld [tilespmem:$0x1F760];
	_ =	sdelay $0x3  }
0x213: {  	v4 =	vsub.f32 v4, v7  }
0x214: {  	v0 =	vsel vm13, $0x23, v0;
	vm13 =	vnez.u8 v6;
	v6 =	vld [tilespmem:$0x1F780]  }
0x215: {  	v1 =	vadd.f32 v1, v2;
	v2 =	vpop (erf);
	(erf) = vpow2.f32 v3;
	v3 =	vmul.f32 $1.442695020e+00, v4;
	v4 =	vld [tilespmem:$0x1F7D0];
	_ =	sdelay $0x3  }
0x216: {  	v0 =	vsel vm14, $0x24, v0  }
0x217: {  	vm14 =	vnez.u8 v6;
	v6 =	vld [tilespmem:$0x1F7A0];
	v1 =	vadd.f32 v1, v2;
	v4 =	vsub.f32 v4, v7  }
0x218: {  	v2 =	vpop (erf);
	(erf) = vpow2.f32 v3;
	v3 =	vld [tilespmem:$0x1F7F0]  }
0x219: {  	v1 =	vadd.f32 v1, v2;
	v2 =	vmul.f32 $1.442695020e+00, v4;
	v4 =	vld [tilespmem:$0x1F800];
	_ =	sdelay $0x1  }
0x21a: {  	v0 =	vsel vm0, $0x25, v0  }
0x21b: {  	v0 =	vsel vm13, $0x26, v0  }
0x21c: {  	v0 =	vsel vm14, $0x27, v0;
	vm0 =	vnez.u8 v6  }
0x21d: {  	v6 =	vld [tilespmem:$0x1F7C0];
	v0 =	vsel vm0, $0x28, v0;
	v3 =	vsub.f32 v3, v7;
	vm0 =	vnez.u8 v4;
	v4 =	vpop (erf)  }
0x21e: {  	v1 =	vadd.f32 v1, v4;
	v4 =	vld [tilespmem:$0x1F820]  }
0x21f: {  	(erf) = vpow2.f32 v2;
	v2 =	vmul.f32 $1.442695020e+00, v3;
	v3 =	vld [tilespmem:$0x1F810];
	_ =	sdelay $0x3  }
0x220: {  	vm13 =	vnez.u8 v6;
	v4 =	vsub.f32 v4, v7  }
0x221: {  	v6 =	vld [tilespmem:$0x1F7E0];
	v0 =	vsel vm13, $0x29, v0;
	vm13 =	vnez.u8 v3;
	v3 =	vpop (erf)  }
0x222: {  	v1 =	vadd.f32 v1, v3;
	v3 =	vmul.f32 $1.442695020e+00, v4;
	v4 =	vld [tilespmem:$0x1F850];
	_ =	sdelay $0x1  }
0x223: {  	(erf) = vpow2.f32 v2;
	v2 =	vld [tilespmem:$0x1F840];
	_ =	sdelay $0x1  }
0x224: {  	vm14 =	vnez.u8 v6  }
0x225: {  	v0 =	vsel vm14, $0x2A, v0;
	v4 =	vsub.f32 v4, v7  }
0x226: {  	v0 =	vsel vm0, $0x2B, v0  }
0x227: {  	vm0 =	vnez.u8 v2;
	v2 =	vpop (erf);
	(erf) = vpow2.f32 v3;
	v3 =	vmul.f32 $1.442695020e+00, v4;
	v4 =	vld [tilespmem:$0x1F870];
	_ =	sdelay $0x4  }
0x228: {  	v4 =	vsub.f32 v4, v7;
	_ =	sdelay $0x1  }
0x229: {  	v1 =	vadd.f32 v1, v2;
	v2 =	vpop (erf);
	(erf) = vpow2.f32 v3;
	v3 =	vmul.f32 $1.442695020e+00, v4;
	v4 =	vld [tilespmem:$0x1F890];
	_ =	sdelay $0x2  }
0x22a: {  	v6 =	vld [tilespmem:$0x1F830];
	_ =	sdelay $0x1  }
0x22b: {  	v4 =	vsub.f32 v4, v7;
	_ =	sdelay $0x1  }
0x22c: {  	v1 =	vadd.f32 v1, v2;
	v2 =	vpop (erf);
	(erf) = vpow2.f32 v3;
	v3 =	vmul.f32 $1.442695020e+00, v4;
	v4 =	vld [tilespmem:$0x1F8B0]  }
0x22d: {  	vm14 =	vnez.u8 v6;
	v6 =	vld [tilespmem:$0x1F860];
	_ =	sdelay $0x3  }
0x22e: {  	v4 =	vsub.f32 v4, v7  }
0x22f: {  	v0 =	vsel vm13, $0x2C, v0;
	vm13 =	vnez.u8 v6;
	v6 =	vld [tilespmem:$0x1F880]  }
0x230: {  	v1 =	vadd.f32 v1, v2;
	v2 =	vpop (erf);
	(erf) = vpow2.f32 v3;
	v3 =	vmul.f32 $1.442695020e+00, v4;
	v4 =	vld [tilespmem:$0x1F8D0];
	_ =	sdelay $0x3  }
0x231: {  	v0 =	vsel vm14, $0x2D, v0  }
0x232: {  	vm14 =	vnez.u8 v6;
	v6 =	vld [tilespmem:$0x1F8A0];
	v1 =	vadd.f32 v1, v2;
	v4 =	vsub.f32 v4, v7  }
0x233: {  	v2 =	vpop (erf);
	(erf) = vpow2.f32 v3;
	v3 =	vld [tilespmem:$0x1F8F0]  }
0x234: {  	v1 =	vadd.f32 v1, v2;
	v2 =	vmul.f32 $1.442695020e+00, v4;
	v4 =	vld [tilespmem:$0x1F900];
	_ =	sdelay $0x1  }
0x235: {  	v0 =	vsel vm0, $0x2E, v0  }
0x236: {  	v0 =	vsel vm13, $0x2F, v0  }
0x237: {  	v0 =	vsel vm14, $0x30, v0;
	vm0 =	vnez.u8 v6  }
0x238: {  	v6 =	vld [tilespmem:$0x1F8C0];
	v0 =	vsel vm0, $0x31, v0;
	v3 =	vsub.f32 v3, v7;
	vm0 =	vnez.u8 v4;
	v4 =	vpop (erf)  }
0x239: {  	v1 =	vadd.f32 v1, v4;
	v4 =	vld [tilespmem:$0x1F920]  }
0x23a: {  	(erf) = vpow2.f32 v2;
	v2 =	vmul.f32 $1.442695020e+00, v3;
	v3 =	vld [tilespmem:$0x1F910];
	_ =	sdelay $0x3  }
0x23b: {  	vm13 =	vnez.u8 v6;
	v4 =	vsub.f32 v4, v7  }
0x23c: {  	v6 =	vld [tilespmem:$0x1F8E0];
	v0 =	vsel vm13, $0x32, v0;
	vm13 =	vnez.u8 v3;
	v3 =	vpop (erf)  }
0x23d: {  	v1 =	vadd.f32 v1, v3;
	v3 =	vmul.f32 $1.442695020e+00, v4;
	v4 =	vld [tilespmem:$0x1F950];
	_ =	sdelay $0x1  }
0x23e: {  	(erf) = vpow2.f32 v2;
	v2 =	vld [tilespmem:$0x1F940];
	_ =	sdelay $0x1  }
0x23f: {  	vm14 =	vnez.u8 v6  }
0x240: {  	v0 =	vsel vm14, $0x33, v0;
	v4 =	vsub.f32 v4, v7  }
0x241: {  	v0 =	vsel vm0, $0x34, v0  }
0x242: {  	vm0 =	vnez.u8 v2;
	v2 =	vpop (erf);
	(erf) = vpow2.f32 v3;
	v3 =	vmul.f32 $1.442695020e+00, v4;
	v4 =	vld [tilespmem:$0x1F970];
	_ =	sdelay $0x4  }
0x243: {  	v4 =	vsub.f32 v4, v7;
	_ =	sdelay $0x1  }
0x244: {  	v1 =	vadd.f32 v1, v2;
	v2 =	vpop (erf);
	(erf) = vpow2.f32 v3;
	v3 =	vmul.f32 $1.442695020e+00, v4;
	v4 =	vld [tilespmem:$0x1F990];
	_ =	sdelay $0x2  }
0x245: {  	v6 =	vld [tilespmem:$0x1F930];
	_ =	sdelay $0x1  }
0x246: {  	v4 =	vsub.f32 v4, v7;
	_ =	sdelay $0x1  }
0x247: {  	v1 =	vadd.f32 v1, v2;
	v2 =	vpop (erf);
	(erf) = vpow2.f32 v3;
	v3 =	vmul.f32 $1.442695020e+00, v4;
	v4 =	vld [tilespmem:$0x1F9B0]  }
0x248: {  	vm14 =	vnez.u8 v6;
	v6 =	vld [tilespmem:$0x1F960];
	_ =	sdelay $0x3  }
0x249: {  	v4 =	vsub.f32 v4, v7  }
0x24a: {  	v0 =	vsel vm13, $0x35, v0;
	vm13 =	vnez.u8 v6;
	v6 =	vld [tilespmem:$0x1F980]  }
0x24b: {  	v1 =	vadd.f32 v1, v2;
	v2 =	vpop (erf);
	(erf) = vpow2.f32 v3;
	v3 =	vmul.f32 $1.442695020e+00, v4;
	v4 =	vld [tilespmem:$0x1F9D0];
	_ =	sdelay $0x3  }
0x24c: {  	v0 =	vsel vm14, $0x36, v0  }
0x24d: {  	vm14 =	vnez.u8 v6;
	v6 =	vld [tilespmem:$0x1F9A0];
	v1 =	vadd.f32 v1, v2;
	v4 =	vsub.f32 v4, v7  }
0x24e: {  	v2 =	vpop (erf);
	(erf) = vpow2.f32 v3;
	v3 =	vld [tilespmem:$0x1F9F0]  }
0x24f: {  	v1 =	vadd.f32 v1, v2;
	v2 =	vmul.f32 $1.442695020e+00, v4;
	v4 =	vld [tilespmem:$0x1FA00];
	_ =	sdelay $0x1  }
0x250: {  	v0 =	vsel vm0, $0x37, v0  }
0x251: {  	v0 =	vsel vm13, $0x38, v0  }
0x252: {  	v0 =	vsel vm14, $0x39, v0;
	vm0 =	vnez.u8 v6  }
0x253: {  	v6 =	vld [tilespmem:$0x1F9C0];
	v0 =	vsel vm0, $0x3A, v0;
	v3 =	vsub.f32 v3, v7;
	vm0 =	vnez.u8 v4;
	v4 =	vpop (erf)  }
0x254: {  	v1 =	vadd.f32 v1, v4;
	v4 =	vld [tilespmem:$0x1FA20]  }
0x255: {  	(erf) = vpow2.f32 v2;
	v2 =	vmul.f32 $1.442695020e+00, v3;
	v3 =	vld [tilespmem:$0x1FA10];
	_ =	sdelay $0x3  }
0x256: {  	vm13 =	vnez.u8 v6;
	v4 =	vsub.f32 v4, v7  }
0x257: {  	v6 =	vld [tilespmem:$0x1F9E0];
	v0 =	vsel vm13, $0x3B, v0;
	vm13 =	vnez.u8 v3;
	v3 =	vpop (erf)  }
0x258: {  	v1 =	vadd.f32 v1, v3;
	v3 =	vmul.f32 $1.442695020e+00, v4;
	v4 =	vld [tilespmem:$0x1FA50];
	_ =	sdelay $0x1  }
0x259: {  	(erf) = vpow2.f32 v2;
	v2 =	vld [tilespmem:$0x1FA40];
	_ =	sdelay $0x1  }
0x25a: {  	vm14 =	vnez.u8 v6  }
0x25b: {  	v0 =	vsel vm14, $0x3C, v0;
	v4 =	vsub.f32 v4, v7  }
0x25c: {  	[tilespmem:$0x1FA70] =	vst v46;
	v0 =	vsel vm0, $0x3D, v0  }
0x25d: {  	vm0 =	vnez.u8 v2;
	v2 =	vpop (erf);
	(erf) = vpow2.f32 v3;
	v3 =	vmul.f32 $1.442695020e+00, v4;
	v4 =	vld [tilespmem:$0x1FA70];
	_ =	sdelay $0x4  }
0x25e: {  	v4 =	vsub.f32 v4, v7;
	_ =	sdelay $0x1  }
0x25f: {  	v1 =	vadd.f32 v1, v2;
	v2 =	vpop (erf);
	(erf) = vpow2.f32 v3;
	v3 =	vmul.f32 $1.442695020e+00, v4;
	v4 =	vld [tilespmem:$0x1FA90];
	_ =	sdelay $0x2  }
0x260: {  	v6 =	vld [tilespmem:$0x1FA30];
	_ =	sdelay $0x1  }
0x261: {  	v4 =	vsub.f32 v4, v7  }
0x262: {  	[tilespmem:$0x1FAB0] =	vst v45  }
0x263: {  	v1 =	vadd.f32 v1, v2;
	v2 =	vpop (erf);
	(erf) = vpow2.f32 v3;
	v3 =	vmul.f32 $1.442695020e+00, v4;
	v4 =	vld [tilespmem:$0x1FAB0]  }
0x264: {  	vm14 =	vnez.u8 v6;
	v6 =	vld [tilespmem:$0x1FA60];
	_ =	sdelay $0x3  }
0x265: {  	v4 =	vsub.f32 v4, v7  }
0x266: {  	v0 =	vsel vm13, $0x3E, v0;
	vm13 =	vnez.u8 v6;
	v6 =	vld [tilespmem:$0x1FA80]  }
0x267: {  	v1 =	vadd.f32 v1, v2;
	v2 =	vpop (erf);
	(erf) = vpow2.f32 v3;
	v3 =	vmul.f32 $1.442695020e+00, v4;
	v4 =	vld [tilespmem:$0x1FAD0];
	_ =	sdelay $0x4  }
0x268: {  	v0 =	vsel vm14, $0x3F, v0;
	vm14 =	vnez.u8 v6;
	v6 =	vld [tilespmem:$0x1FAA0];
	v4 =	vsub.f32 v4, v7  }
0x269: {  	v1 =	vadd.f32 v1, v2  }
0x26a: {  	v2 =	vpop (erf);
	(erf) = vpow2.f32 v3;
	v3 =	vmul.f32 $1.442695020e+00, v4;
	v4 =	vld [tilespmem:$0x1FB00]  }
0x26b: {  	v1 =	vadd.f32 v1, v2;
	v2 =	vld [tilespmem:$0x1FAF0]  }
0x26c: {  	v0 =	vsel vm0, $0x40, v0  }
0x26d: {  	v0 =	vsel vm13, $0x41, v0;
	vm0 =	vnez.u8 v6;
	v6 =	vld [tilespmem:$0x1FAC0]  }
0x26e: {  	v0 =	vsel vm14, $0x42, v0  }
0x26f: {  	v0 =	vsel vm0, $0x43, v0;
	vm0 =	vnez.u8 v4;
	v4 =	vpop (erf);
	(erf) = vpow2.f32 v3;
	v3 =	vld [tilespmem:$0x1FB10]  }
0x270: {  	v2 =	vsub.f32 v2, v7;
	_ =	sdelay $0x1  }
0x271: {  	vm13 =	vnez.u8 v6;
	v6 =	vld [tilespmem:$0x1FAE0];
	v2 =	vmul.f32 $1.442695020e+00, v2;
	_ =	sdelay $0x1  }
0x272: {  	v0 =	vsel vm13, $0x44, v0;
	vm13 =	vnez.u8 v3;
	v3 =	vpop (erf);
	(erf) = vpow2.f32 v2;
	v2 =	vld [tilespmem:$0x1FB30];
	_ =	sdelay $0x1  }
0x273: {  	v1 =	vadd.f32 v1, v4  }
0x274: {  	v46 =	vld [tilespmem:$0x1FF80];
	vm14 =	vnez.u8 v6  }
0x275: {  	v41 =	vld [tilespmem:$0x1FF30];
	v0 =	vsel vm14, $0x45, v0;
	v1 =	vadd.f32 v1, v3  }
0x276: {  	v0 =	vsel vm0, $0x46, v0;
	v4 =	vld [tilespmem:$0x1FB20];
	vm0 =	vnez.u8 v2;
	v2 =	vpop (erf)  }
0x277: {  	v1 =	vadd.f32 v1, v2;
	v2 =	vld [tilespmem:$0x1FB50]  }
0x278: {  	v45 =	vld [tilespmem:$0x1FF60]  }
0x279: {  	v44 =	vld [tilespmem:$0x1FD30]  }
0x27a: {  	v9 =	vld [tilespmem:$0x1FD50]  }
0x27b: {  	v11 =	vld [tilespmem:$0x1FD60];
	v0 =	vsel vm13, $0x47, v0;
	vm14 =	vnez.u8 v4  }
0x27c: {  	v3 =	vld [tilespmem:$0x1FB40];
	v0 =	vsel vm14, $0x48, v0;
	vm14 =	vnez.u8 v2;
	v2 =	vpop (erf)  }
0x27d: {  	v1 =	vadd.f32 v1, v2;
	v2 =	vld [tilespmem:$0x1FB70]  }
0x27e: {  	v13 =	vld [tilespmem:$0x1FD70]  }
0x27f: {  	v14 =	vld [tilespmem:$0x1FD80]  }
0x280: {  	v15 =	vld [tilespmem:$0x1FD90]  }
0x281: {  	v16 =	vld [tilespmem:$0x1FDA0];
	v0 =	vsel vm0, $0x49, v0;
	vm13 =	vnez.u8 v3  }
0x282: {  	v3 =	vld [tilespmem:$0x1FB60];
	v0 =	vsel vm13, $0x4A, v0;
	vm13 =	vnez.u8 v2;
	v2 =	vpop (erf)  }
0x283: {  	v1 =	vadd.f32 v1, v2;
	v2 =	vld [tilespmem:$0x1FB90]  }
0x284: {  	v17 =	vld [tilespmem:$0x1FDB0]  }
0x285: {  	v18 =	vld [tilespmem:$0x1FDC0]  }
0x286: {  	v19 =	vld [tilespmem:$0x1FDD0]  }
0x287: {  	v20 =	vld [tilespmem:$0x1FDE0];
	vm0 =	vnez.u8 v3;
	v0 =	vsel vm14, $0x4B, v0  }
0x288: {  	v3 =	vld [tilespmem:$0x1FB80];
	v0 =	vsel vm0, $0x4C, v0;
	vm0 =	vnez.u8 v2;
	v2 =	vpop (erf)  }
0x289: {  	v1 =	vadd.f32 v1, v2;
	v2 =	vld [tilespmem:$0x1FBB0]  }
0x28a: {  	v21 =	vld [tilespmem:$0x1FDF0]  }
0x28b: {  	v22 =	vld [tilespmem:$0x1FE00]  }
0x28c: {  	v23 =	vld [tilespmem:$0x1FE10]  }
0x28d: {  	vm14 =	vnez.u8 v3;
	v3 =	vld [tilespmem:$0x1FBA0];
	v0 =	vsel vm13, $0x4D, v0  }
0x28e: {  	v24 =	vld [tilespmem:$0x1FE20];
	v0 =	vsel vm14, $0x4E, v0;
	vm14 =	vnez.u8 v2;
	v2 =	vpop (erf)  }
0x28f: {  	v1 =	vadd.f32 v1, v2;
	v2 =	vld [tilespmem:$0x1FBD0]  }
0x290: {  	v25 =	vld [tilespmem:$0x1FE30]  }
0x291: {  	v26 =	vld [tilespmem:$0x1FE40]  }
0x292: {  	vm13 =	vnez.u8 v3;
	v3 =	vld [tilespmem:$0x1FBC0];
	(erf) = vrcp.f32 v1  }
0x293: {  	v27 =	vld [tilespmem:$0x1FE50];
	v0 =	vsel vm0, $0x4F, v0  }
0x294: {  	v0 =	vsel vm13, $0x50, v0;
	vm13 =	vnez.u8 v2;
	v2 =	vld [tilespmem:$0x1FBE0]  }
0x295: {  	v28 =	vld [tilespmem:$0x1FE60]  }
0x296: {  	v29 =	vld [tilespmem:$0x1FE70]  }
0x297: {  	v30 =	vld [tilespmem:$0x1FE80];
	vm0 =	vnez.u8 v3;
	v0 =	vsel vm14, $0x51, v0  }
0x298: {  	v31 =	vld [tilespmem:$0x1FE90];
	v0 =	vsel vm0, $0x52, v0  }
0x299: {  	v32 =	vld [tilespmem:$0x1FEA0];
	v0 =	vsel vm13, $0x53, v0;
	vm14 =	vnez.u8 v2  }
0x29a: {  	v33 =	vld [tilespmem:$0x1FEB0];
	v0 =	vsel vm14, $0x54, v0  }
0x29b: {  	v34 =	vld [tilespmem:$0x1FEC0];
	v1 =	vpop (erf);
	v0 =	vsel vm15, $0x55, v0  }
0x29c: {  	vm8 =	vge.f32 v1, $6.666667010e-02;
	vm10 =	vge.f32 v1, $2.000000030e-01;
	vm11 =	vge.f32 v1, $2.666666810e-01  }
0x29d: {  	v6 =	vld [tilespmem:$0x1FC00];
	vm13 =	vge.f32 v1, $4.000000060e-01;
	vm14 =	vge.f32 v1, $4.666666690e-01;
	v0 =	vsel vm12, $0x56, v0  }
0x29e: {  	v35 =	vld [tilespmem:$0x1FED0];
	vm15 =	vge.f32 v1, $5.333333610e-01;
	v0 =	vsel vm9, $0x57, v0;
	vm9 =	vge.f32 v1, $1.333333400e-01  }
0x29f: {  	v36 =	vld [tilespmem:$0x1FEE0];
	v2 =	vsel vm8, $0x1, v5;
	vm12 =	vge.f32 v1, $3.333333430e-01;
	v3 =	vsel vm9, $0x1, v5  }
0x2a0: {  	v37 =	vld [tilespmem:$0x1FEF0];
	vm8 =	vge.f32 v1, $8.666666740e-01;
	v2 =	vadd.s32 v3, v2;
	v3 =	vsel vm10, $0x1, v5  }
0x2a1: {  	v38 =	vld [tilespmem:$0x1FF00];
	v0 =	vsel vm7, $0x58, v0;
	v2 =	vadd.s32 v3, v2;
	v3 =	vsel vm11, $0x1, v5  }
0x2a2: {  	v2 =	vadd.s32 v3, v2;
	v3 =	vsel vm12, $0x1, v5;
	vm12 =	vnez.u8 v6;
	v6 =	vld [tilespmem:$0x1FC10]  }
0x2a3: {  	v39 =	vld [tilespmem:$0x1FF10];
	vm7 =	vge.f32 v1, $8.000000110e-01;
	vm9 =	vge.f32 v1, $9.333333370e-01;
	v0 =	vsel vm6, $0x59, v0  }
0x2a4: {  	v4 =	vld [tilespmem:$0x1FBF0];
	vm6 =	vge.f32 v1, $7.333333490e-01;
	vm10 =	vge.f32 v1, $1.000000000e+00;
	v0 =	vsel vm5, $0x5A, v0  }
0x2a5: {  	v40 =	vld [tilespmem:$0x1FF20];
	v0 =	vsel vm4, $0x5B, v0;
	v2 =	vadd.s32 v3, v2;
	v3 =	vsel vm13, $0x1, v5  }
0x2a6: {  	v57 =	vld [tilespmem:$0x1FF90];
	vm4 =	vge.f32 v1, $6.000000240e-01;
	v2 =	vadd.s32 v3, v2;
	v3 =	vsel vm14, $0x1, v5  }
0x2a7: {  	v2 =	vadd.s32 v3, v2;
	v3 =	vsel vm15, $0x1, v5;
	vm13 =	vnez.u8 v6;
	v6 =	vld [tilespmem:$0x1FC20]  }
0x2a8: {  	v56 =	vld [tilespmem:$0x1FF70];
	vm5 =	vge.f32 v1, $6.666666860e-01;
	v2 =	vadd.s32 v3, v2;
	v3 =	vsel vm4, $0x1, v5  }
0x2a9: {  	v55 =	vld [tilespmem:$0x1FFF0];
	vm11 =	vnez.u8 v4;
	v2 =	vadd.s32 v3, v2;
	v3 =	vsel vm5, $0x1, v5  }
0x2aa: {  	v54 =	vld [tilespmem:$0x1FFE0];
	v0 =	vsel vm3, $0x5C, v0;
	v2 =	vadd.s32 v3, v2;
	v3 =	vsel vm6, $0x1, v5  }
0x2ab: {  	v53 =	vld [tilespmem:$0x1FFD0];
	v0 =	vsel vm2, $0x5D, v0;
	v2 =	vadd.s32 v3, v2;
	v3 =	vsel vm7, $0x1, v5  }
0x2ac: {  	v2 =	vadd.s32 v3, v2;
	v3 =	vsel vm8, $0x1, v5;
	vm14 =	vnez.u8 v6;
	v6 =	vld [tilespmem:$0x1FC30]  }
0x2ad: {  	v52 =	vld [tilespmem:$0x1FFC0];
	v0 =	vsel vm1, $0x5E, v0;
	v2 =	vadd.s32 v3, v2;
	v3 =	vsel vm9, $0x1, v5  }
0x2ae: {  	v4 =	vsel vm10, $0x1, v5;
	v0 =	vsel vm11, $0x5F, v0;
	v2 =	vadd.s32 v3, v2;
	v3 =	vld [tilespmem:s15+$0x0]  }
0x2af: {  	v51 =	vld [tilespmem:$0x1FFB0];
	v0 =	vsel vm12, $0x60, v0;
	v2 =	vadd.s32 v4, v2  }
0x2b0: {  	v50 =	vld [tilespmem:$0x1FFA0];
	v0 =	vsel vm13, $0x61, v0;
	v4 =	vlaneseq.u32;
	v2 =	vmin.u32 v2, $0xE  }
0x2b1: {  	v43 =	vld [tilespmem:$0x1FF50];
	v0 =	vsel vm14, $0x62, v0;
	v2 =	vshll.u32 v2, $0x4;
	vm15 =	vnez.u8 v6  }
0x2b2: {  	p0 =	sne.s32 s14, $0xC1C0;
	v42 =	vld [tilespmem:$0x1FF40];
	v2 =	vor.u32 v4, v2;
	v0 =	vsel vm15, $0x63, v0  }
.Ltmp0:
0x2b3: {  	v7 =	vld [tilespmem:$0x1FD40];
	vm0 =	veq.s32 v0, v3;
	(pc) =	sbr.rel @p0 .LBB2_3-.Ltmp0, $4  }
0x2b4: {  	v4 =	vld [tilespmem:$0x1FD10];
	v0 =	vsel vm0, $0x3F800000, v5  }
0x2b5: {  	v5 =	vld [tilespmem:$0x1FD20];
	v0 =	vsub.f32 v1, v0  }
0x2b6: {  	v1 =	vld [tilespmem:$0x1FCF0]  }
0x2b7: {  	s14 =	sadd.s32 $0x640, s14;
	s15 =	sadd.s32 $0x10, s15;
	[tilespmem:v2+s9+$0x0] =	vst.idx.add.f32.msk $0xffff, v0  }
0x2b8: {  	s13 =	sadd.s32 $0x1, s13  }
0x2b9: {  	p0 =	sne.s32 s13, $0x10  }
.Ltmp1:
0x2ba: {  	_ = 	snop;
	(pc) =	sbr.rel @p0 .LBB2_2-.Ltmp1, $1  }
0x2bb: {  	_ =	sdelay $0x3  }
0x2bc: {  	s12 =	sadd.s32 $0x1, s12  }
0x2bd: {  	p0 =	sne.s32 s12, s7  }
.Ltmp2:
0x2be: {  	_ = 	snop;
	(pc) =	sbr.rel @p0 .LBB2_1-.Ltmp2, $4  }
0x2bf: {  	[hbm4b:s6+s10] =	stream.strided.scatter [tilespmem:s9], [sflag:$0x1], $0x100, s11, s10, $0x38;
	[tilespmem:$0xCB00] =	vst v63  }
0x2c0: {  	_ =	swait.ge [sflag:s8], $0x100  }
0x2c1: {  	[sflag:s8] =	ssyncset.done $0x0  }
0x2c2: {  	[sflag:s8] =	ssyncadd.s32 $0xFFFFFF00  }
0x2c3: {  	_ =	sfence.sel $0x180000  }
0x2c4: {  	[bflag:$0x0] =	sbarrier.arrive $0xFFFF  }
0x2c5: {  	p0 =	sne.s32 s2, $0x0;
	_ =	strace $0x90000047  }
0x2c6: {  	s0 =	sadd.s32 @!p0 $0x100000, s0;
	[bflag:$0x2] =	sbarrier.arrive $0xFFFF  }
0x2c7: {  	[sflag:s0] =	ssyncadd.tile.s32 @!p0 $0x1;
	_ =	shalt  }
.Lfunc_end2:
_tile_overlayer_lowered:
.L_overlay_start_2:
0x2c8: {  	(tag) =	ssettag $0x2  }
0x2c9: {  	s0 =	rddreg [dreg:$0x0];
	s2 =	stileid.u32  }
0x2ca: {  	s1 =	rddreg [dreg:$0x1];
	p0 =	sne.s32 s2, $0x0  }
0x2cb: {  	s3 =	rddreg [dreg:$0x2];
	[bflag:$0x3] =	sbarrier.arrive $0xFFFF;
	s2 =	simm.s32 @!p0 $0x1C01  }
0x2cc: {  	[timem:s3], [sflag:s2] =	dma.local @!p0 [hbm:s0], s1  }
0x2cd: {  	s0 =	simm.s32 @!p0 $0x1  }
0x2ce: {  	_ =	swait.ge @!p0 [sflag:s0], s1  }
0x2cf: {  	s1 =	ssub.s32 @!p0 $0x0, s1;
	[sflag:s0] =	ssyncset.done @!p0 $0x0  }
0x2d0: {  	[sflag:s0] =	ssyncadd.s32 @!p0 s1  }
0x2d1: {  	[bflag:$0x3] =	sbarrier.arrive $0xFFFF  }
0x2d2: {  	_ =	shalt  }

</sc_bundles>
